<compile_context>
chip_gen: v7x
topology: tpu7x:2x2x1
jax: 0.10.2.dev20260603
libtpu: 0.0.44.dev20260713+nightly
codegen_flags: <defaults>
</compile_context>

<pallas_src>
import functools

import jax
import jax.numpy as jnp
from jax import lax
from jax.experimental import pallas as pl
from jax.experimental.pallas import tpu as pltpu
from jax.experimental.pallas import tpu_sc as plsc

N = 9216
K = 8192
C = 256

TN = 512
TG = 2048
CH = 128
N_SUB = K // TG
N_CH = TG // CH

NH = N // 2
H_TILES = NH // TN


def _vq_body(x_ref, e_ref, out_ref, et_s, c_s):
    @pl.when(pl.program_id(0) == 0)
    def _():
        et = jnp.transpose(e_ref[...], (1, 0))
        et_s[...] = et
        c_s[...] = jnp.sum(et * et, axis=0, keepdims=True)

    et_ref = et_s
    c_ref = c_s
    x = x_ref[...]

    x2 = x + x
    a = jnp.sum(x * x, axis=1, keepdims=True)

    m2s = [
        jnp.dot(x2, et_ref[:, pl.ds(g * TG, TG)],
                preferred_element_type=jnp.float32)
        for g in range(N_SUB)
    ]

    bv = None
    bi = None
    for g in range(N_SUB):
        m2 = m2s[g]
        for j in range(N_CH):
            mj = lax.slice(m2, (0, j * CH), (TN, (j + 1) * CH))
            cj = c_ref[0, pl.ds(g * TG + j * CH, CH)]
            t = a - mj + cj
            base = g * TG + j * CH
            if bv is None:
                bv = t
                bi = jnp.zeros((TN, CH), jnp.int32)
            else:
                upd = t < bv
                bv = jnp.where(upd, t, bv)
                bi = jnp.where(upd, base, bi)

    gmin = jnp.min(bv, axis=1, keepdims=True)
    lane = lax.broadcasted_iota(jnp.int32, (TN, CH), 1)
    cand = jnp.where(bv == gmin, bi + lane, K)
    res = jnp.min(cand, axis=1, keepdims=True)
    out_ref[...] = jnp.reshape(res.T, (TN,))


def _vq_argmax(flat, embed, tile0):
    return pl.pallas_call(
        _vq_body,
        grid=(H_TILES,),
        in_specs=[
            pl.BlockSpec((TN, C), lambda n: (n + tile0, 0)),
            pl.BlockSpec((K, C), lambda n: (0, 0)),
        ],
        out_specs=pl.BlockSpec((TN,), lambda n: (n,)),
        out_shape=jax.ShapeDtypeStruct((NH,), jnp.int32),
        scratch_shapes=[
            pltpu.VMEM((C, K), jnp.float32),
            pltpu.VMEM((1, K), jnp.float32),
        ],
        compiler_params=pltpu.CompilerParams(
            dimension_semantics=("arbitrary",),
        ),
    )(flat, embed)


_info = plsc.get_sparse_core_info()
_NC, _NS = _info.num_cores, _info.num_subcores
_NW = _NC * _NS
_BPW = NH // _NW
_GCH = 72
_NCH = _BPW // _GCH


@functools.partial(
    pl.kernel,
    mesh=plsc.VectorSubcoreMesh(core_axis_name="c", subcore_axis_name="s"),
    out_type=jax.ShapeDtypeStruct((NH, C), jnp.float32),
    scratch_types=[
        pltpu.VMEM((_BPW,), jnp.int32),
        pltpu.VMEM((_BPW, C), jnp.float32),
        pltpu.SemaphoreType.DMA,
    ],
)
def _sc_gather(table_hbm, idx_hbm, out_hbm, idx_v, rows_v, sem):
    wid = lax.axis_index("s") * _NC + lax.axis_index("c")
    base = wid * _BPW
    pltpu.sync_copy(idx_hbm.at[pl.ds(base, _BPW)], idx_v)
    copies = []
    for j in range(_NCH):
        copies.append(pltpu.async_copy(
            table_hbm.at[idx_v.at[pl.ds(j * _GCH, _GCH)]],
            rows_v.at[pl.ds(j * _GCH, _GCH)],
            sem,
        ))
    for cp in copies:
        cp.wait()
    pltpu.sync_copy(rows_v, out_hbm.at[pl.ds(base, _BPW)])


def kernel(x, embed):
    Bb, Tt, Cc = x.shape
    flat = x.reshape(Bb * Tt, Cc)
    idx1 = _vq_argmax(flat, embed, 0)
    q1 = _sc_gather(embed, idx1)
    idx2 = _vq_argmax(flat, embed, H_TILES)
    q2 = _sc_gather(embed, idx2)
    return jnp.concatenate([q1, q2], axis=0).reshape(Bb, Tt, Cc)

# --- scband reference (transcript-rebuilt; emitter-appended) ---
"""Pipeline reference for scband-euclidean-codebook-88510686036498 (READ-ONLY COPY).

The authoritative reference and input builder live on the scoring server;
editing this copy changes nothing except your own understanding.
"""

import jax, jax.numpy as jnp
import numpy as np

CODEBOOK_SIZE = 8192
DIM = 256
B, T = 16, 576

def setup_inputs(seed: int = 0) -> dict:
    key = jax.random.key(seed)
    kx, ke = jax.random.split(key)
    x = jax.random.normal(kx, (B, T, DIM), dtype=jnp.float32)
    embed = jax.random.normal(ke, (CODEBOOK_SIZE, DIM), dtype=jnp.float32)
    return {"x": x, "embed": embed}

def reference(x, embed):
    Bb, Tt, C = x.shape
    flatten = x.reshape(Bb * Tt, C)
    embed_t = embed.T  # [C, K]
    distance = -(jnp.sum(flatten ** 2, axis=1, keepdims=True)
                 - 2.0 * (flatten @ embed_t)
                 + jnp.sum(embed_t ** 2, axis=0, keepdims=True))
    embed_ind = jnp.argmax(distance, axis=-1)
    embed_ind = embed_ind.reshape(Bb, Tt)
    quantize = jnp.take(embed, embed_ind, axis=0)  # F.embedding
    return quantize

if __name__ == "__main__":
    import jax
    _d = setup_inputs()
    print(jax.jit(kernel)(*tuple(_d.values())))

</pallas_src>

<mosaic_0001>
#map = affine_map<(d0, d1) -> (0, 0)>
#map1 = affine_map<(d0, d1) -> (0)>
module attributes {stable_mosaic.version = 14 : i64} {
  func.func @_sc_gather(%arg0: i32, %arg1: i32, %arg2: memref<8192x256xf32, #tpu.memory_space<hbm>>, %arg3: memref<4608xi32, #tpu.memory_space<hbm>>, %arg4: memref<4608x256xf32, #tpu.memory_space<hbm>>, %arg5: memref<144xi32, #tpu.memory_space<vmem>>, %arg6: memref<144x256xf32, #tpu.memory_space<vmem>>, %arg7: memref<!tpu.dma_semaphore, #tpu.memory_space<semaphore_mem>>) attributes {dimension_semantics = [#tpu.dimension_semantics<core_parallel>, #tpu.dimension_semantics<subcore_parallel>], iteration_bounds = array<i64: 2, 16>, scalar_prefetch = 0 : i64, scratch_operands = 3 : i64, tpu.core_type = #tpu.core_type<sc_vector_subcore>, window_params = [{transform_indices = #map}, {transform_indices = #map1}, {transform_indices = #map}]} {
    %mul3A = arith.constant 2 : i32
    %mul3A_0 = arith.muli %arg1, %mul3A : i32
    %add3A = arith.addi %mul3A_0, %arg0 : i32
    %mul3A_1 = arith.constant 144 : i32
    %mul3A_2 = arith.muli %add3A, %mul3A_1 : i32
    "tpu.region"() ({
      %run_scoped3A = tpu.sem_alloc : memref<!tpu.dma_semaphore, #tpu.memory_space<semaphore_mem>>
      %dma_start3A_33 = tpu.memref_slice %arg3[%mul3A_2] : memref<4608xi32, #tpu.memory_space<hbm>> -> memref<144xi32, #tpu.memory_space<hbm>>
      %dma_start3A_34 = tpu.memref_slice %arg3[%mul3A_2] : memref<4608xi32, #tpu.memory_space<hbm>> -> memref<144xi32, #tpu.memory_space<hbm>>
      tpu.enqueue_dma source(%dma_start3A_34 : memref<144xi32, #tpu.memory_space<hbm>>) target(%arg5 : memref<144xi32, #tpu.memory_space<vmem>>) target_semaphore(%run_scoped3A : memref<!tpu.dma_semaphore, #tpu.memory_space<semaphore_mem>>)
      %dma_wait3A_35 = tpu.memref_slice %arg3[%mul3A_2] : memref<4608xi32, #tpu.memory_space<hbm>> -> memref<144xi32, #tpu.memory_space<hbm>>
      %dma_wait3A_36 = tpu.memref_slice %arg3[%mul3A_2] : memref<4608xi32, #tpu.memory_space<hbm>> -> memref<144xi32, #tpu.memory_space<hbm>>
      tpu.wait_dma2 semaphore(%run_scoped3A : memref<!tpu.dma_semaphore, #tpu.memory_space<semaphore_mem>>) src(%dma_wait3A_36 : memref<144xi32, #tpu.memory_space<hbm>>) dst(%arg5 : memref<144xi32, #tpu.memory_space<vmem>>)
      tpu.yield
    }) : () -> ()
    %dma_start3A = arith.constant 0 : i32
    %dma_start3A_3 = arith.constant 0 : i32
    %dma_start3A_4 = tpu.memref_slice %arg6[%dma_start3A, %dma_start3A_3] : memref<144x256xf32, #tpu.memory_space<vmem>> -> memref<72x256xf32, #tpu.memory_space<vmem>>
    %dma_start3A_5 = arith.constant 0 : i32
    %dma_start3A_6 = tpu.memref_slice %arg5[%dma_start3A_5] : memref<144xi32, #tpu.memory_space<vmem>> -> memref<72xi32, #tpu.memory_space<vmem>>
    %dma_start3A_7 = arith.constant 0 : i32
    %dma_start3A_8 = arith.constant 0 : i32
    %dma_start3A_9 = tpu.memref_slice %arg2[%dma_start3A_7, %dma_start3A_8] : memref<8192x256xf32, #tpu.memory_space<hbm>> -> memref<8192x256xf32, #tpu.memory_space<hbm>>
    tpu.enqueue_indirect_dma source(%dma_start3A_9 : memref<8192x256xf32, #tpu.memory_space<hbm>>) target(%dma_start3A_4 : memref<72x256xf32, #tpu.memory_space<vmem>>) offsets(%dma_start3A_6 : memref<72xi32, #tpu.memory_space<vmem>>) semaphore(%arg7 : memref<!tpu.dma_semaphore, #tpu.memory_space<semaphore_mem>>)
    %dma_start3A_10 = arith.constant 72 : i32
    %dma_start3A_11 = arith.constant 0 : i32
    %dma_start3A_12 = tpu.memref_slice %arg6[%dma_start3A_10, %dma_start3A_11] : memref<144x256xf32, #tpu.memory_space<vmem>> -> memref<72x256xf32, #tpu.memory_space<vmem>>
    %dma_start3A_13 = arith.constant 72 : i32
    %dma_start3A_14 = tpu.memref_slice %arg5[%dma_start3A_13] : memref<144xi32, #tpu.memory_space<vmem>> -> memref<72xi32, #tpu.memory_space<vmem>>
    %dma_start3A_15 = arith.constant 0 : i32
    %dma_start3A_16 = arith.constant 0 : i32
    %dma_start3A_17 = tpu.memref_slice %arg2[%dma_start3A_15, %dma_start3A_16] : memref<8192x256xf32, #tpu.memory_space<hbm>> -> memref<8192x256xf32, #tpu.memory_space<hbm>>
    tpu.enqueue_indirect_dma source(%dma_start3A_17 : memref<8192x256xf32, #tpu.memory_space<hbm>>) target(%dma_start3A_12 : memref<72x256xf32, #tpu.memory_space<vmem>>) offsets(%dma_start3A_14 : memref<72xi32, #tpu.memory_space<vmem>>) semaphore(%arg7 : memref<!tpu.dma_semaphore, #tpu.memory_space<semaphore_mem>>)
    %dma_wait3A = arith.constant 0 : i32
    %dma_wait3A_18 = arith.constant 0 : i32
    %dma_wait3A_19 = tpu.memref_slice %arg6[%dma_wait3A, %dma_wait3A_18] : memref<144x256xf32, #tpu.memory_space<vmem>> -> memref<72x256xf32, #tpu.memory_space<vmem>>
    %dma_wait3A_20 = arith.constant 0 : i32
    %dma_wait3A_21 = tpu.memref_slice %arg5[%dma_wait3A_20] : memref<144xi32, #tpu.memory_space<vmem>> -> memref<72xi32, #tpu.memory_space<vmem>>
    %dma_wait3A_22 = arith.constant 0 : i32
    %dma_wait3A_23 = arith.constant 0 : i32
    %dma_wait3A_24 = tpu.memref_slice %arg2[%dma_wait3A_22, %dma_wait3A_23] : memref<8192x256xf32, #tpu.memory_space<hbm>> -> memref<8192x256xf32, #tpu.memory_space<hbm>>
    tpu.wait_indirect_dma semaphore(%arg7 : memref<!tpu.dma_semaphore, #tpu.memory_space<semaphore_mem>>) src(%dma_wait3A_24 : memref<8192x256xf32, #tpu.memory_space<hbm>>) dst(%dma_wait3A_19 : memref<72x256xf32, #tpu.memory_space<vmem>>)
    %dma_wait3A_25 = arith.constant 72 : i32
    %dma_wait3A_26 = arith.constant 0 : i32
    %dma_wait3A_27 = tpu.memref_slice %arg6[%dma_wait3A_25, %dma_wait3A_26] : memref<144x256xf32, #tpu.memory_space<vmem>> -> memref<72x256xf32, #tpu.memory_space<vmem>>
    %dma_wait3A_28 = arith.constant 72 : i32
    %dma_wait3A_29 = tpu.memref_slice %arg5[%dma_wait3A_28] : memref<144xi32, #tpu.memory_space<vmem>> -> memref<72xi32, #tpu.memory_space<vmem>>
    %dma_wait3A_30 = arith.constant 0 : i32
    %dma_wait3A_31 = arith.constant 0 : i32
    %dma_wait3A_32 = tpu.memref_slice %arg2[%dma_wait3A_30, %dma_wait3A_31] : memref<8192x256xf32, #tpu.memory_space<hbm>> -> memref<8192x256xf32, #tpu.memory_space<hbm>>
    tpu.wait_indirect_dma semaphore(%arg7 : memref<!tpu.dma_semaphore, #tpu.memory_space<semaphore_mem>>) src(%dma_wait3A_32 : memref<8192x256xf32, #tpu.memory_space<hbm>>) dst(%dma_wait3A_27 : memref<72x256xf32, #tpu.memory_space<vmem>>)
    "tpu.region"() ({
      %run_scoped3A = tpu.sem_alloc : memref<!tpu.dma_semaphore, #tpu.memory_space<semaphore_mem>>
      %dma_start3A_33 = arith.constant 0 : i32
      %dma_start3A_34 = tpu.memref_slice %arg4[%mul3A_2, %dma_start3A_33] : memref<4608x256xf32, #tpu.memory_space<hbm>> -> memref<144x256xf32, #tpu.memory_space<hbm>>
      %dma_start3A_35 = arith.constant 0 : i32
      %dma_start3A_36 = tpu.memref_slice %arg4[%mul3A_2, %dma_start3A_35] : memref<4608x256xf32, #tpu.memory_space<hbm>> -> memref<144x256xf32, #tpu.memory_space<hbm>>
      tpu.enqueue_dma source(%arg6 : memref<144x256xf32, #tpu.memory_space<vmem>>) target(%dma_start3A_36 : memref<144x256xf32, #tpu.memory_space<hbm>>) target_semaphore(%run_scoped3A : memref<!tpu.dma_semaphore, #tpu.memory_space<semaphore_mem>>)
      %dma_wait3A_37 = arith.constant 0 : i32
      %dma_wait3A_38 = tpu.memref_slice %arg4[%mul3A_2, %dma_wait3A_37] : memref<4608x256xf32, #tpu.memory_space<hbm>> -> memref<144x256xf32, #tpu.memory_space<hbm>>
      %dma_wait3A_39 = arith.constant 0 : i32
      %dma_wait3A_40 = tpu.memref_slice %arg4[%mul3A_2, %dma_wait3A_39] : memref<4608x256xf32, #tpu.memory_space<hbm>> -> memref<144x256xf32, #tpu.memory_space<hbm>>
      tpu.wait_dma2 semaphore(%run_scoped3A : memref<!tpu.dma_semaphore, #tpu.memory_space<semaphore_mem>>) src(%arg6 : memref<144x256xf32, #tpu.memory_space<vmem>>) dst(%dma_wait3A_40 : memref<144x256xf32, #tpu.memory_space<hbm>>)
      tpu.yield
    }) : () -> ()
    return
  }
}

#map = affine_map<(d0, d1) -> (0, 0)>
#map1 = affine_map<(d0, d1) -> (0)>
module attributes {stable_mosaic.version = 14 : i64} {
  func.func @_sc_gather(%arg0: i32, %arg1: i32, %arg2: memref<8192x256xf32, #tpu.memory_space<hbm>>, %arg3: memref<4608xi32, #tpu.memory_space<hbm>>, %arg4: memref<4608x256xf32, #tpu.memory_space<hbm>>, %arg5: memref<144xi32, #tpu.memory_space<vmem>>, %arg6: memref<144x256xf32, #tpu.memory_space<vmem>>, %arg7: memref<!tpu.dma_semaphore, #tpu.memory_space<semaphore_mem>>) attributes {dimension_semantics = [#tpu.dimension_semantics<core_parallel>, #tpu.dimension_semantics<subcore_parallel>], iteration_bounds = array<i64: 2, 16>, scalar_prefetch = 0 : i64, scratch_operands = 3 : i64, tpu.core_type = #tpu.core_type<sc_vector_subcore>, window_params = [{transform_indices = #map}, {transform_indices = #map1}, {transform_indices = #map}]} {
    %mul3A = arith.constant 2 : i32
    %mul3A_0 = arith.muli %arg1, %mul3A : i32
    %add3A = arith.addi %mul3A_0, %arg0 : i32
    %mul3A_1 = arith.constant 144 : i32
    %mul3A_2 = arith.muli %add3A, %mul3A_1 : i32
    "tpu.region"() ({
      %run_scoped3A = tpu.sem_alloc : memref<!tpu.dma_semaphore, #tpu.memory_space<semaphore_mem>>
      %dma_start3A_33 = tpu.memref_slice %arg3[%mul3A_2] : memref<4608xi32, #tpu.memory_space<hbm>> -> memref<144xi32, #tpu.memory_space<hbm>>
      %dma_start3A_34 = tpu.memref_slice %arg3[%mul3A_2] : memref<4608xi32, #tpu.memory_space<hbm>> -> memref<144xi32, #tpu.memory_space<hbm>>
      tpu.enqueue_dma source(%dma_start3A_34 : memref<144xi32, #tpu.memory_space<hbm>>) target(%arg5 : memref<144xi32, #tpu.memory_space<vmem>>) target_semaphore(%run_scoped3A : memref<!tpu.dma_semaphore, #tpu.memory_space<semaphore_mem>>)
      %dma_wait3A_35 = tpu.memref_slice %arg3[%mul3A_2] : memref<4608xi32, #tpu.memory_space<hbm>> -> memref<144xi32, #tpu.memory_space<hbm>>
      %dma_wait3A_36 = tpu.memref_slice %arg3[%mul3A_2] : memref<4608xi32, #tpu.memory_space<hbm>> -> memref<144xi32, #tpu.memory_space<hbm>>
      tpu.wait_dma2 semaphore(%run_scoped3A : memref<!tpu.dma_semaphore, #tpu.memory_space<semaphore_mem>>) src(%dma_wait3A_36 : memref<144xi32, #tpu.memory_space<hbm>>) dst(%arg5 : memref<144xi32, #tpu.memory_space<vmem>>)
      tpu.yield
    }) : () -> ()
    %dma_start3A = arith.constant 0 : i32
    %dma_start3A_3 = arith.constant 0 : i32
    %dma_start3A_4 = tpu.memref_slice %arg6[%dma_start3A, %dma_start3A_3] : memref<144x256xf32, #tpu.memory_space<vmem>> -> memref<72x256xf32, #tpu.memory_space<vmem>>
    %dma_start3A_5 = arith.constant 0 : i32
    %dma_start3A_6 = tpu.memref_slice %arg5[%dma_start3A_5] : memref<144xi32, #tpu.memory_space<vmem>> -> memref<72xi32, #tpu.memory_space<vmem>>
    %dma_start3A_7 = arith.constant 0 : i32
    %dma_start3A_8 = arith.constant 0 : i32
    %dma_start3A_9 = tpu.memref_slice %arg2[%dma_start3A_7, %dma_start3A_8] : memref<8192x256xf32, #tpu.memory_space<hbm>> -> memref<8192x256xf32, #tpu.memory_space<hbm>>
    tpu.enqueue_indirect_dma source(%dma_start3A_9 : memref<8192x256xf32, #tpu.memory_space<hbm>>) target(%dma_start3A_4 : memref<72x256xf32, #tpu.memory_space<vmem>>) offsets(%dma_start3A_6 : memref<72xi32, #tpu.memory_space<vmem>>) semaphore(%arg7 : memref<!tpu.dma_semaphore, #tpu.memory_space<semaphore_mem>>)
    %dma_start3A_10 = arith.constant 72 : i32
    %dma_start3A_11 = arith.constant 0 : i32
    %dma_start3A_12 = tpu.memref_slice %arg6[%dma_start3A_10, %dma_start3A_11] : memref<144x256xf32, #tpu.memory_space<vmem>> -> memref<72x256xf32, #tpu.memory_space<vmem>>
    %dma_start3A_13 = arith.constant 72 : i32
    %dma_start3A_14 = tpu.memref_slice %arg5[%dma_start3A_13] : memref<144xi32, #tpu.memory_space<vmem>> -> memref<72xi32, #tpu.memory_space<vmem>>
    %dma_start3A_15 = arith.constant 0 : i32
    %dma_start3A_16 = arith.constant 0 : i32
    %dma_start3A_17 = tpu.memref_slice %arg2[%dma_start3A_15, %dma_start3A_16] : memref<8192x256xf32, #tpu.memory_space<hbm>> -> memref<8192x256xf32, #tpu.memory_space<hbm>>
    tpu.enqueue_indirect_dma source(%dma_start3A_17 : memref<8192x256xf32, #tpu.memory_space<hbm>>) target(%dma_start3A_12 : memref<72x256xf32, #tpu.memory_space<vmem>>) offsets(%dma_start3A_14 : memref<72xi32, #tpu.memory_space<vmem>>) semaphore(%arg7 : memref<!tpu.dma_semaphore, #tpu.memory_space<semaphore_mem>>)
    %dma_wait3A = arith.constant 0 : i32
    %dma_wait3A_18 = arith.constant 0 : i32
    %dma_wait3A_19 = tpu.memref_slice %arg6[%dma_wait3A, %dma_wait3A_18] : memref<144x256xf32, #tpu.memory_space<vmem>> -> memref<72x256xf32, #tpu.memory_space<vmem>>
    %dma_wait3A_20 = arith.constant 0 : i32
    %dma_wait3A_21 = tpu.memref_slice %arg5[%dma_wait3A_20] : memref<144xi32, #tpu.memory_space<vmem>> -> memref<72xi32, #tpu.memory_space<vmem>>
    %dma_wait3A_22 = arith.constant 0 : i32
    %dma_wait3A_23 = arith.constant 0 : i32
    %dma_wait3A_24 = tpu.memref_slice %arg2[%dma_wait3A_22, %dma_wait3A_23] : memref<8192x256xf32, #tpu.memory_space<hbm>> -> memref<8192x256xf32, #tpu.memory_space<hbm>>
    tpu.wait_indirect_dma semaphore(%arg7 : memref<!tpu.dma_semaphore, #tpu.memory_space<semaphore_mem>>) src(%dma_wait3A_24 : memref<8192x256xf32, #tpu.memory_space<hbm>>) dst(%dma_wait3A_19 : memref<72x256xf32, #tpu.memory_space<vmem>>)
    %dma_wait3A_25 = arith.constant 72 : i32
    %dma_wait3A_26 = arith.constant 0 : i32
    %dma_wait3A_27 = tpu.memref_slice %arg6[%dma_wait3A_25, %dma_wait3A_26] : memref<144x256xf32, #tpu.memory_space<vmem>> -> memref<72x256xf32, #tpu.memory_space<vmem>>
    %dma_wait3A_28 = arith.constant 72 : i32
    %dma_wait3A_29 = tpu.memref_slice %arg5[%dma_wait3A_28] : memref<144xi32, #tpu.memory_space<vmem>> -> memref<72xi32, #tpu.memory_space<vmem>>
    %dma_wait3A_30 = arith.constant 0 : i32
    %dma_wait3A_31 = arith.constant 0 : i32
    %dma_wait3A_32 = tpu.memref_slice %arg2[%dma_wait3A_30, %dma_wait3A_31] : memref<8192x256xf32, #tpu.memory_space<hbm>> -> memref<8192x256xf32, #tpu.memory_space<hbm>>
    tpu.wait_indirect_dma semaphore(%arg7 : memref<!tpu.dma_semaphore, #tpu.memory_space<semaphore_mem>>) src(%dma_wait3A_32 : memref<8192x256xf32, #tpu.memory_space<hbm>>) dst(%dma_wait3A_27 : memref<72x256xf32, #tpu.memory_space<vmem>>)
    "tpu.region"() ({
      %run_scoped3A = tpu.sem_alloc : memref<!tpu.dma_semaphore, #tpu.memory_space<semaphore_mem>>
      %dma_start3A_33 = arith.constant 0 : i32
      %dma_start3A_34 = tpu.memref_slice %arg4[%mul3A_2, %dma_start3A_33] : memref<4608x256xf32, #tpu.memory_space<hbm>> -> memref<144x256xf32, #tpu.memory_space<hbm>>
      %dma_start3A_35 = arith.constant 0 : i32
      %dma_start3A_36 = tpu.memref_slice %arg4[%mul3A_2, %dma_start3A_35] : memref<4608x256xf32, #tpu.memory_space<hbm>> -> memref<144x256xf32, #tpu.memory_space<hbm>>
      tpu.enqueue_dma source(%arg6 : memref<144x256xf32, #tpu.memory_space<vmem>>) target(%dma_start3A_36 : memref<144x256xf32, #tpu.memory_space<hbm>>) target_semaphore(%run_scoped3A : memref<!tpu.dma_semaphore, #tpu.memory_space<semaphore_mem>>)
      %dma_wait3A_37 = arith.constant 0 : i32
      %dma_wait3A_38 = tpu.memref_slice %arg4[%mul3A_2, %dma_wait3A_37] : memref<4608x256xf32, #tpu.memory_space<hbm>> -> memref<144x256xf32, #tpu.memory_space<hbm>>
      %dma_wait3A_39 = arith.constant 0 : i32
      %dma_wait3A_40 = tpu.memref_slice %arg4[%mul3A_2, %dma_wait3A_39] : memref<4608x256xf32, #tpu.memory_space<hbm>> -> memref<144x256xf32, #tpu.memory_space<hbm>>
      tpu.wait_dma2 semaphore(%run_scoped3A : memref<!tpu.dma_semaphore, #tpu.memory_space<semaphore_mem>>) src(%arg6 : memref<144x256xf32, #tpu.memory_space<vmem>>) dst(%dma_wait3A_40 : memref<144x256xf32, #tpu.memory_space<hbm>>)
      tpu.yield
    }) : () -> ()
    return
  }
}

module attributes {stable_mosaic.version = 14 : i64} {
  func.func @_vq_body(%arg0: i32, %arg1: memref<512x256xf32, #tpu.memory_space<vmem>>, %arg2: memref<8192x256xf32, #tpu.memory_space<vmem>>, %arg3: memref<512xi32, #tpu.memory_space<vmem>>, %arg4: memref<256x8192xf32, #tpu.memory_space<vmem>>, %arg5: memref<1x8192xf32, #tpu.memory_space<vmem>>) attributes {dimension_semantics = [#tpu.dimension_semantics<arbitrary>], iteration_bounds = array<i64: 9>, scalar_prefetch = 0 : i64, scratch_operands = 2 : i64, tpu.core_type = #tpu.core_type<tc>, window_params = [{transform_indices = @transform_0, window_bounds = array<i64: 512, 256>}, {pipeline_mode = #tpu.pipeline_mode<synchronous>, transform_indices = @transform_1, window_bounds = array<i64: 8192, 256>}, {transform_indices = @transform_2, window_bounds = array<i64: 512>}]} {
    %eq3A = arith.constant 0 : i32
    %eq3A_0 = arith.cmpi eq, %arg0, %eq3A : i32
    %convert_element_type3A = arith.extui %eq3A_0 : i1 to i32
    %cond3A = arith.constant 0 : i32
    %cond3A_1 = arith.cmpi ne, %convert_element_type3A, %cond3A : i32
    scf.if %cond3A_1 {
      %get3A_988 = arith.constant 0 : index
      %get3A_989 = arith.constant 0 : index
      %get3A_990 = vector.load %arg2[%get3A_988, %get3A_989] : memref<8192x256xf32, #tpu.memory_space<vmem>>, vector<8192x256xf32>
      %transpose3A_991 = tpu.transpose %get3A_990, [1, 0] : vector<8192x256xf32> -> vector<256x8192xf32>
      %swap3A_992 = arith.constant 0 : index
      %swap3A_993 = arith.constant 0 : index
      %swap3A_994 = vector.load %arg4[%swap3A_992, %swap3A_993] : memref<256x8192xf32, #tpu.memory_space<vmem>>, vector<256x8192xf32>
      tpu.vector_store %arg4[%swap3A_992, %swap3A_993], %transpose3A_991 {strides = array<i32>} : memref<256x8192xf32, #tpu.memory_space<vmem>>, vector<256x8192xf32>,
      %mul3A_995 = arith.mulf %transpose3A_991, %transpose3A_991 : vector<256x8192xf32>
      %reduce_sum3A_996 = arith.constant dense<0.000000e+00> : vector<8192xf32>
      %reduce_sum3A_997 = vector.multi_reduction <add>, %mul3A_995, %reduce_sum3A_996 [0] : vector<256x8192xf32> to vector<8192xf32>
      %broadcast_in_dim3A_998 = vector.shape_cast %reduce_sum3A_997 : vector<8192xf32> to vector<1x8192xf32>
      %swap3A_999 = arith.constant 0 : index
      %swap3A_1000 = arith.constant 0 : index
      %swap3A_1001 = vector.load %arg5[%swap3A_999, %swap3A_1000] : memref<1x8192xf32, #tpu.memory_space<vmem>>, vector<1x8192xf32>
      tpu.vector_store %arg5[%swap3A_999, %swap3A_1000], %broadcast_in_dim3A_998 {strides = array<i32>} : memref<1x8192xf32, #tpu.memory_space<vmem>>, vector<1x8192xf32>,
    } else {
    }
    %get3A = arith.constant 0 : index
    %get3A_2 = arith.constant 0 : index
    %get3A_3 = vector.load %arg1[%get3A, %get3A_2] : memref<512x256xf32, #tpu.memory_space<vmem>>, vector<512x256xf32>
    %add3A = arith.addf %get3A_3, %get3A_3 : vector<512x256xf32>
    %mul3A = arith.mulf %get3A_3, %get3A_3 : vector<512x256xf32>
    %reduce_sum3A = arith.constant dense<0.000000e+00> : vector<512xf32>
    %reduce_sum3A_4 = vector.multi_reduction <add>, %mul3A, %reduce_sum3A [1] : vector<512x256xf32> to vector<512xf32>
    %broadcast_in_dim3A = vector.shape_cast %reduce_sum3A_4 : vector<512xf32> to vector<512x1xf32>
    %get3A_5 = arith.constant 0 : index
    %get3A_6 = arith.constant 0 : index
    %get3A_7 = vector.load %arg4[%get3A_5, %get3A_6] : memref<256x8192xf32, #tpu.memory_space<vmem>>, vector<256x2048xf32>
    %dot_general3A = arith.constant dense<0.000000e+00> : vector<512x2048xf32>
    %dot_general3A_8 = tpu.matmul %add3A, %get3A_7, %dot_general3A {dimension_numbers = #tpu.dot_dimension_numbers<[1], [0], [0], [1], [0, 0, 1, 1], [], []>, transpose_lhs_hint = false} : vector<512x256xf32>, vector<256x2048xf32>, vector<512x2048xf32> -> vector<512x2048xf32>
    %get3A_9 = arith.constant 0 : index
    %get3A_10 = arith.constant 2048 : index
    %get3A_11 = vector.load %arg4[%get3A_9, %get3A_10] : memref<256x8192xf32, #tpu.memory_space<vmem>>, vector<256x2048xf32>
    %dot_general3A_12 = arith.constant dense<0.000000e+00> : vector<512x2048xf32>
    %dot_general3A_13 = tpu.matmul %add3A, %get3A_11, %dot_general3A_12 {dimension_numbers = #tpu.dot_dimension_numbers<[1], [0], [0], [1], [0, 0, 1, 1], [], []>, transpose_lhs_hint = false} : vector<512x256xf32>, vector<256x2048xf32>, vector<512x2048xf32> -> vector<512x2048xf32>
    %get3A_14 = arith.constant 0 : index
    %get3A_15 = arith.constant 4096 : index
    %get3A_16 = vector.load %arg4[%get3A_14, %get3A_15] : memref<256x8192xf32, #tpu.memory_space<vmem>>, vector<256x2048xf32>
    %dot_general3A_17 = arith.constant dense<0.000000e+00> : vector<512x2048xf32>
    %dot_general3A_18 = tpu.matmul %add3A, %get3A_16, %dot_general3A_17 {dimension_numbers = #tpu.dot_dimension_numbers<[1], [0], [0], [1], [0, 0, 1, 1], [], []>, transpose_lhs_hint = false} : vector<512x256xf32>, vector<256x2048xf32>, vector<512x2048xf32> -> vector<512x2048xf32>
    %get3A_19 = arith.constant 0 : index
    %get3A_20 = arith.constant 6144 : index
    %get3A_21 = vector.load %arg4[%get3A_19, %get3A_20] : memref<256x8192xf32, #tpu.memory_space<vmem>>, vector<256x2048xf32>
    %dot_general3A_22 = arith.constant dense<0.000000e+00> : vector<512x2048xf32>
    %dot_general3A_23 = tpu.matmul %add3A, %get3A_21, %dot_general3A_22 {dimension_numbers = #tpu.dot_dimension_numbers<[1], [0], [0], [1], [0, 0, 1, 1], [], []>, transpose_lhs_hint = false} : vector<512x256xf32>, vector<256x2048xf32>, vector<512x2048xf32> -> vector<512x2048xf32>
    %slice3A = vector.extract_strided_slice %dot_general3A_8 {offsets = [0, 0], sizes = [512, 128], strides = [1, 1]} : vector<512x2048xf32> to vector<512x128xf32>
    %get3A_24 = arith.constant 0 : index
    %get3A_25 = arith.constant 0 : index
    %get3A_26 = vector.load %arg5[%get3A_24, %get3A_25] : memref<1x8192xf32, #tpu.memory_space<vmem>>, vector<1x128xf32>
    %get3A_27 = vector.shape_cast %get3A_26 : vector<1x128xf32> to vector<128xf32>
    %sub3A = vector.broadcast %broadcast_in_dim3A : vector<512x1xf32> to vector<512x128xf32>
    %sub3A_28 = arith.subf %sub3A, %slice3A : vector<512x128xf32>
    %broadcast_in_dim3A_29 = vector.shape_cast %get3A_27 : vector<128xf32> to vector<1x128xf32>
    %add3A_30 = vector.broadcast %broadcast_in_dim3A_29 : vector<1x128xf32> to vector<512x128xf32>
    %add3A_31 = arith.addf %sub3A_28, %add3A_30 : vector<512x128xf32>
    %broadcast_in_dim3A_32 = arith.constant 0 : i32
    %broadcast_in_dim3A_33 = vector.broadcast %broadcast_in_dim3A_32 : i32 to vector<512x128xi32>
    %slice3A_34 = vector.extract_strided_slice %dot_general3A_8 {offsets = [0, 128], sizes = [512, 128], strides = [1, 1]} : vector<512x2048xf32> to vector<512x128xf32>
    %get3A_35 = arith.constant 0 : index
    %get3A_36 = arith.constant 128 : index
    %get3A_37 = vector.load %arg5[%get3A_35, %get3A_36] : memref<1x8192xf32, #tpu.memory_space<vmem>>, vector<1x128xf32>
    %get3A_38 = vector.shape_cast %get3A_37 : vector<1x128xf32> to vector<128xf32>
    %sub3A_39 = vector.broadcast %broadcast_in_dim3A : vector<512x1xf32> to vector<512x128xf32>
    %sub3A_40 = arith.subf %sub3A_39, %slice3A_34 : vector<512x128xf32>
    %broadcast_in_dim3A_41 = vector.shape_cast %get3A_38 : vector<128xf32> to vector<1x128xf32>
    %add3A_42 = vector.broadcast %broadcast_in_dim3A_41 : vector<1x128xf32> to vector<512x128xf32>
    %add3A_43 = arith.addf %sub3A_40, %add3A_42 : vector<512x128xf32>
    %lt3A = arith.cmpf olt, %add3A_43, %add3A_31 : vector<512x128xf32>
    %select_n3A = arith.select %lt3A, %add3A_43, %add3A_31 : vector<512x128xi1>, vector<512x128xf32>
    %jit3A = arith.constant 128 : i32
    %broadcast_in_dim3A_44 = vector.broadcast %jit3A : i32 to vector<512x128xi32>
    %select_n3A_45 = arith.select %lt3A, %broadcast_in_dim3A_44, %broadcast_in_dim3A_33 : vector<512x128xi1>, vector<512x128xi32>
    %slice3A_46 = vector.extract_strided_slice %dot_general3A_8 {offsets = [0, 256], sizes = [512, 128], strides = [1, 1]} : vector<512x2048xf32> to vector<512x128xf32>
    %get3A_47 = arith.constant 0 : index
    %get3A_48 = arith.constant 256 : index
    %get3A_49 = vector.load %arg5[%get3A_47, %get3A_48] : memref<1x8192xf32, #tpu.memory_space<vmem>>, vector<1x128xf32>
    %get3A_50 = vector.shape_cast %get3A_49 : vector<1x128xf32> to vector<128xf32>
    %sub3A_51 = vector.broadcast %broadcast_in_dim3A : vector<512x1xf32> to vector<512x128xf32>
    %sub3A_52 = arith.subf %sub3A_51, %slice3A_46 : vector<512x128xf32>
    %broadcast_in_dim3A_53 = vector.shape_cast %get3A_50 : vector<128xf32> to vector<1x128xf32>
    %add3A_54 = vector.broadcast %broadcast_in_dim3A_53 : vector<1x128xf32> to vector<512x128xf32>
    %add3A_55 = arith.addf %sub3A_52, %add3A_54 : vector<512x128xf32>
    %lt3A_56 = arith.cmpf olt, %add3A_55, %select_n3A : vector<512x128xf32>
    %select_n3A_57 = arith.select %lt3A_56, %add3A_55, %select_n3A : vector<512x128xi1>, vector<512x128xf32>
    %jit3A_58 = arith.constant 256 : i32
    %broadcast_in_dim3A_59 = vector.broadcast %jit3A_58 : i32 to vector<512x128xi32>
    %select_n3A_60 = arith.select %lt3A_56, %broadcast_in_dim3A_59, %select_n3A_45 : vector<512x128xi1>, vector<512x128xi32>
    %slice3A_61 = vector.extract_strided_slice %dot_general3A_8 {offsets = [0, 384], sizes = [512, 128], strides = [1, 1]} : vector<512x2048xf32> to vector<512x128xf32>
    %get3A_62 = arith.constant 0 : index
    %get3A_63 = arith.constant 384 : index
    %get3A_64 = vector.load %arg5[%get3A_62, %get3A_63] : memref<1x8192xf32, #tpu.memory_space<vmem>>, vector<1x128xf32>
    %get3A_65 = vector.shape_cast %get3A_64 : vector<1x128xf32> to vector<128xf32>
    %sub3A_66 = vector.broadcast %broadcast_in_dim3A : vector<512x1xf32> to vector<512x128xf32>
    %sub3A_67 = arith.subf %sub3A_66, %slice3A_61 : vector<512x128xf32>
    %broadcast_in_dim3A_68 = vector.shape_cast %get3A_65 : vector<128xf32> to vector<1x128xf32>
    %add3A_69 = vector.broadcast %broadcast_in_dim3A_68 : vector<1x128xf32> to vector<512x128xf32>
    %add3A_70 = arith.addf %sub3A_67, %add3A_69 : vector<512x128xf32>
    %lt3A_71 = arith.cmpf olt, %add3A_70, %select_n3A_57 : vector<512x128xf32>
    %select_n3A_72 = arith.select %lt3A_71, %add3A_70, %select_n3A_57 : vector<512x128xi1>, vector<512x128xf32>
    %jit3A_73 = arith.constant 384 : i32
    %broadcast_in_dim3A_74 = vector.broadcast %jit3A_73 : i32 to vector<512x128xi32>
    %select_n3A_75 = arith.select %lt3A_71, %broadcast_in_dim3A_74, %select_n3A_60 : vector<512x128xi1>, vector<512x128xi32>
    %slice3A_76 = vector.extract_strided_slice %dot_general3A_8 {offsets = [0, 512], sizes = [512, 128], strides = [1, 1]} : vector<512x2048xf32> to vector<512x128xf32>
    %get3A_77 = arith.constant 0 : index
    %get3A_78 = arith.constant 512 : index
    %get3A_79 = vector.load %arg5[%get3A_77, %get3A_78] : memref<1x8192xf32, #tpu.memory_space<vmem>>, vector<1x128xf32>
    %get3A_80 = vector.shape_cast %get3A_79 : vector<1x128xf32> to vector<128xf32>
    %sub3A_81 = vector.broadcast %broadcast_in_dim3A : vector<512x1xf32> to vector<512x128xf32>
    %sub3A_82 = arith.subf %sub3A_81, %slice3A_76 : vector<512x128xf32>
    %broadcast_in_dim3A_83 = vector.shape_cast %get3A_80 : vector<128xf32> to vector<1x128xf32>
    %add3A_84 = vector.broadcast %broadcast_in_dim3A_83 : vector<1x128xf32> to vector<512x128xf32>
    %add3A_85 = arith.addf %sub3A_82, %add3A_84 : vector<512x128xf32>
    %lt3A_86 = arith.cmpf olt, %add3A_85, %select_n3A_72 : vector<512x128xf32>
    %select_n3A_87 = arith.select %lt3A_86, %add3A_85, %select_n3A_72 : vector<512x128xi1>, vector<512x128xf32>
    %jit3A_88 = arith.constant 512 : i32
    %broadcast_in_dim3A_89 = vector.broadcast %jit3A_88 : i32 to vector<512x128xi32>
    %select_n3A_90 = arith.select %lt3A_86, %broadcast_in_dim3A_89, %select_n3A_75 : vector<512x128xi1>, vector<512x128xi32>
    %slice3A_91 = vector.extract_strided_slice %dot_general3A_8 {offsets = [0, 640], sizes = [512, 128], strides = [1, 1]} : vector<512x2048xf32> to vector<512x128xf32>
    %get3A_92 = arith.constant 0 : index
    %get3A_93 = arith.constant 640 : index
    %get3A_94 = vector.load %arg5[%get3A_92, %get3A_93] : memref<1x8192xf32, #tpu.memory_space<vmem>>, vector<1x128xf32>
    %get3A_95 = vector.shape_cast %get3A_94 : vector<1x128xf32> to vector<128xf32>
    %sub3A_96 = vector.broadcast %broadcast_in_dim3A : vector<512x1xf32> to vector<512x128xf32>
    %sub3A_97 = arith.subf %sub3A_96, %slice3A_91 : vector<512x128xf32>
    %broadcast_in_dim3A_98 = vector.shape_cast %get3A_95 : vector<128xf32> to vector<1x128xf32>
    %add3A_99 = vector.broadcast %broadcast_in_dim3A_98 : vector<1x128xf32> to vector<512x128xf32>
    %add3A_100 = arith.addf %sub3A_97, %add3A_99 : vector<512x128xf32>
    %lt3A_101 = arith.cmpf olt, %add3A_100, %select_n3A_87 : vector<512x128xf32>
    %select_n3A_102 = arith.select %lt3A_101, %add3A_100, %select_n3A_87 : vector<512x128xi1>, vector<512x128xf32>
    %jit3A_103 = arith.constant 640 : i32
    %broadcast_in_dim3A_104 = vector.broadcast %jit3A_103 : i32 to vector<512x128xi32>
    %select_n3A_105 = arith.select %lt3A_101, %broadcast_in_dim3A_104, %select_n3A_90 : vector<512x128xi1>, vector<512x128xi32>
    %slice3A_106 = vector.extract_strided_slice %dot_general3A_8 {offsets = [0, 768], sizes = [512, 128], strides = [1, 1]} : vector<512x2048xf32> to vector<512x128xf32>
    %get3A_107 = arith.constant 0 : index
    %get3A_108 = arith.constant 768 : index
    %get3A_109 = vector.load %arg5[%get3A_107, %get3A_108] : memref<1x8192xf32, #tpu.memory_space<vmem>>, vector<1x128xf32>
    %get3A_110 = vector.shape_cast %get3A_109 : vector<1x128xf32> to vector<128xf32>
    %sub3A_111 = vector.broadcast %broadcast_in_dim3A : vector<512x1xf32> to vector<512x128xf32>
    %sub3A_112 = arith.subf %sub3A_111, %slice3A_106 : vector<512x128xf32>
    %broadcast_in_dim3A_113 = vector.shape_cast %get3A_110 : vector<128xf32> to vector<1x128xf32>
    %add3A_114 = vector.broadcast %broadcast_in_dim3A_113 : vector<1x128xf32> to vector<512x128xf32>
    %add3A_115 = arith.addf %sub3A_112, %add3A_114 : vector<512x128xf32>
    %lt3A_116 = arith.cmpf olt, %add3A_115, %select_n3A_102 : vector<512x128xf32>
    %select_n3A_117 = arith.select %lt3A_116, %add3A_115, %select_n3A_102 : vector<512x128xi1>, vector<512x128xf32>
    %jit3A_118 = arith.constant 768 : i32
    %broadcast_in_dim3A_119 = vector.broadcast %jit3A_118 : i32 to vector<512x128xi32>
    %select_n3A_120 = arith.select %lt3A_116, %broadcast_in_dim3A_119, %select_n3A_105 : vector<512x128xi1>, vector<512x128xi32>
    %slice3A_121 = vector.extract_strided_slice %dot_general3A_8 {offsets = [0, 896], sizes = [512, 128], strides = [1, 1]} : vector<512x2048xf32> to vector<512x128xf32>
    %get3A_122 = arith.constant 0 : index
    %get3A_123 = arith.constant 896 : index
    %get3A_124 = vector.load %arg5[%get3A_122, %get3A_123] : memref<1x8192xf32, #tpu.memory_space<vmem>>, vector<1x128xf32>
    %get3A_125 = vector.shape_cast %get3A_124 : vector<1x128xf32> to vector<128xf32>
    %sub3A_126 = vector.broadcast %broadcast_in_dim3A : vector<512x1xf32> to vector<512x128xf32>
    %sub3A_127 = arith.subf %sub3A_126, %slice3A_121 : vector<512x128xf32>
    %broadcast_in_dim3A_128 = vector.shape_cast %get3A_125 : vector<128xf32> to vector<1x128xf32>
    %add3A_129 = vector.broadcast %broadcast_in_dim3A_128 : vector<1x128xf32> to vector<512x128xf32>
    %add3A_130 = arith.addf %sub3A_127, %add3A_129 : vector<512x128xf32>
    %lt3A_131 = arith.cmpf olt, %add3A_130, %select_n3A_117 : vector<512x128xf32>
    %select_n3A_132 = arith.select %lt3A_131, %add3A_130, %select_n3A_117 : vector<512x128xi1>, vector<512x128xf32>
    %jit3A_133 = arith.constant 896 : i32
    %broadcast_in_dim3A_134 = vector.broadcast %jit3A_133 : i32 to vector<512x128xi32>
    %select_n3A_135 = arith.select %lt3A_131, %broadcast_in_dim3A_134, %select_n3A_120 : vector<512x128xi1>, vector<512x128xi32>
    %slice3A_136 = vector.extract_strided_slice %dot_general3A_8 {offsets = [0, 1024], sizes = [512, 128], strides = [1, 1]} : vector<512x2048xf32> to vector<512x128xf32>
    %get3A_137 = arith.constant 0 : index
    %get3A_138 = arith.constant 1024 : index
    %get3A_139 = vector.load %arg5[%get3A_137, %get3A_138] : memref<1x8192xf32, #tpu.memory_space<vmem>>, vector<1x128xf32>
    %get3A_140 = vector.shape_cast %get3A_139 : vector<1x128xf32> to vector<128xf32>
    %sub3A_141 = vector.broadcast %broadcast_in_dim3A : vector<512x1xf32> to vector<512x128xf32>
    %sub3A_142 = arith.subf %sub3A_141, %slice3A_136 : vector<512x128xf32>
    %broadcast_in_dim3A_143 = vector.shape_cast %get3A_140 : vector<128xf32> to vector<1x128xf32>
    %add3A_144 = vector.broadcast %broadcast_in_dim3A_143 : vector<1x128xf32> to vector<512x128xf32>
    %add3A_145 = arith.addf %sub3A_142, %add3A_144 : vector<512x128xf32>
    %lt3A_146 = arith.cmpf olt, %add3A_145, %select_n3A_132 : vector<512x128xf32>
    %select_n3A_147 = arith.select %lt3A_146, %add3A_145, %select_n3A_132 : vector<512x128xi1>, vector<512x128xf32>
    %jit3A_148 = arith.constant 1024 : i32
    %broadcast_in_dim3A_149 = vector.broadcast %jit3A_148 : i32 to vector<512x128xi32>
    %select_n3A_150 = arith.select %lt3A_146, %broadcast_in_dim3A_149, %select_n3A_135 : vector<512x128xi1>, vector<512x128xi32>
    %slice3A_151 = vector.extract_strided_slice %dot_general3A_8 {offsets = [0, 1152], sizes = [512, 128], strides = [1, 1]} : vector<512x2048xf32> to vector<512x128xf32>
    %get3A_152 = arith.constant 0 : index
    %get3A_153 = arith.constant 1152 : index
    %get3A_154 = vector.load %arg5[%get3A_152, %get3A_153] : memref<1x8192xf32, #tpu.memory_space<vmem>>, vector<1x128xf32>
    %get3A_155 = vector.shape_cast %get3A_154 : vector<1x128xf32> to vector<128xf32>
    %sub3A_156 = vector.broadcast %broadcast_in_dim3A : vector<512x1xf32> to vector<512x128xf32>
    %sub3A_157 = arith.subf %sub3A_156, %slice3A_151 : vector<512x128xf32>
    %broadcast_in_dim3A_158 = vector.shape_cast %get3A_155 : vector<128xf32> to vector<1x128xf32>
    %add3A_159 = vector.broadcast %broadcast_in_dim3A_158 : vector<1x128xf32> to vector<512x128xf32>
    %add3A_160 = arith.addf %sub3A_157, %add3A_159 : vector<512x128xf32>
    %lt3A_161 = arith.cmpf olt, %add3A_160, %select_n3A_147 : vector<512x128xf32>
    %select_n3A_162 = arith.select %lt3A_161, %add3A_160, %select_n3A_147 : vector<512x128xi1>, vector<512x128xf32>
    %jit3A_163 = arith.constant 1152 : i32
    %broadcast_in_dim3A_164 = vector.broadcast %jit3A_163 : i32 to vector<512x128xi32>
    %select_n3A_165 = arith.select %lt3A_161, %broadcast_in_dim3A_164, %select_n3A_150 : vector<512x128xi1>, vector<512x128xi32>
    %slice3A_166 = vector.extract_strided_slice %dot_general3A_8 {offsets = [0, 1280], sizes = [512, 128], strides = [1, 1]} : vector<512x2048xf32> to vector<512x128xf32>
    %get3A_167 = arith.constant 0 : index
    %get3A_168 = arith.constant 1280 : index
    %get3A_169 = vector.load %arg5[%get3A_167, %get3A_168] : memref<1x8192xf32, #tpu.memory_space<vmem>>, vector<1x128xf32>
    %get3A_170 = vector.shape_cast %get3A_169 : vector<1x128xf32> to vector<128xf32>
    %sub3A_171 = vector.broadcast %broadcast_in_dim3A : vector<512x1xf32> to vector<512x128xf32>
    %sub3A_172 = arith.subf %sub3A_171, %slice3A_166 : vector<512x128xf32>
    %broadcast_in_dim3A_173 = vector.shape_cast %get3A_170 : vector<128xf32> to vector<1x128xf32>
    %add3A_174 = vector.broadcast %broadcast_in_dim3A_173 : vector<1x128xf32> to vector<512x128xf32>
    %add3A_175 = arith.addf %sub3A_172, %add3A_174 : vector<512x128xf32>
    %lt3A_176 = arith.cmpf olt, %add3A_175, %select_n3A_162 : vector<512x128xf32>
    %select_n3A_177 = arith.select %lt3A_176, %add3A_175, %select_n3A_162 : vector<512x128xi1>, vector<512x128xf32>
    %jit3A_178 = arith.constant 1280 : i32
    %broadcast_in_dim3A_179 = vector.broadcast %jit3A_178 : i32 to vector<512x128xi32>
    %select_n3A_180 = arith.select %lt3A_176, %broadcast_in_dim3A_179, %select_n3A_165 : vector<512x128xi1>, vector<512x128xi32>
    %slice3A_181 = vector.extract_strided_slice %dot_general3A_8 {offsets = [0, 1408], sizes = [512, 128], strides = [1, 1]} : vector<512x2048xf32> to vector<512x128xf32>
    %get3A_182 = arith.constant 0 : index
    %get3A_183 = arith.constant 1408 : index
    %get3A_184 = vector.load %arg5[%get3A_182, %get3A_183] : memref<1x8192xf32, #tpu.memory_space<vmem>>, vector<1x128xf32>
    %get3A_185 = vector.shape_cast %get3A_184 : vector<1x128xf32> to vector<128xf32>
    %sub3A_186 = vector.broadcast %broadcast_in_dim3A : vector<512x1xf32> to vector<512x128xf32>
    %sub3A_187 = arith.subf %sub3A_186, %slice3A_181 : vector<512x128xf32>
    %broadcast_in_dim3A_188 = vector.shape_cast %get3A_185 : vector<128xf32> to vector<1x128xf32>
    %add3A_189 = vector.broadcast %broadcast_in_dim3A_188 : vector<1x128xf32> to vector<512x128xf32>
    %add3A_190 = arith.addf %sub3A_187, %add3A_189 : vector<512x128xf32>
    %lt3A_191 = arith.cmpf olt, %add3A_190, %select_n3A_177 : vector<512x128xf32>
    %select_n3A_192 = arith.select %lt3A_191, %add3A_190, %select_n3A_177 : vector<512x128xi1>, vector<512x128xf32>
    %jit3A_193 = arith.constant 1408 : i32
    %broadcast_in_dim3A_194 = vector.broadcast %jit3A_193 : i32 to vector<512x128xi32>
    %select_n3A_195 = arith.select %lt3A_191, %broadcast_in_dim3A_194, %select_n3A_180 : vector<512x128xi1>, vector<512x128xi32>
    %slice3A_196 = vector.extract_strided_slice %dot_general3A_8 {offsets = [0, 1536], sizes = [512, 128], strides = [1, 1]} : vector<512x2048xf32> to vector<512x128xf32>
    %get3A_197 = arith.constant 0 : index
    %get3A_198 = arith.constant 1536 : index
    %get3A_199 = vector.load %arg5[%get3A_197, %get3A_198] : memref<1x8192xf32, #tpu.memory_space<vmem>>, vector<1x128xf32>
    %get3A_200 = vector.shape_cast %get3A_199 : vector<1x128xf32> to vector<128xf32>
    %sub3A_201 = vector.broadcast %broadcast_in_dim3A : vector<512x1xf32> to vector<512x128xf32>
    %sub3A_202 = arith.subf %sub3A_201, %slice3A_196 : vector<512x128xf32>
    %broadcast_in_dim3A_203 = vector.shape_cast %get3A_200 : vector<128xf32> to vector<1x128xf32>
    %add3A_204 = vector.broadcast %broadcast_in_dim3A_203 : vector<1x128xf32> to vector<512x128xf32>
    %add3A_205 = arith.addf %sub3A_202, %add3A_204 : vector<512x128xf32>
    %lt3A_206 = arith.cmpf olt, %add3A_205, %select_n3A_192 : vector<512x128xf32>
    %select_n3A_207 = arith.select %lt3A_206, %add3A_205, %select_n3A_192 : vector<512x128xi1>, vector<512x128xf32>
    %jit3A_208 = arith.constant 1536 : i32
    %broadcast_in_dim3A_209 = vector.broadcast %jit3A_208 : i32 to vector<512x128xi32>
    %select_n3A_210 = arith.select %lt3A_206, %broadcast_in_dim3A_209, %select_n3A_195 : vector<512x128xi1>, vector<512x128xi32>
    %slice3A_211 = vector.extract_strided_slice %dot_general3A_8 {offsets = [0, 1664], sizes = [512, 128], strides = [1, 1]} : vector<512x2048xf32> to vector<512x128xf32>
    %get3A_212 = arith.constant 0 : index
    %get3A_213 = arith.constant 1664 : index
    %get3A_214 = vector.load %arg5[%get3A_212, %get3A_213] : memref<1x8192xf32, #tpu.memory_space<vmem>>, vector<1x128xf32>
    %get3A_215 = vector.shape_cast %get3A_214 : vector<1x128xf32> to vector<128xf32>
    %sub3A_216 = vector.broadcast %broadcast_in_dim3A : vector<512x1xf32> to vector<512x128xf32>
    %sub3A_217 = arith.subf %sub3A_216, %slice3A_211 : vector<512x128xf32>
    %broadcast_in_dim3A_218 = vector.shape_cast %get3A_215 : vector<128xf32> to vector<1x128xf32>
    %add3A_219 = vector.broadcast %broadcast_in_dim3A_218 : vector<1x128xf32> to vector<512x128xf32>
    %add3A_220 = arith.addf %sub3A_217, %add3A_219 : vector<512x128xf32>
    %lt3A_221 = arith.cmpf olt, %add3A_220, %select_n3A_207 : vector<512x128xf32>
    %select_n3A_222 = arith.select %lt3A_221, %add3A_220, %select_n3A_207 : vector<512x128xi1>, vector<512x128xf32>
    %jit3A_223 = arith.constant 1664 : i32
    %broadcast_in_dim3A_224 = vector.broadcast %jit3A_223 : i32 to vector<512x128xi32>
    %select_n3A_225 = arith.select %lt3A_221, %broadcast_in_dim3A_224, %select_n3A_210 : vector<512x128xi1>, vector<512x128xi32>
    %slice3A_226 = vector.extract_strided_slice %dot_general3A_8 {offsets = [0, 1792], sizes = [512, 128], strides = [1, 1]} : vector<512x2048xf32> to vector<512x128xf32>
    %get3A_227 = arith.constant 0 : index
    %get3A_228 = arith.constant 1792 : index
    %get3A_229 = vector.load %arg5[%get3A_227, %get3A_228] : memref<1x8192xf32, #tpu.memory_space<vmem>>, vector<1x128xf32>
    %get3A_230 = vector.shape_cast %get3A_229 : vector<1x128xf32> to vector<128xf32>
    %sub3A_231 = vector.broadcast %broadcast_in_dim3A : vector<512x1xf32> to vector<512x128xf32>
    %sub3A_232 = arith.subf %sub3A_231, %slice3A_226 : vector<512x128xf32>
    %broadcast_in_dim3A_233 = vector.shape_cast %get3A_230 : vector<128xf32> to vector<1x128xf32>
    %add3A_234 = vector.broadcast %broadcast_in_dim3A_233 : vector<1x128xf32> to vector<512x128xf32>
    %add3A_235 = arith.addf %sub3A_232, %add3A_234 : vector<512x128xf32>
    %lt3A_236 = arith.cmpf olt, %add3A_235, %select_n3A_222 : vector<512x128xf32>
    %select_n3A_237 = arith.select %lt3A_236, %add3A_235, %select_n3A_222 : vector<512x128xi1>, vector<512x128xf32>
    %jit3A_238 = arith.constant 1792 : i32
    %broadcast_in_dim3A_239 = vector.broadcast %jit3A_238 : i32 to vector<512x128xi32>
    %select_n3A_240 = arith.select %lt3A_236, %broadcast_in_dim3A_239, %select_n3A_225 : vector<512x128xi1>, vector<512x128xi32>
    %slice3A_241 = vector.extract_strided_slice %dot_general3A_8 {offsets = [0, 1920], sizes = [512, 128], strides = [1, 1]} : vector<512x2048xf32> to vector<512x128xf32>
    %get3A_242 = arith.constant 0 : index
    %get3A_243 = arith.constant 1920 : index
    %get3A_244 = vector.load %arg5[%get3A_242, %get3A_243] : memref<1x8192xf32, #tpu.memory_space<vmem>>, vector<1x128xf32>
    %get3A_245 = vector.shape_cast %get3A_244 : vector<1x128xf32> to vector<128xf32>
    %sub3A_246 = vector.broadcast %broadcast_in_dim3A : vector<512x1xf32> to vector<512x128xf32>
    %sub3A_247 = arith.subf %sub3A_246, %slice3A_241 : vector<512x128xf32>
    %broadcast_in_dim3A_248 = vector.shape_cast %get3A_245 : vector<128xf32> to vector<1x128xf32>
    %add3A_249 = vector.broadcast %broadcast_in_dim3A_248 : vector<1x128xf32> to vector<512x128xf32>
    %add3A_250 = arith.addf %sub3A_247, %add3A_249 : vector<512x128xf32>
    %lt3A_251 = arith.cmpf olt, %add3A_250, %select_n3A_237 : vector<512x128xf32>
    %select_n3A_252 = arith.select %lt3A_251, %add3A_250, %select_n3A_237 : vector<512x128xi1>, vector<512x128xf32>
    %jit3A_253 = arith.constant 1920 : i32
    %broadcast_in_dim3A_254 = vector.broadcast %jit3A_253 : i32 to vector<512x128xi32>
    %select_n3A_255 = arith.select %lt3A_251, %broadcast_in_dim3A_254, %select_n3A_240 : vector<512x128xi1>, vector<512x128xi32>
    %slice3A_256 = vector.extract_strided_slice %dot_general3A_13 {offsets = [0, 0], sizes = [512, 128], strides = [1, 1]} : vector<512x2048xf32> to vector<512x128xf32>
    %get3A_257 = arith.constant 0 : index
    %get3A_258 = arith.constant 2048 : index
    %get3A_259 = vector.load %arg5[%get3A_257, %get3A_258] : memref<1x8192xf32, #tpu.memory_space<vmem>>, vector<1x128xf32>
    %get3A_260 = vector.shape_cast %get3A_259 : vector<1x128xf32> to vector<128xf32>
    %sub3A_261 = vector.broadcast %broadcast_in_dim3A : vector<512x1xf32> to vector<512x128xf32>
    %sub3A_262 = arith.subf %sub3A_261, %slice3A_256 : vector<512x128xf32>
    %broadcast_in_dim3A_263 = vector.shape_cast %get3A_260 : vector<128xf32> to vector<1x128xf32>
    %add3A_264 = vector.broadcast %broadcast_in_dim3A_263 : vector<1x128xf32> to vector<512x128xf32>
    %add3A_265 = arith.addf %sub3A_262, %add3A_264 : vector<512x128xf32>
    %lt3A_266 = arith.cmpf olt, %add3A_265, %select_n3A_252 : vector<512x128xf32>
    %select_n3A_267 = arith.select %lt3A_266, %add3A_265, %select_n3A_252 : vector<512x128xi1>, vector<512x128xf32>
    %jit3A_268 = arith.constant 2048 : i32
    %broadcast_in_dim3A_269 = vector.broadcast %jit3A_268 : i32 to vector<512x128xi32>
    %select_n3A_270 = arith.select %lt3A_266, %broadcast_in_dim3A_269, %select_n3A_255 : vector<512x128xi1>, vector<512x128xi32>
    %slice3A_271 = vector.extract_strided_slice %dot_general3A_13 {offsets = [0, 128], sizes = [512, 128], strides = [1, 1]} : vector<512x2048xf32> to vector<512x128xf32>
    %get3A_272 = arith.constant 0 : index
    %get3A_273 = arith.constant 2176 : index
    %get3A_274 = vector.load %arg5[%get3A_272, %get3A_273] : memref<1x8192xf32, #tpu.memory_space<vmem>>, vector<1x128xf32>
    %get3A_275 = vector.shape_cast %get3A_274 : vector<1x128xf32> to vector<128xf32>
    %sub3A_276 = vector.broadcast %broadcast_in_dim3A : vector<512x1xf32> to vector<512x128xf32>
    %sub3A_277 = arith.subf %sub3A_276, %slice3A_271 : vector<512x128xf32>
    %broadcast_in_dim3A_278 = vector.shape_cast %get3A_275 : vector<128xf32> to vector<1x128xf32>
    %add3A_279 = vector.broadcast %broadcast_in_dim3A_278 : vector<1x128xf32> to vector<512x128xf32>
    %add3A_280 = arith.addf %sub3A_277, %add3A_279 : vector<512x128xf32>
    %lt3A_281 = arith.cmpf olt, %add3A_280, %select_n3A_267 : vector<512x128xf32>
    %select_n3A_282 = arith.select %lt3A_281, %add3A_280, %select_n3A_267 : vector<512x128xi1>, vector<512x128xf32>
    %jit3A_283 = arith.constant 2176 : i32
    %broadcast_in_dim3A_284 = vector.broadcast %jit3A_283 : i32 to vector<512x128xi32>
    %select_n3A_285 = arith.select %lt3A_281, %broadcast_in_dim3A_284, %select_n3A_270 : vector<512x128xi1>, vector<512x128xi32>
    %slice3A_286 = vector.extract_strided_slice %dot_general3A_13 {offsets = [0, 256], sizes = [512, 128], strides = [1, 1]} : vector<512x2048xf32> to vector<512x128xf32>
    %get3A_287 = arith.constant 0 : index
    %get3A_288 = arith.constant 2304 : index
    %get3A_289 = vector.load %arg5[%get3A_287, %get3A_288] : memref<1x8192xf32, #tpu.memory_space<vmem>>, vector<1x128xf32>
    %get3A_290 = vector.shape_cast %get3A_289 : vector<1x128xf32> to vector<128xf32>
    %sub3A_291 = vector.broadcast %broadcast_in_dim3A : vector<512x1xf32> to vector<512x128xf32>
    %sub3A_292 = arith.subf %sub3A_291, %slice3A_286 : vector<512x128xf32>
    %broadcast_in_dim3A_293 = vector.shape_cast %get3A_290 : vector<128xf32> to vector<1x128xf32>
    %add3A_294 = vector.broadcast %broadcast_in_dim3A_293 : vector<1x128xf32> to vector<512x128xf32>
    %add3A_295 = arith.addf %sub3A_292, %add3A_294 : vector<512x128xf32>
    %lt3A_296 = arith.cmpf olt, %add3A_295, %select_n3A_282 : vector<512x128xf32>
    %select_n3A_297 = arith.select %lt3A_296, %add3A_295, %select_n3A_282 : vector<512x128xi1>, vector<512x128xf32>
    %jit3A_298 = arith.constant 2304 : i32
    %broadcast_in_dim3A_299 = vector.broadcast %jit3A_298 : i32 to vector<512x128xi32>
    %select_n3A_300 = arith.select %lt3A_296, %broadcast_in_dim3A_299, %select_n3A_285 : vector<512x128xi1>, vector<512x128xi32>
    %slice3A_301 = vector.extract_strided_slice %dot_general3A_13 {offsets = [0, 384], sizes = [512, 128], strides = [1, 1]} : vector<512x2048xf32> to vector<512x128xf32>
    %get3A_302 = arith.constant 0 : index
    %get3A_303 = arith.constant 2432 : index
    %get3A_304 = vector.load %arg5[%get3A_302, %get3A_303] : memref<1x8192xf32, #tpu.memory_space<vmem>>, vector<1x128xf32>
    %get3A_305 = vector.shape_cast %get3A_304 : vector<1x128xf32> to vector<128xf32>
    %sub3A_306 = vector.broadcast %broadcast_in_dim3A : vector<512x1xf32> to vector<512x128xf32>
    %sub3A_307 = arith.subf %sub3A_306, %slice3A_301 : vector<512x128xf32>
    %broadcast_in_dim3A_308 = vector.shape_cast %get3A_305 : vector<128xf32> to vector<1x128xf32>
    %add3A_309 = vector.broadcast %broadcast_in_dim3A_308 : vector<1x128xf32> to vector<512x128xf32>
    %add3A_310 = arith.addf %sub3A_307, %add3A_309 : vector<512x128xf32>
    %lt3A_311 = arith.cmpf olt, %add3A_310, %select_n3A_297 : vector<512x128xf32>
    %select_n3A_312 = arith.select %lt3A_311, %add3A_310, %select_n3A_297 : vector<512x128xi1>, vector<512x128xf32>
    %jit3A_313 = arith.constant 2432 : i32
    %broadcast_in_dim3A_314 = vector.broadcast %jit3A_313 : i32 to vector<512x128xi32>
    %select_n3A_315 = arith.select %lt3A_311, %broadcast_in_dim3A_314, %select_n3A_300 : vector<512x128xi1>, vector<512x128xi32>
    %slice3A_316 = vector.extract_strided_slice %dot_general3A_13 {offsets = [0, 512], sizes = [512, 128], strides = [1, 1]} : vector<512x2048xf32> to vector<512x128xf32>
    %get3A_317 = arith.constant 0 : index
    %get3A_318 = arith.constant 2560 : index
    %get3A_319 = vector.load %arg5[%get3A_317, %get3A_318] : memref<1x8192xf32, #tpu.memory_space<vmem>>, vector<1x128xf32>
    %get3A_320 = vector.shape_cast %get3A_319 : vector<1x128xf32> to vector<128xf32>
    %sub3A_321 = vector.broadcast %broadcast_in_dim3A : vector<512x1xf32> to vector<512x128xf32>
    %sub3A_322 = arith.subf %sub3A_321, %slice3A_316 : vector<512x128xf32>
    %broadcast_in_dim3A_323 = vector.shape_cast %get3A_320 : vector<128xf32> to vector<1x128xf32>
    %add3A_324 = vector.broadcast %broadcast_in_dim3A_323 : vector<1x128xf32> to vector<512x128xf32>
    %add3A_325 = arith.addf %sub3A_322, %add3A_324 : vector<512x128xf32>
    %lt3A_326 = arith.cmpf olt, %add3A_325, %select_n3A_312 : vector<512x128xf32>
    %select_n3A_327 = arith.select %lt3A_326, %add3A_325, %select_n3A_312 : vector<512x128xi1>, vector<512x128xf32>
    %jit3A_328 = arith.constant 2560 : i32
    %broadcast_in_dim3A_329 = vector.broadcast %jit3A_328 : i32 to vector<512x128xi32>
    %select_n3A_330 = arith.select %lt3A_326, %broadcast_in_dim3A_329, %select_n3A_315 : vector<512x128xi1>, vector<512x128xi32>
    %slice3A_331 = vector.extract_strided_slice %dot_general3A_13 {offsets = [0, 640], sizes = [512, 128], strides = [1, 1]} : vector<512x2048xf32> to vector<512x128xf32>
    %get3A_332 = arith.constant 0 : index
    %get3A_333 = arith.constant 2688 : index
    %get3A_334 = vector.load %arg5[%get3A_332, %get3A_333] : memref<1x8192xf32, #tpu.memory_space<vmem>>, vector<1x128xf32>
    %get3A_335 = vector.shape_cast %get3A_334 : vector<1x128xf32> to vector<128xf32>
    %sub3A_336 = vector.broadcast %broadcast_in_dim3A : vector<512x1xf32> to vector<512x128xf32>
    %sub3A_337 = arith.subf %sub3A_336, %slice3A_331 : vector<512x128xf32>
    %broadcast_in_dim3A_338 = vector.shape_cast %get3A_335 : vector<128xf32> to vector<1x128xf32>
    %add3A_339 = vector.broadcast %broadcast_in_dim3A_338 : vector<1x128xf32> to vector<512x128xf32>
    %add3A_340 = arith.addf %sub3A_337, %add3A_339 : vector<512x128xf32>
    %lt3A_341 = arith.cmpf olt, %add3A_340, %select_n3A_327 : vector<512x128xf32>
    %select_n3A_342 = arith.select %lt3A_341, %add3A_340, %select_n3A_327 : vector<512x128xi1>, vector<512x128xf32>
    %jit3A_343 = arith.constant 2688 : i32
    %broadcast_in_dim3A_344 = vector.broadcast %jit3A_343 : i32 to vector<512x128xi32>
    %select_n3A_345 = arith.select %lt3A_341, %broadcast_in_dim3A_344, %select_n3A_330 : vector<512x128xi1>, vector<512x128xi32>
    %slice3A_346 = vector.extract_strided_slice %dot_general3A_13 {offsets = [0, 768], sizes = [512, 128], strides = [1, 1]} : vector<512x2048xf32> to vector<512x128xf32>
    %get3A_347 = arith.constant 0 : index
    %get3A_348 = arith.constant 2816 : index
    %get3A_349 = vector.load %arg5[%get3A_347, %get3A_348] : memref<1x8192xf32, #tpu.memory_space<vmem>>, vector<1x128xf32>
    %get3A_350 = vector.shape_cast %get3A_349 : vector<1x128xf32> to vector<128xf32>
    %sub3A_351 = vector.broadcast %broadcast_in_dim3A : vector<512x1xf32> to vector<512x128xf32>
    %sub3A_352 = arith.subf %sub3A_351, %slice3A_346 : vector<512x128xf32>
    %broadcast_in_dim3A_353 = vector.shape_cast %get3A_350 : vector<128xf32> to vector<1x128xf32>
    %add3A_354 = vector.broadcast %broadcast_in_dim3A_353 : vector<1x128xf32> to vector<512x128xf32>
    %add3A_355 = arith.addf %sub3A_352, %add3A_354 : vector<512x128xf32>
    %lt3A_356 = arith.cmpf olt, %add3A_355, %select_n3A_342 : vector<512x128xf32>
    %select_n3A_357 = arith.select %lt3A_356, %add3A_355, %select_n3A_342 : vector<512x128xi1>, vector<512x128xf32>
    %jit3A_358 = arith.constant 2816 : i32
    %broadcast_in_dim3A_359 = vector.broadcast %jit3A_358 : i32 to vector<512x128xi32>
    %select_n3A_360 = arith.select %lt3A_356, %broadcast_in_dim3A_359, %select_n3A_345 : vector<512x128xi1>, vector<512x128xi32>
    %slice3A_361 = vector.extract_strided_slice %dot_general3A_13 {offsets = [0, 896], sizes = [512, 128], strides = [1, 1]} : vector<512x2048xf32> to vector<512x128xf32>
    %get3A_362 = arith.constant 0 : index
    %get3A_363 = arith.constant 2944 : index
    %get3A_364 = vector.load %arg5[%get3A_362, %get3A_363] : memref<1x8192xf32, #tpu.memory_space<vmem>>, vector<1x128xf32>
    %get3A_365 = vector.shape_cast %get3A_364 : vector<1x128xf32> to vector<128xf32>
    %sub3A_366 = vector.broadcast %broadcast_in_dim3A : vector<512x1xf32> to vector<512x128xf32>
    %sub3A_367 = arith.subf %sub3A_366, %slice3A_361 : vector<512x128xf32>
    %broadcast_in_dim3A_368 = vector.shape_cast %get3A_365 : vector<128xf32> to vector<1x128xf32>
    %add3A_369 = vector.broadcast %broadcast_in_dim3A_368 : vector<1x128xf32> to vector<512x128xf32>
    %add3A_370 = arith.addf %sub3A_367, %add3A_369 : vector<512x128xf32>
    %lt3A_371 = arith.cmpf olt, %add3A_370, %select_n3A_357 : vector<512x128xf32>
    %select_n3A_372 = arith.select %lt3A_371, %add3A_370, %select_n3A_357 : vector<512x128xi1>, vector<512x128xf32>
    %jit3A_373 = arith.constant 2944 : i32
    %broadcast_in_dim3A_374 = vector.broadcast %jit3A_373 : i32 to vector<512x128xi32>
    %select_n3A_375 = arith.select %lt3A_371, %broadcast_in_dim3A_374, %select_n3A_360 : vector<512x128xi1>, vector<512x128xi32>
    %slice3A_376 = vector.extract_strided_slice %dot_general3A_13 {offsets = [0, 1024], sizes = [512, 128], strides = [1, 1]} : vector<512x2048xf32> to vector<512x128xf32>
    %get3A_377 = arith.constant 0 : index
    %get3A_378 = arith.constant 3072 : index
    %get3A_379 = vector.load %arg5[%get3A_377, %get3A_378] : memref<1x8192xf32, #tpu.memory_space<vmem>>, vector<1x128xf32>
    %get3A_380 = vector.shape_cast %get3A_379 : vector<1x128xf32> to vector<128xf32>
    %sub3A_381 = vector.broadcast %broadcast_in_dim3A : vector<512x1xf32> to vector<512x128xf32>
    %sub3A_382 = arith.subf %sub3A_381, %slice3A_376 : vector<512x128xf32>
    %broadcast_in_dim3A_383 = vector.shape_cast %get3A_380 : vector<128xf32> to vector<1x128xf32>
    %add3A_384 = vector.broadcast %broadcast_in_dim3A_383 : vector<1x128xf32> to vector<512x128xf32>
    %add3A_385 = arith.addf %sub3A_382, %add3A_384 : vector<512x128xf32>
    %lt3A_386 = arith.cmpf olt, %add3A_385, %select_n3A_372 : vector<512x128xf32>
    %select_n3A_387 = arith.select %lt3A_386, %add3A_385, %select_n3A_372 : vector<512x128xi1>, vector<512x128xf32>
    %jit3A_388 = arith.constant 3072 : i32
    %broadcast_in_dim3A_389 = vector.broadcast %jit3A_388 : i32 to vector<512x128xi32>
    %select_n3A_390 = arith.select %lt3A_386, %broadcast_in_dim3A_389, %select_n3A_375 : vector<512x128xi1>, vector<512x128xi32>
    %slice3A_391 = vector.extract_strided_slice %dot_general3A_13 {offsets = [0, 1152], sizes = [512, 128], strides = [1, 1]} : vector<512x2048xf32> to vector<512x128xf32>
    %get3A_392 = arith.constant 0 : index
    %get3A_393 = arith.constant 3200 : index
    %get3A_394 = vector.load %arg5[%get3A_392, %get3A_393] : memref<1x8192xf32, #tpu.memory_space<vmem>>, vector<1x128xf32>
    %get3A_395 = vector.shape_cast %get3A_394 : vector<1x128xf32> to vector<128xf32>
    %sub3A_396 = vector.broadcast %broadcast_in_dim3A : vector<512x1xf32> to vector<512x128xf32>
    %sub3A_397 = arith.subf %sub3A_396, %slice3A_391 : vector<512x128xf32>
    %broadcast_in_dim3A_398 = vector.shape_cast %get3A_395 : vector<128xf32> to vector<1x128xf32>
    %add3A_399 = vector.broadcast %broadcast_in_dim3A_398 : vector<1x128xf32> to vector<512x128xf32>
    %add3A_400 = arith.addf %sub3A_397, %add3A_399 : vector<512x128xf32>
    %lt3A_401 = arith.cmpf olt, %add3A_400, %select_n3A_387 : vector<512x128xf32>
    %select_n3A_402 = arith.select %lt3A_401, %add3A_400, %select_n3A_387 : vector<512x128xi1>, vector<512x128xf32>
    %jit3A_403 = arith.constant 3200 : i32
    %broadcast_in_dim3A_404 = vector.broadcast %jit3A_403 : i32 to vector<512x128xi32>
    %select_n3A_405 = arith.select %lt3A_401, %broadcast_in_dim3A_404, %select_n3A_390 : vector<512x128xi1>, vector<512x128xi32>
    %slice3A_406 = vector.extract_strided_slice %dot_general3A_13 {offsets = [0, 1280], sizes = [512, 128], strides = [1, 1]} : vector<512x2048xf32> to vector<512x128xf32>
    %get3A_407 = arith.constant 0 : index
    %get3A_408 = arith.constant 3328 : index
    %get3A_409 = vector.load %arg5[%get3A_407, %get3A_408] : memref<1x8192xf32, #tpu.memory_space<vmem>>, vector<1x128xf32>
    %get3A_410 = vector.shape_cast %get3A_409 : vector<1x128xf32> to vector<128xf32>
    %sub3A_411 = vector.broadcast %broadcast_in_dim3A : vector<512x1xf32> to vector<512x128xf32>
    %sub3A_412 = arith.subf %sub3A_411, %slice3A_406 : vector<512x128xf32>
    %broadcast_in_dim3A_413 = vector.shape_cast %get3A_410 : vector<128xf32> to vector<1x128xf32>
    %add3A_414 = vector.broadcast %broadcast_in_dim3A_413 : vector<1x128xf32> to vector<512x128xf32>
    %add3A_415 = arith.addf %sub3A_412, %add3A_414 : vector<512x128xf32>
    %lt3A_416 = arith.cmpf olt, %add3A_415, %select_n3A_402 : vector<512x128xf32>
    %select_n3A_417 = arith.select %lt3A_416, %add3A_415, %select_n3A_402 : vector<512x128xi1>, vector<512x128xf32>
    %jit3A_418 = arith.constant 3328 : i32
    %broadcast_in_dim3A_419 = vector.broadcast %jit3A_418 : i32 to vector<512x128xi32>
    %select_n3A_420 = arith.select %lt3A_416, %broadcast_in_dim3A_419, %select_n3A_405 : vector<512x128xi1>, vector<512x128xi32>
    %slice3A_421 = vector.extract_strided_slice %dot_general3A_13 {offsets = [0, 1408], sizes = [512, 128], strides = [1, 1]} : vector<512x2048xf32> to vector<512x128xf32>
    %get3A_422 = arith.constant 0 : index
    %get3A_423 = arith.constant 3456 : index
    %get3A_424 = vector.load %arg5[%get3A_422, %get3A_423] : memref<1x8192xf32, #tpu.memory_space<vmem>>, vector<1x128xf32>
    %get3A_425 = vector.shape_cast %get3A_424 : vector<1x128xf32> to vector<128xf32>
    %sub3A_426 = vector.broadcast %broadcast_in_dim3A : vector<512x1xf32> to vector<512x128xf32>
    %sub3A_427 = arith.subf %sub3A_426, %slice3A_421 : vector<512x128xf32>
    %broadcast_in_dim3A_428 = vector.shape_cast %get3A_425 : vector<128xf32> to vector<1x128xf32>
    %add3A_429 = vector.broadcast %broadcast_in_dim3A_428 : vector<1x128xf32> to vector<512x128xf32>
    %add3A_430 = arith.addf %sub3A_427, %add3A_429 : vector<512x128xf32>
    %lt3A_431 = arith.cmpf olt, %add3A_430, %select_n3A_417 : vector<512x128xf32>
    %select_n3A_432 = arith.select %lt3A_431, %add3A_430, %select_n3A_417 : vector<512x128xi1>, vector<512x128xf32>
    %jit3A_433 = arith.constant 3456 : i32
    %broadcast_in_dim3A_434 = vector.broadcast %jit3A_433 : i32 to vector<512x128xi32>
    %select_n3A_435 = arith.select %lt3A_431, %broadcast_in_dim3A_434, %select_n3A_420 : vector<512x128xi1>, vector<512x128xi32>
    %slice3A_436 = vector.extract_strided_slice %dot_general3A_13 {offsets = [0, 1536], sizes = [512, 128], strides = [1, 1]} : vector<512x2048xf32> to vector<512x128xf32>
    %get3A_437 = arith.constant 0 : index
    %get3A_438 = arith.constant 3584 : index
    %get3A_439 = vector.load %arg5[%get3A_437, %get3A_438] : memref<1x8192xf32, #tpu.memory_space<vmem>>, vector<1x128xf32>
    %get3A_440 = vector.shape_cast %get3A_439 : vector<1x128xf32> to vector<128xf32>
    %sub3A_441 = vector.broadcast %broadcast_in_dim3A : vector<512x1xf32> to vector<512x128xf32>
    %sub3A_442 = arith.subf %sub3A_441, %slice3A_436 : vector<512x128xf32>
    %broadcast_in_dim3A_443 = vector.shape_cast %get3A_440 : vector<128xf32> to vector<1x128xf32>
    %add3A_444 = vector.broadcast %broadcast_in_dim3A_443 : vector<1x128xf32> to vector<512x128xf32>
    %add3A_445 = arith.addf %sub3A_442, %add3A_444 : vector<512x128xf32>
    %lt3A_446 = arith.cmpf olt, %add3A_445, %select_n3A_432 : vector<512x128xf32>
    %select_n3A_447 = arith.select %lt3A_446, %add3A_445, %select_n3A_432 : vector<512x128xi1>, vector<512x128xf32>
    %jit3A_448 = arith.constant 3584 : i32
    %broadcast_in_dim3A_449 = vector.broadcast %jit3A_448 : i32 to vector<512x128xi32>
    %select_n3A_450 = arith.select %lt3A_446, %broadcast_in_dim3A_449, %select_n3A_435 : vector<512x128xi1>, vector<512x128xi32>
    %slice3A_451 = vector.extract_strided_slice %dot_general3A_13 {offsets = [0, 1664], sizes = [512, 128], strides = [1, 1]} : vector<512x2048xf32> to vector<512x128xf32>
    %get3A_452 = arith.constant 0 : index
    %get3A_453 = arith.constant 3712 : index
    %get3A_454 = vector.load %arg5[%get3A_452, %get3A_453] : memref<1x8192xf32, #tpu.memory_space<vmem>>, vector<1x128xf32>
    %get3A_455 = vector.shape_cast %get3A_454 : vector<1x128xf32> to vector<128xf32>
    %sub3A_456 = vector.broadcast %broadcast_in_dim3A : vector<512x1xf32> to vector<512x128xf32>
    %sub3A_457 = arith.subf %sub3A_456, %slice3A_451 : vector<512x128xf32>
    %broadcast_in_dim3A_458 = vector.shape_cast %get3A_455 : vector<128xf32> to vector<1x128xf32>
    %add3A_459 = vector.broadcast %broadcast_in_dim3A_458 : vector<1x128xf32> to vector<512x128xf32>
    %add3A_460 = arith.addf %sub3A_457, %add3A_459 : vector<512x128xf32>
    %lt3A_461 = arith.cmpf olt, %add3A_460, %select_n3A_447 : vector<512x128xf32>
    %select_n3A_462 = arith.select %lt3A_461, %add3A_460, %select_n3A_447 : vector<512x128xi1>, vector<512x128xf32>
    %jit3A_463 = arith.constant 3712 : i32
    %broadcast_in_dim3A_464 = vector.broadcast %jit3A_463 : i32 to vector<512x128xi32>
    %select_n3A_465 = arith.select %lt3A_461, %broadcast_in_dim3A_464, %select_n3A_450 : vector<512x128xi1>, vector<512x128xi32>
    %slice3A_466 = vector.extract_strided_slice %dot_general3A_13 {offsets = [0, 1792], sizes = [512, 128], strides = [1, 1]} : vector<512x2048xf32> to vector<512x128xf32>
    %get3A_467 = arith.constant 0 : index
    %get3A_468 = arith.constant 3840 : index
    %get3A_469 = vector.load %arg5[%get3A_467, %get3A_468] : memref<1x8192xf32, #tpu.memory_space<vmem>>, vector<1x128xf32>
    %get3A_470 = vector.shape_cast %get3A_469 : vector<1x128xf32> to vector<128xf32>
    %sub3A_471 = vector.broadcast %broadcast_in_dim3A : vector<512x1xf32> to vector<512x128xf32>
    %sub3A_472 = arith.subf %sub3A_471, %slice3A_466 : vector<512x128xf32>
    %broadcast_in_dim3A_473 = vector.shape_cast %get3A_470 : vector<128xf32> to vector<1x128xf32>
    %add3A_474 = vector.broadcast %broadcast_in_dim3A_473 : vector<1x128xf32> to vector<512x128xf32>
    %add3A_475 = arith.addf %sub3A_472, %add3A_474 : vector<512x128xf32>
    %lt3A_476 = arith.cmpf olt, %add3A_475, %select_n3A_462 : vector<512x128xf32>
    %select_n3A_477 = arith.select %lt3A_476, %add3A_475, %select_n3A_462 : vector<512x128xi1>, vector<512x128xf32>
    %jit3A_478 = arith.constant 3840 : i32
    %broadcast_in_dim3A_479 = vector.broadcast %jit3A_478 : i32 to vector<512x128xi32>
    %select_n3A_480 = arith.select %lt3A_476, %broadcast_in_dim3A_479, %select_n3A_465 : vector<512x128xi1>, vector<512x128xi32>
    %slice3A_481 = vector.extract_strided_slice %dot_general3A_13 {offsets = [0, 1920], sizes = [512, 128], strides = [1, 1]} : vector<512x2048xf32> to vector<512x128xf32>
    %get3A_482 = arith.constant 0 : index
    %get3A_483 = arith.constant 3968 : index
    %get3A_484 = vector.load %arg5[%get3A_482, %get3A_483] : memref<1x8192xf32, #tpu.memory_space<vmem>>, vector<1x128xf32>
    %get3A_485 = vector.shape_cast %get3A_484 : vector<1x128xf32> to vector<128xf32>
    %sub3A_486 = vector.broadcast %broadcast_in_dim3A : vector<512x1xf32> to vector<512x128xf32>
    %sub3A_487 = arith.subf %sub3A_486, %slice3A_481 : vector<512x128xf32>
    %broadcast_in_dim3A_488 = vector.shape_cast %get3A_485 : vector<128xf32> to vector<1x128xf32>
    %add3A_489 = vector.broadcast %broadcast_in_dim3A_488 : vector<1x128xf32> to vector<512x128xf32>
    %add3A_490 = arith.addf %sub3A_487, %add3A_489 : vector<512x128xf32>
    %lt3A_491 = arith.cmpf olt, %add3A_490, %select_n3A_477 : vector<512x128xf32>
    %select_n3A_492 = arith.select %lt3A_491, %add3A_490, %select_n3A_477 : vector<512x128xi1>, vector<512x128xf32>
    %jit3A_493 = arith.constant 3968 : i32
    %broadcast_in_dim3A_494 = vector.broadcast %jit3A_493 : i32 to vector<512x128xi32>
    %select_n3A_495 = arith.select %lt3A_491, %broadcast_in_dim3A_494, %select_n3A_480 : vector<512x128xi1>, vector<512x128xi32>
    %slice3A_496 = vector.extract_strided_slice %dot_general3A_18 {offsets = [0, 0], sizes = [512, 128], strides = [1, 1]} : vector<512x2048xf32> to vector<512x128xf32>
    %get3A_497 = arith.constant 0 : index
    %get3A_498 = arith.constant 4096 : index
    %get3A_499 = vector.load %arg5[%get3A_497, %get3A_498] : memref<1x8192xf32, #tpu.memory_space<vmem>>, vector<1x128xf32>
    %get3A_500 = vector.shape_cast %get3A_499 : vector<1x128xf32> to vector<128xf32>
    %sub3A_501 = vector.broadcast %broadcast_in_dim3A : vector<512x1xf32> to vector<512x128xf32>
    %sub3A_502 = arith.subf %sub3A_501, %slice3A_496 : vector<512x128xf32>
    %broadcast_in_dim3A_503 = vector.shape_cast %get3A_500 : vector<128xf32> to vector<1x128xf32>
    %add3A_504 = vector.broadcast %broadcast_in_dim3A_503 : vector<1x128xf32> to vector<512x128xf32>
    %add3A_505 = arith.addf %sub3A_502, %add3A_504 : vector<512x128xf32>
    %lt3A_506 = arith.cmpf olt, %add3A_505, %select_n3A_492 : vector<512x128xf32>
    %select_n3A_507 = arith.select %lt3A_506, %add3A_505, %select_n3A_492 : vector<512x128xi1>, vector<512x128xf32>
    %jit3A_508 = arith.constant 4096 : i32
    %broadcast_in_dim3A_509 = vector.broadcast %jit3A_508 : i32 to vector<512x128xi32>
    %select_n3A_510 = arith.select %lt3A_506, %broadcast_in_dim3A_509, %select_n3A_495 : vector<512x128xi1>, vector<512x128xi32>
    %slice3A_511 = vector.extract_strided_slice %dot_general3A_18 {offsets = [0, 128], sizes = [512, 128], strides = [1, 1]} : vector<512x2048xf32> to vector<512x128xf32>
    %get3A_512 = arith.constant 0 : index
    %get3A_513 = arith.constant 4224 : index
    %get3A_514 = vector.load %arg5[%get3A_512, %get3A_513] : memref<1x8192xf32, #tpu.memory_space<vmem>>, vector<1x128xf32>
    %get3A_515 = vector.shape_cast %get3A_514 : vector<1x128xf32> to vector<128xf32>
    %sub3A_516 = vector.broadcast %broadcast_in_dim3A : vector<512x1xf32> to vector<512x128xf32>
    %sub3A_517 = arith.subf %sub3A_516, %slice3A_511 : vector<512x128xf32>
    %broadcast_in_dim3A_518 = vector.shape_cast %get3A_515 : vector<128xf32> to vector<1x128xf32>
    %add3A_519 = vector.broadcast %broadcast_in_dim3A_518 : vector<1x128xf32> to vector<512x128xf32>
    %add3A_520 = arith.addf %sub3A_517, %add3A_519 : vector<512x128xf32>
    %lt3A_521 = arith.cmpf olt, %add3A_520, %select_n3A_507 : vector<512x128xf32>
    %select_n3A_522 = arith.select %lt3A_521, %add3A_520, %select_n3A_507 : vector<512x128xi1>, vector<512x128xf32>
    %jit3A_523 = arith.constant 4224 : i32
    %broadcast_in_dim3A_524 = vector.broadcast %jit3A_523 : i32 to vector<512x128xi32>
    %select_n3A_525 = arith.select %lt3A_521, %broadcast_in_dim3A_524, %select_n3A_510 : vector<512x128xi1>, vector<512x128xi32>
    %slice3A_526 = vector.extract_strided_slice %dot_general3A_18 {offsets = [0, 256], sizes = [512, 128], strides = [1, 1]} : vector<512x2048xf32> to vector<512x128xf32>
    %get3A_527 = arith.constant 0 : index
    %get3A_528 = arith.constant 4352 : index
    %get3A_529 = vector.load %arg5[%get3A_527, %get3A_528] : memref<1x8192xf32, #tpu.memory_space<vmem>>, vector<1x128xf32>
    %get3A_530 = vector.shape_cast %get3A_529 : vector<1x128xf32> to vector<128xf32>
    %sub3A_531 = vector.broadcast %broadcast_in_dim3A : vector<512x1xf32> to vector<512x128xf32>
    %sub3A_532 = arith.subf %sub3A_531, %slice3A_526 : vector<512x128xf32>
    %broadcast_in_dim3A_533 = vector.shape_cast %get3A_530 : vector<128xf32> to vector<1x128xf32>
    %add3A_534 = vector.broadcast %broadcast_in_dim3A_533 : vector<1x128xf32> to vector<512x128xf32>
    %add3A_535 = arith.addf %sub3A_532, %add3A_534 : vector<512x128xf32>
    %lt3A_536 = arith.cmpf olt, %add3A_535, %select_n3A_522 : vector<512x128xf32>
    %select_n3A_537 = arith.select %lt3A_536, %add3A_535, %select_n3A_522 : vector<512x128xi1>, vector<512x128xf32>
    %jit3A_538 = arith.constant 4352 : i32
    %broadcast_in_dim3A_539 = vector.broadcast %jit3A_538 : i32 to vector<512x128xi32>
    %select_n3A_540 = arith.select %lt3A_536, %broadcast_in_dim3A_539, %select_n3A_525 : vector<512x128xi1>, vector<512x128xi32>
    %slice3A_541 = vector.extract_strided_slice %dot_general3A_18 {offsets = [0, 384], sizes = [512, 128], strides = [1, 1]} : vector<512x2048xf32> to vector<512x128xf32>
    %get3A_542 = arith.constant 0 : index
    %get3A_543 = arith.constant 4480 : index
    %get3A_544 = vector.load %arg5[%get3A_542, %get3A_543] : memref<1x8192xf32, #tpu.memory_space<vmem>>, vector<1x128xf32>
    %get3A_545 = vector.shape_cast %get3A_544 : vector<1x128xf32> to vector<128xf32>
    %sub3A_546 = vector.broadcast %broadcast_in_dim3A : vector<512x1xf32> to vector<512x128xf32>
    %sub3A_547 = arith.subf %sub3A_546, %slice3A_541 : vector<512x128xf32>
    %broadcast_in_dim3A_548 = vector.shape_cast %get3A_545 : vector<128xf32> to vector<1x128xf32>
    %add3A_549 = vector.broadcast %broadcast_in_dim3A_548 : vector<1x128xf32> to vector<512x128xf32>
    %add3A_550 = arith.addf %sub3A_547, %add3A_549 : vector<512x128xf32>
    %lt3A_551 = arith.cmpf olt, %add3A_550, %select_n3A_537 : vector<512x128xf32>
    %select_n3A_552 = arith.select %lt3A_551, %add3A_550, %select_n3A_537 : vector<512x128xi1>, vector<512x128xf32>
    %jit3A_553 = arith.constant 4480 : i32
    %broadcast_in_dim3A_554 = vector.broadcast %jit3A_553 : i32 to vector<512x128xi32>
    %select_n3A_555 = arith.select %lt3A_551, %broadcast_in_dim3A_554, %select_n3A_540 : vector<512x128xi1>, vector<512x128xi32>
    %slice3A_556 = vector.extract_strided_slice %dot_general3A_18 {offsets = [0, 512], sizes = [512, 128], strides = [1, 1]} : vector<512x2048xf32> to vector<512x128xf32>
    %get3A_557 = arith.constant 0 : index
    %get3A_558 = arith.constant 4608 : index
    %get3A_559 = vector.load %arg5[%get3A_557, %get3A_558] : memref<1x8192xf32, #tpu.memory_space<vmem>>, vector<1x128xf32>
    %get3A_560 = vector.shape_cast %get3A_559 : vector<1x128xf32> to vector<128xf32>
    %sub3A_561 = vector.broadcast %broadcast_in_dim3A : vector<512x1xf32> to vector<512x128xf32>
    %sub3A_562 = arith.subf %sub3A_561, %slice3A_556 : vector<512x128xf32>
    %broadcast_in_dim3A_563 = vector.shape_cast %get3A_560 : vector<128xf32> to vector<1x128xf32>
    %add3A_564 = vector.broadcast %broadcast_in_dim3A_563 : vector<1x128xf32> to vector<512x128xf32>
    %add3A_565 = arith.addf %sub3A_562, %add3A_564 : vector<512x128xf32>
    %lt3A_566 = arith.cmpf olt, %add3A_565, %select_n3A_552 : vector<512x128xf32>
    %select_n3A_567 = arith.select %lt3A_566, %add3A_565, %select_n3A_552 : vector<512x128xi1>, vector<512x128xf32>
    %jit3A_568 = arith.constant 4608 : i32
    %broadcast_in_dim3A_569 = vector.broadcast %jit3A_568 : i32 to vector<512x128xi32>
    %select_n3A_570 = arith.select %lt3A_566, %broadcast_in_dim3A_569, %select_n3A_555 : vector<512x128xi1>, vector<512x128xi32>
    %slice3A_571 = vector.extract_strided_slice %dot_general3A_18 {offsets = [0, 640], sizes = [512, 128], strides = [1, 1]} : vector<512x2048xf32> to vector<512x128xf32>
    %get3A_572 = arith.constant 0 : index
    %get3A_573 = arith.constant 4736 : index
    %get3A_574 = vector.load %arg5[%get3A_572, %get3A_573] : memref<1x8192xf32, #tpu.memory_space<vmem>>, vector<1x128xf32>
    %get3A_575 = vector.shape_cast %get3A_574 : vector<1x128xf32> to vector<128xf32>
    %sub3A_576 = vector.broadcast %broadcast_in_dim3A : vector<512x1xf32> to vector<512x128xf32>
    %sub3A_577 = arith.subf %sub3A_576, %slice3A_571 : vector<512x128xf32>
    %broadcast_in_dim3A_578 = vector.shape_cast %get3A_575 : vector<128xf32> to vector<1x128xf32>
    %add3A_579 = vector.broadcast %broadcast_in_dim3A_578 : vector<1x128xf32> to vector<512x128xf32>
    %add3A_580 = arith.addf %sub3A_577, %add3A_579 : vector<512x128xf32>
    %lt3A_581 = arith.cmpf olt, %add3A_580, %select_n3A_567 : vector<512x128xf32>
    %select_n3A_582 = arith.select %lt3A_581, %add3A_580, %select_n3A_567 : vector<512x128xi1>, vector<512x128xf32>
    %jit3A_583 = arith.constant 4736 : i32
    %broadcast_in_dim3A_584 = vector.broadcast %jit3A_583 : i32 to vector<512x128xi32>
    %select_n3A_585 = arith.select %lt3A_581, %broadcast_in_dim3A_584, %select_n3A_570 : vector<512x128xi1>, vector<512x128xi32>
    %slice3A_586 = vector.extract_strided_slice %dot_general3A_18 {offsets = [0, 768], sizes = [512, 128], strides = [1, 1]} : vector<512x2048xf32> to vector<512x128xf32>
    %get3A_587 = arith.constant 0 : index
    %get3A_588 = arith.constant 4864 : index
    %get3A_589 = vector.load %arg5[%get3A_587, %get3A_588] : memref<1x8192xf32, #tpu.memory_space<vmem>>, vector<1x128xf32>
    %get3A_590 = vector.shape_cast %get3A_589 : vector<1x128xf32> to vector<128xf32>
    %sub3A_591 = vector.broadcast %broadcast_in_dim3A : vector<512x1xf32> to vector<512x128xf32>
    %sub3A_592 = arith.subf %sub3A_591, %slice3A_586 : vector<512x128xf32>
    %broadcast_in_dim3A_593 = vector.shape_cast %get3A_590 : vector<128xf32> to vector<1x128xf32>
    %add3A_594 = vector.broadcast %broadcast_in_dim3A_593 : vector<1x128xf32> to vector<512x128xf32>
    %add3A_595 = arith.addf %sub3A_592, %add3A_594 : vector<512x128xf32>
    %lt3A_596 = arith.cmpf olt, %add3A_595, %select_n3A_582 : vector<512x128xf32>
    %select_n3A_597 = arith.select %lt3A_596, %add3A_595, %select_n3A_582 : vector<512x128xi1>, vector<512x128xf32>
    %jit3A_598 = arith.constant 4864 : i32
    %broadcast_in_dim3A_599 = vector.broadcast %jit3A_598 : i32 to vector<512x128xi32>
    %select_n3A_600 = arith.select %lt3A_596, %broadcast_in_dim3A_599, %select_n3A_585 : vector<512x128xi1>, vector<512x128xi32>
    %slice3A_601 = vector.extract_strided_slice %dot_general3A_18 {offsets = [0, 896], sizes = [512, 128], strides = [1, 1]} : vector<512x2048xf32> to vector<512x128xf32>
    %get3A_602 = arith.constant 0 : index
    %get3A_603 = arith.constant 4992 : index
    %get3A_604 = vector.load %arg5[%get3A_602, %get3A_603] : memref<1x8192xf32, #tpu.memory_space<vmem>>, vector<1x128xf32>
    %get3A_605 = vector.shape_cast %get3A_604 : vector<1x128xf32> to vector<128xf32>
    %sub3A_606 = vector.broadcast %broadcast_in_dim3A : vector<512x1xf32> to vector<512x128xf32>
    %sub3A_607 = arith.subf %sub3A_606, %slice3A_601 : vector<512x128xf32>
    %broadcast_in_dim3A_608 = vector.shape_cast %get3A_605 : vector<128xf32> to vector<1x128xf32>
    %add3A_609 = vector.broadcast %broadcast_in_dim3A_608 : vector<1x128xf32> to vector<512x128xf32>
    %add3A_610 = arith.addf %sub3A_607, %add3A_609 : vector<512x128xf32>
    %lt3A_611 = arith.cmpf olt, %add3A_610, %select_n3A_597 : vector<512x128xf32>
    %select_n3A_612 = arith.select %lt3A_611, %add3A_610, %select_n3A_597 : vector<512x128xi1>, vector<512x128xf32>
    %jit3A_613 = arith.constant 4992 : i32
    %broadcast_in_dim3A_614 = vector.broadcast %jit3A_613 : i32 to vector<512x128xi32>
    %select_n3A_615 = arith.select %lt3A_611, %broadcast_in_dim3A_614, %select_n3A_600 : vector<512x128xi1>, vector<512x128xi32>
    %slice3A_616 = vector.extract_strided_slice %dot_general3A_18 {offsets = [0, 1024], sizes = [512, 128], strides = [1, 1]} : vector<512x2048xf32> to vector<512x128xf32>
    %get3A_617 = arith.constant 0 : index
    %get3A_618 = arith.constant 5120 : index
    %get3A_619 = vector.load %arg5[%get3A_617, %get3A_618] : memref<1x8192xf32, #tpu.memory_space<vmem>>, vector<1x128xf32>
    %get3A_620 = vector.shape_cast %get3A_619 : vector<1x128xf32> to vector<128xf32>
    %sub3A_621 = vector.broadcast %broadcast_in_dim3A : vector<512x1xf32> to vector<512x128xf32>
    %sub3A_622 = arith.subf %sub3A_621, %slice3A_616 : vector<512x128xf32>
    %broadcast_in_dim3A_623 = vector.shape_cast %get3A_620 : vector<128xf32> to vector<1x128xf32>
    %add3A_624 = vector.broadcast %broadcast_in_dim3A_623 : vector<1x128xf32> to vector<512x128xf32>
    %add3A_625 = arith.addf %sub3A_622, %add3A_624 : vector<512x128xf32>
    %lt3A_626 = arith.cmpf olt, %add3A_625, %select_n3A_612 : vector<512x128xf32>
    %select_n3A_627 = arith.select %lt3A_626, %add3A_625, %select_n3A_612 : vector<512x128xi1>, vector<512x128xf32>
    %jit3A_628 = arith.constant 5120 : i32
    %broadcast_in_dim3A_629 = vector.broadcast %jit3A_628 : i32 to vector<512x128xi32>
    %select_n3A_630 = arith.select %lt3A_626, %broadcast_in_dim3A_629, %select_n3A_615 : vector<512x128xi1>, vector<512x128xi32>
    %slice3A_631 = vector.extract_strided_slice %dot_general3A_18 {offsets = [0, 1152], sizes = [512, 128], strides = [1, 1]} : vector<512x2048xf32> to vector<512x128xf32>
    %get3A_632 = arith.constant 0 : index
    %get3A_633 = arith.constant 5248 : index
    %get3A_634 = vector.load %arg5[%get3A_632, %get3A_633] : memref<1x8192xf32, #tpu.memory_space<vmem>>, vector<1x128xf32>
    %get3A_635 = vector.shape_cast %get3A_634 : vector<1x128xf32> to vector<128xf32>
    %sub3A_636 = vector.broadcast %broadcast_in_dim3A : vector<512x1xf32> to vector<512x128xf32>
    %sub3A_637 = arith.subf %sub3A_636, %slice3A_631 : vector<512x128xf32>
    %broadcast_in_dim3A_638 = vector.shape_cast %get3A_635 : vector<128xf32> to vector<1x128xf32>
    %add3A_639 = vector.broadcast %broadcast_in_dim3A_638 : vector<1x128xf32> to vector<512x128xf32>
    %add3A_640 = arith.addf %sub3A_637, %add3A_639 : vector<512x128xf32>
    %lt3A_641 = arith.cmpf olt, %add3A_640, %select_n3A_627 : vector<512x128xf32>
    %select_n3A_642 = arith.select %lt3A_641, %add3A_640, %select_n3A_627 : vector<512x128xi1>, vector<512x128xf32>
    %jit3A_643 = arith.constant 5248 : i32
    %broadcast_in_dim3A_644 = vector.broadcast %jit3A_643 : i32 to vector<512x128xi32>
    %select_n3A_645 = arith.select %lt3A_641, %broadcast_in_dim3A_644, %select_n3A_630 : vector<512x128xi1>, vector<512x128xi32>
    %slice3A_646 = vector.extract_strided_slice %dot_general3A_18 {offsets = [0, 1280], sizes = [512, 128], strides = [1, 1]} : vector<512x2048xf32> to vector<512x128xf32>
    %get3A_647 = arith.constant 0 : index
    %get3A_648 = arith.constant 5376 : index
    %get3A_649 = vector.load %arg5[%get3A_647, %get3A_648] : memref<1x8192xf32, #tpu.memory_space<vmem>>, vector<1x128xf32>
    %get3A_650 = vector.shape_cast %get3A_649 : vector<1x128xf32> to vector<128xf32>
    %sub3A_651 = vector.broadcast %broadcast_in_dim3A : vector<512x1xf32> to vector<512x128xf32>
    %sub3A_652 = arith.subf %sub3A_651, %slice3A_646 : vector<512x128xf32>
    %broadcast_in_dim3A_653 = vector.shape_cast %get3A_650 : vector<128xf32> to vector<1x128xf32>
    %add3A_654 = vector.broadcast %broadcast_in_dim3A_653 : vector<1x128xf32> to vector<512x128xf32>
    %add3A_655 = arith.addf %sub3A_652, %add3A_654 : vector<512x128xf32>
    %lt3A_656 = arith.cmpf olt, %add3A_655, %select_n3A_642 : vector<512x128xf32>
    %select_n3A_657 = arith.select %lt3A_656, %add3A_655, %select_n3A_642 : vector<512x128xi1>, vector<512x128xf32>
    %jit3A_658 = arith.constant 5376 : i32
    %broadcast_in_dim3A_659 = vector.broadcast %jit3A_658 : i32 to vector<512x128xi32>
    %select_n3A_660 = arith.select %lt3A_656, %broadcast_in_dim3A_659, %select_n3A_645 : vector<512x128xi1>, vector<512x128xi32>
    %slice3A_661 = vector.extract_strided_slice %dot_general3A_18 {offsets = [0, 1408], sizes = [512, 128], strides = [1, 1]} : vector<512x2048xf32> to vector<512x128xf32>
    %get3A_662 = arith.constant 0 : index
    %get3A_663 = arith.constant 5504 : index
    %get3A_664 = vector.load %arg5[%get3A_662, %get3A_663] : memref<1x8192xf32, #tpu.memory_space<vmem>>, vector<1x128xf32>
    %get3A_665 = vector.shape_cast %get3A_664 : vector<1x128xf32> to vector<128xf32>
    %sub3A_666 = vector.broadcast %broadcast_in_dim3A : vector<512x1xf32> to vector<512x128xf32>
    %sub3A_667 = arith.subf %sub3A_666, %slice3A_661 : vector<512x128xf32>
    %broadcast_in_dim3A_668 = vector.shape_cast %get3A_665 : vector<128xf32> to vector<1x128xf32>
    %add3A_669 = vector.broadcast %broadcast_in_dim3A_668 : vector<1x128xf32> to vector<512x128xf32>
    %add3A_670 = arith.addf %sub3A_667, %add3A_669 : vector<512x128xf32>
    %lt3A_671 = arith.cmpf olt, %add3A_670, %select_n3A_657 : vector<512x128xf32>
    %select_n3A_672 = arith.select %lt3A_671, %add3A_670, %select_n3A_657 : vector<512x128xi1>, vector<512x128xf32>
    %jit3A_673 = arith.constant 5504 : i32
    %broadcast_in_dim3A_674 = vector.broadcast %jit3A_673 : i32 to vector<512x128xi32>
    %select_n3A_675 = arith.select %lt3A_671, %broadcast_in_dim3A_674, %select_n3A_660 : vector<512x128xi1>, vector<512x128xi32>
    %slice3A_676 = vector.extract_strided_slice %dot_general3A_18 {offsets = [0, 1536], sizes = [512, 128], strides = [1, 1]} : vector<512x2048xf32> to vector<512x128xf32>
    %get3A_677 = arith.constant 0 : index
    %get3A_678 = arith.constant 5632 : index
    %get3A_679 = vector.load %arg5[%get3A_677, %get3A_678] : memref<1x8192xf32, #tpu.memory_space<vmem>>, vector<1x128xf32>
    %get3A_680 = vector.shape_cast %get3A_679 : vector<1x128xf32> to vector<128xf32>
    %sub3A_681 = vector.broadcast %broadcast_in_dim3A : vector<512x1xf32> to vector<512x128xf32>
    %sub3A_682 = arith.subf %sub3A_681, %slice3A_676 : vector<512x128xf32>
    %broadcast_in_dim3A_683 = vector.shape_cast %get3A_680 : vector<128xf32> to vector<1x128xf32>
    %add3A_684 = vector.broadcast %broadcast_in_dim3A_683 : vector<1x128xf32> to vector<512x128xf32>
    %add3A_685 = arith.addf %sub3A_682, %add3A_684 : vector<512x128xf32>
    %lt3A_686 = arith.cmpf olt, %add3A_685, %select_n3A_672 : vector<512x128xf32>
    %select_n3A_687 = arith.select %lt3A_686, %add3A_685, %select_n3A_672 : vector<512x128xi1>, vector<512x128xf32>
    %jit3A_688 = arith.constant 5632 : i32
    %broadcast_in_dim3A_689 = vector.broadcast %jit3A_688 : i32 to vector<512x128xi32>
    %select_n3A_690 = arith.select %lt3A_686, %broadcast_in_dim3A_689, %select_n3A_675 : vector<512x128xi1>, vector<512x128xi32>
    %slice3A_691 = vector.extract_strided_slice %dot_general3A_18 {offsets = [0, 1664], sizes = [512, 128], strides = [1, 1]} : vector<512x2048xf32> to vector<512x128xf32>
    %get3A_692 = arith.constant 0 : index
    %get3A_693 = arith.constant 5760 : index
    %get3A_694 = vector.load %arg5[%get3A_692, %get3A_693] : memref<1x8192xf32, #tpu.memory_space<vmem>>, vector<1x128xf32>
    %get3A_695 = vector.shape_cast %get3A_694 : vector<1x128xf32> to vector<128xf32>
    %sub3A_696 = vector.broadcast %broadcast_in_dim3A : vector<512x1xf32> to vector<512x128xf32>
    %sub3A_697 = arith.subf %sub3A_696, %slice3A_691 : vector<512x128xf32>
    %broadcast_in_dim3A_698 = vector.shape_cast %get3A_695 : vector<128xf32> to vector<1x128xf32>
    %add3A_699 = vector.broadcast %broadcast_in_dim3A_698 : vector<1x128xf32> to vector<512x128xf32>
    %add3A_700 = arith.addf %sub3A_697, %add3A_699 : vector<512x128xf32>
    %lt3A_701 = arith.cmpf olt, %add3A_700, %select_n3A_687 : vector<512x128xf32>
    %select_n3A_702 = arith.select %lt3A_701, %add3A_700, %select_n3A_687 : vector<512x128xi1>, vector<512x128xf32>
    %jit3A_703 = arith.constant 5760 : i32
    %broadcast_in_dim3A_704 = vector.broadcast %jit3A_703 : i32 to vector<512x128xi32>
    %select_n3A_705 = arith.select %lt3A_701, %broadcast_in_dim3A_704, %select_n3A_690 : vector<512x128xi1>, vector<512x128xi32>
    %slice3A_706 = vector.extract_strided_slice %dot_general3A_18 {offsets = [0, 1792], sizes = [512, 128], strides = [1, 1]} : vector<512x2048xf32> to vector<512x128xf32>
    %get3A_707 = arith.constant 0 : index
    %get3A_708 = arith.constant 5888 : index
    %get3A_709 = vector.load %arg5[%get3A_707, %get3A_708] : memref<1x8192xf32, #tpu.memory_space<vmem>>, vector<1x128xf32>
    %get3A_710 = vector.shape_cast %get3A_709 : vector<1x128xf32> to vector<128xf32>
    %sub3A_711 = vector.broadcast %broadcast_in_dim3A : vector<512x1xf32> to vector<512x128xf32>
    %sub3A_712 = arith.subf %sub3A_711, %slice3A_706 : vector<512x128xf32>
    %broadcast_in_dim3A_713 = vector.shape_cast %get3A_710 : vector<128xf32> to vector<1x128xf32>
    %add3A_714 = vector.broadcast %broadcast_in_dim3A_713 : vector<1x128xf32> to vector<512x128xf32>
    %add3A_715 = arith.addf %sub3A_712, %add3A_714 : vector<512x128xf32>
    %lt3A_716 = arith.cmpf olt, %add3A_715, %select_n3A_702 : vector<512x128xf32>
    %select_n3A_717 = arith.select %lt3A_716, %add3A_715, %select_n3A_702 : vector<512x128xi1>, vector<512x128xf32>
    %jit3A_718 = arith.constant 5888 : i32
    %broadcast_in_dim3A_719 = vector.broadcast %jit3A_718 : i32 to vector<512x128xi32>
    %select_n3A_720 = arith.select %lt3A_716, %broadcast_in_dim3A_719, %select_n3A_705 : vector<512x128xi1>, vector<512x128xi32>
    %slice3A_721 = vector.extract_strided_slice %dot_general3A_18 {offsets = [0, 1920], sizes = [512, 128], strides = [1, 1]} : vector<512x2048xf32> to vector<512x128xf32>
    %get3A_722 = arith.constant 0 : index
    %get3A_723 = arith.constant 6016 : index
    %get3A_724 = vector.load %arg5[%get3A_722, %get3A_723] : memref<1x8192xf32, #tpu.memory_space<vmem>>, vector<1x128xf32>
    %get3A_725 = vector.shape_cast %get3A_724 : vector<1x128xf32> to vector<128xf32>
    %sub3A_726 = vector.broadcast %broadcast_in_dim3A : vector<512x1xf32> to vector<512x128xf32>
    %sub3A_727 = arith.subf %sub3A_726, %slice3A_721 : vector<512x128xf32>
    %broadcast_in_dim3A_728 = vector.shape_cast %get3A_725 : vector<128xf32> to vector<1x128xf32>
    %add3A_729 = vector.broadcast %broadcast_in_dim3A_728 : vector<1x128xf32> to vector<512x128xf32>
    %add3A_730 = arith.addf %sub3A_727, %add3A_729 : vector<512x128xf32>
    %lt3A_731 = arith.cmpf olt, %add3A_730, %select_n3A_717 : vector<512x128xf32>
    %select_n3A_732 = arith.select %lt3A_731, %add3A_730, %select_n3A_717 : vector<512x128xi1>, vector<512x128xf32>
    %jit3A_733 = arith.constant 6016 : i32
    %broadcast_in_dim3A_734 = vector.broadcast %jit3A_733 : i32 to vector<512x128xi32>
    %select_n3A_735 = arith.select %lt3A_731, %broadcast_in_dim3A_734, %select_n3A_720 : vector<512x128xi1>, vector<512x128xi32>
    %slice3A_736 = vector.extract_strided_slice %dot_general3A_23 {offsets = [0, 0], sizes = [512, 128], strides = [1, 1]} : vector<512x2048xf32> to vector<512x128xf32>
    %get3A_737 = arith.constant 0 : index
    %get3A_738 = arith.constant 6144 : index
    %get3A_739 = vector.load %arg5[%get3A_737, %get3A_738] : memref<1x8192xf32, #tpu.memory_space<vmem>>, vector<1x128xf32>
    %get3A_740 = vector.shape_cast %get3A_739 : vector<1x128xf32> to vector<128xf32>
    %sub3A_741 = vector.broadcast %broadcast_in_dim3A : vector<512x1xf32> to vector<512x128xf32>
    %sub3A_742 = arith.subf %sub3A_741, %slice3A_736 : vector<512x128xf32>
    %broadcast_in_dim3A_743 = vector.shape_cast %get3A_740 : vector<128xf32> to vector<1x128xf32>
    %add3A_744 = vector.broadcast %broadcast_in_dim3A_743 : vector<1x128xf32> to vector<512x128xf32>
    %add3A_745 = arith.addf %sub3A_742, %add3A_744 : vector<512x128xf32>
    %lt3A_746 = arith.cmpf olt, %add3A_745, %select_n3A_732 : vector<512x128xf32>
    %select_n3A_747 = arith.select %lt3A_746, %add3A_745, %select_n3A_732 : vector<512x128xi1>, vector<512x128xf32>
    %jit3A_748 = arith.constant 6144 : i32
    %broadcast_in_dim3A_749 = vector.broadcast %jit3A_748 : i32 to vector<512x128xi32>
    %select_n3A_750 = arith.select %lt3A_746, %broadcast_in_dim3A_749, %select_n3A_735 : vector<512x128xi1>, vector<512x128xi32>
    %slice3A_751 = vector.extract_strided_slice %dot_general3A_23 {offsets = [0, 128], sizes = [512, 128], strides = [1, 1]} : vector<512x2048xf32> to vector<512x128xf32>
    %get3A_752 = arith.constant 0 : index
    %get3A_753 = arith.constant 6272 : index
    %get3A_754 = vector.load %arg5[%get3A_752, %get3A_753] : memref<1x8192xf32, #tpu.memory_space<vmem>>, vector<1x128xf32>
    %get3A_755 = vector.shape_cast %get3A_754 : vector<1x128xf32> to vector<128xf32>
    %sub3A_756 = vector.broadcast %broadcast_in_dim3A : vector<512x1xf32> to vector<512x128xf32>
    %sub3A_757 = arith.subf %sub3A_756, %slice3A_751 : vector<512x128xf32>
    %broadcast_in_dim3A_758 = vector.shape_cast %get3A_755 : vector<128xf32> to vector<1x128xf32>
    %add3A_759 = vector.broadcast %broadcast_in_dim3A_758 : vector<1x128xf32> to vector<512x128xf32>
    %add3A_760 = arith.addf %sub3A_757, %add3A_759 : vector<512x128xf32>
    %lt3A_761 = arith.cmpf olt, %add3A_760, %select_n3A_747 : vector<512x128xf32>
    %select_n3A_762 = arith.select %lt3A_761, %add3A_760, %select_n3A_747 : vector<512x128xi1>, vector<512x128xf32>
    %jit3A_763 = arith.constant 6272 : i32
    %broadcast_in_dim3A_764 = vector.broadcast %jit3A_763 : i32 to vector<512x128xi32>
    %select_n3A_765 = arith.select %lt3A_761, %broadcast_in_dim3A_764, %select_n3A_750 : vector<512x128xi1>, vector<512x128xi32>
    %slice3A_766 = vector.extract_strided_slice %dot_general3A_23 {offsets = [0, 256], sizes = [512, 128], strides = [1, 1]} : vector<512x2048xf32> to vector<512x128xf32>
    %get3A_767 = arith.constant 0 : index
    %get3A_768 = arith.constant 6400 : index
    %get3A_769 = vector.load %arg5[%get3A_767, %get3A_768] : memref<1x8192xf32, #tpu.memory_space<vmem>>, vector<1x128xf32>
    %get3A_770 = vector.shape_cast %get3A_769 : vector<1x128xf32> to vector<128xf32>
    %sub3A_771 = vector.broadcast %broadcast_in_dim3A : vector<512x1xf32> to vector<512x128xf32>
    %sub3A_772 = arith.subf %sub3A_771, %slice3A_766 : vector<512x128xf32>
    %broadcast_in_dim3A_773 = vector.shape_cast %get3A_770 : vector<128xf32> to vector<1x128xf32>
    %add3A_774 = vector.broadcast %broadcast_in_dim3A_773 : vector<1x128xf32> to vector<512x128xf32>
    %add3A_775 = arith.addf %sub3A_772, %add3A_774 : vector<512x128xf32>
    %lt3A_776 = arith.cmpf olt, %add3A_775, %select_n3A_762 : vector<512x128xf32>
    %select_n3A_777 = arith.select %lt3A_776, %add3A_775, %select_n3A_762 : vector<512x128xi1>, vector<512x128xf32>
    %jit3A_778 = arith.constant 6400 : i32
    %broadcast_in_dim3A_779 = vector.broadcast %jit3A_778 : i32 to vector<512x128xi32>
    %select_n3A_780 = arith.select %lt3A_776, %broadcast_in_dim3A_779, %select_n3A_765 : vector<512x128xi1>, vector<512x128xi32>
    %slice3A_781 = vector.extract_strided_slice %dot_general3A_23 {offsets = [0, 384], sizes = [512, 128], strides = [1, 1]} : vector<512x2048xf32> to vector<512x128xf32>
    %get3A_782 = arith.constant 0 : index
    %get3A_783 = arith.constant 6528 : index
    %get3A_784 = vector.load %arg5[%get3A_782, %get3A_783] : memref<1x8192xf32, #tpu.memory_space<vmem>>, vector<1x128xf32>
    %get3A_785 = vector.shape_cast %get3A_784 : vector<1x128xf32> to vector<128xf32>
    %sub3A_786 = vector.broadcast %broadcast_in_dim3A : vector<512x1xf32> to vector<512x128xf32>
    %sub3A_787 = arith.subf %sub3A_786, %slice3A_781 : vector<512x128xf32>
    %broadcast_in_dim3A_788 = vector.shape_cast %get3A_785 : vector<128xf32> to vector<1x128xf32>
    %add3A_789 = vector.broadcast %broadcast_in_dim3A_788 : vector<1x128xf32> to vector<512x128xf32>
    %add3A_790 = arith.addf %sub3A_787, %add3A_789 : vector<512x128xf32>
    %lt3A_791 = arith.cmpf olt, %add3A_790, %select_n3A_777 : vector<512x128xf32>
    %select_n3A_792 = arith.select %lt3A_791, %add3A_790, %select_n3A_777 : vector<512x128xi1>, vector<512x128xf32>
    %jit3A_793 = arith.constant 6528 : i32
    %broadcast_in_dim3A_794 = vector.broadcast %jit3A_793 : i32 to vector<512x128xi32>
    %select_n3A_795 = arith.select %lt3A_791, %broadcast_in_dim3A_794, %select_n3A_780 : vector<512x128xi1>, vector<512x128xi32>
    %slice3A_796 = vector.extract_strided_slice %dot_general3A_23 {offsets = [0, 512], sizes = [512, 128], strides = [1, 1]} : vector<512x2048xf32> to vector<512x128xf32>
    %get3A_797 = arith.constant 0 : index
    %get3A_798 = arith.constant 6656 : index
    %get3A_799 = vector.load %arg5[%get3A_797, %get3A_798] : memref<1x8192xf32, #tpu.memory_space<vmem>>, vector<1x128xf32>
    %get3A_800 = vector.shape_cast %get3A_799 : vector<1x128xf32> to vector<128xf32>
    %sub3A_801 = vector.broadcast %broadcast_in_dim3A : vector<512x1xf32> to vector<512x128xf32>
    %sub3A_802 = arith.subf %sub3A_801, %slice3A_796 : vector<512x128xf32>
    %broadcast_in_dim3A_803 = vector.shape_cast %get3A_800 : vector<128xf32> to vector<1x128xf32>
    %add3A_804 = vector.broadcast %broadcast_in_dim3A_803 : vector<1x128xf32> to vector<512x128xf32>
    %add3A_805 = arith.addf %sub3A_802, %add3A_804 : vector<512x128xf32>
    %lt3A_806 = arith.cmpf olt, %add3A_805, %select_n3A_792 : vector<512x128xf32>
    %select_n3A_807 = arith.select %lt3A_806, %add3A_805, %select_n3A_792 : vector<512x128xi1>, vector<512x128xf32>
    %jit3A_808 = arith.constant 6656 : i32
    %broadcast_in_dim3A_809 = vector.broadcast %jit3A_808 : i32 to vector<512x128xi32>
    %select_n3A_810 = arith.select %lt3A_806, %broadcast_in_dim3A_809, %select_n3A_795 : vector<512x128xi1>, vector<512x128xi32>
    %slice3A_811 = vector.extract_strided_slice %dot_general3A_23 {offsets = [0, 640], sizes = [512, 128], strides = [1, 1]} : vector<512x2048xf32> to vector<512x128xf32>
    %get3A_812 = arith.constant 0 : index
    %get3A_813 = arith.constant 6784 : index
    %get3A_814 = vector.load %arg5[%get3A_812, %get3A_813] : memref<1x8192xf32, #tpu.memory_space<vmem>>, vector<1x128xf32>
    %get3A_815 = vector.shape_cast %get3A_814 : vector<1x128xf32> to vector<128xf32>
    %sub3A_816 = vector.broadcast %broadcast_in_dim3A : vector<512x1xf32> to vector<512x128xf32>
    %sub3A_817 = arith.subf %sub3A_816, %slice3A_811 : vector<512x128xf32>
    %broadcast_in_dim3A_818 = vector.shape_cast %get3A_815 : vector<128xf32> to vector<1x128xf32>
    %add3A_819 = vector.broadcast %broadcast_in_dim3A_818 : vector<1x128xf32> to vector<512x128xf32>
    %add3A_820 = arith.addf %sub3A_817, %add3A_819 : vector<512x128xf32>
    %lt3A_821 = arith.cmpf olt, %add3A_820, %select_n3A_807 : vector<512x128xf32>
    %select_n3A_822 = arith.select %lt3A_821, %add3A_820, %select_n3A_807 : vector<512x128xi1>, vector<512x128xf32>
    %jit3A_823 = arith.constant 6784 : i32
    %broadcast_in_dim3A_824 = vector.broadcast %jit3A_823 : i32 to vector<512x128xi32>
    %select_n3A_825 = arith.select %lt3A_821, %broadcast_in_dim3A_824, %select_n3A_810 : vector<512x128xi1>, vector<512x128xi32>
    %slice3A_826 = vector.extract_strided_slice %dot_general3A_23 {offsets = [0, 768], sizes = [512, 128], strides = [1, 1]} : vector<512x2048xf32> to vector<512x128xf32>
    %get3A_827 = arith.constant 0 : index
    %get3A_828 = arith.constant 6912 : index
    %get3A_829 = vector.load %arg5[%get3A_827, %get3A_828] : memref<1x8192xf32, #tpu.memory_space<vmem>>, vector<1x128xf32>
    %get3A_830 = vector.shape_cast %get3A_829 : vector<1x128xf32> to vector<128xf32>
    %sub3A_831 = vector.broadcast %broadcast_in_dim3A : vector<512x1xf32> to vector<512x128xf32>
    %sub3A_832 = arith.subf %sub3A_831, %slice3A_826 : vector<512x128xf32>
    %broadcast_in_dim3A_833 = vector.shape_cast %get3A_830 : vector<128xf32> to vector<1x128xf32>
    %add3A_834 = vector.broadcast %broadcast_in_dim3A_833 : vector<1x128xf32> to vector<512x128xf32>
    %add3A_835 = arith.addf %sub3A_832, %add3A_834 : vector<512x128xf32>
    %lt3A_836 = arith.cmpf olt, %add3A_835, %select_n3A_822 : vector<512x128xf32>
    %select_n3A_837 = arith.select %lt3A_836, %add3A_835, %select_n3A_822 : vector<512x128xi1>, vector<512x128xf32>
    %jit3A_838 = arith.constant 6912 : i32
    %broadcast_in_dim3A_839 = vector.broadcast %jit3A_838 : i32 to vector<512x128xi32>
    %select_n3A_840 = arith.select %lt3A_836, %broadcast_in_dim3A_839, %select_n3A_825 : vector<512x128xi1>, vector<512x128xi32>
    %slice3A_841 = vector.extract_strided_slice %dot_general3A_23 {offsets = [0, 896], sizes = [512, 128], strides = [1, 1]} : vector<512x2048xf32> to vector<512x128xf32>
    %get3A_842 = arith.constant 0 : index
    %get3A_843 = arith.constant 7040 : index
    %get3A_844 = vector.load %arg5[%get3A_842, %get3A_843] : memref<1x8192xf32, #tpu.memory_space<vmem>>, vector<1x128xf32>
    %get3A_845 = vector.shape_cast %get3A_844 : vector<1x128xf32> to vector<128xf32>
    %sub3A_846 = vector.broadcast %broadcast_in_dim3A : vector<512x1xf32> to vector<512x128xf32>
    %sub3A_847 = arith.subf %sub3A_846, %slice3A_841 : vector<512x128xf32>
    %broadcast_in_dim3A_848 = vector.shape_cast %get3A_845 : vector<128xf32> to vector<1x128xf32>
    %add3A_849 = vector.broadcast %broadcast_in_dim3A_848 : vector<1x128xf32> to vector<512x128xf32>
    %add3A_850 = arith.addf %sub3A_847, %add3A_849 : vector<512x128xf32>
    %lt3A_851 = arith.cmpf olt, %add3A_850, %select_n3A_837 : vector<512x128xf32>
    %select_n3A_852 = arith.select %lt3A_851, %add3A_850, %select_n3A_837 : vector<512x128xi1>, vector<512x128xf32>
    %jit3A_853 = arith.constant 7040 : i32
    %broadcast_in_dim3A_854 = vector.broadcast %jit3A_853 : i32 to vector<512x128xi32>
    %select_n3A_855 = arith.select %lt3A_851, %broadcast_in_dim3A_854, %select_n3A_840 : vector<512x128xi1>, vector<512x128xi32>
    %slice3A_856 = vector.extract_strided_slice %dot_general3A_23 {offsets = [0, 1024], sizes = [512, 128], strides = [1, 1]} : vector<512x2048xf32> to vector<512x128xf32>
    %get3A_857 = arith.constant 0 : index
    %get3A_858 = arith.constant 7168 : index
    %get3A_859 = vector.load %arg5[%get3A_857, %get3A_858] : memref<1x8192xf32, #tpu.memory_space<vmem>>, vector<1x128xf32>
    %get3A_860 = vector.shape_cast %get3A_859 : vector<1x128xf32> to vector<128xf32>
    %sub3A_861 = vector.broadcast %broadcast_in_dim3A : vector<512x1xf32> to vector<512x128xf32>
    %sub3A_862 = arith.subf %sub3A_861, %slice3A_856 : vector<512x128xf32>
    %broadcast_in_dim3A_863 = vector.shape_cast %get3A_860 : vector<128xf32> to vector<1x128xf32>
    %add3A_864 = vector.broadcast %broadcast_in_dim3A_863 : vector<1x128xf32> to vector<512x128xf32>
    %add3A_865 = arith.addf %sub3A_862, %add3A_864 : vector<512x128xf32>
    %lt3A_866 = arith.cmpf olt, %add3A_865, %select_n3A_852 : vector<512x128xf32>
    %select_n3A_867 = arith.select %lt3A_866, %add3A_865, %select_n3A_852 : vector<512x128xi1>, vector<512x128xf32>
    %jit3A_868 = arith.constant 7168 : i32
    %broadcast_in_dim3A_869 = vector.broadcast %jit3A_868 : i32 to vector<512x128xi32>
    %select_n3A_870 = arith.select %lt3A_866, %broadcast_in_dim3A_869, %select_n3A_855 : vector<512x128xi1>, vector<512x128xi32>
    %slice3A_871 = vector.extract_strided_slice %dot_general3A_23 {offsets = [0, 1152], sizes = [512, 128], strides = [1, 1]} : vector<512x2048xf32> to vector<512x128xf32>
    %get3A_872 = arith.constant 0 : index
    %get3A_873 = arith.constant 7296 : index
    %get3A_874 = vector.load %arg5[%get3A_872, %get3A_873] : memref<1x8192xf32, #tpu.memory_space<vmem>>, vector<1x128xf32>
    %get3A_875 = vector.shape_cast %get3A_874 : vector<1x128xf32> to vector<128xf32>
    %sub3A_876 = vector.broadcast %broadcast_in_dim3A : vector<512x1xf32> to vector<512x128xf32>
    %sub3A_877 = arith.subf %sub3A_876, %slice3A_871 : vector<512x128xf32>
    %broadcast_in_dim3A_878 = vector.shape_cast %get3A_875 : vector<128xf32> to vector<1x128xf32>
    %add3A_879 = vector.broadcast %broadcast_in_dim3A_878 : vector<1x128xf32> to vector<512x128xf32>
    %add3A_880 = arith.addf %sub3A_877, %add3A_879 : vector<512x128xf32>
    %lt3A_881 = arith.cmpf olt, %add3A_880, %select_n3A_867 : vector<512x128xf32>
    %select_n3A_882 = arith.select %lt3A_881, %add3A_880, %select_n3A_867 : vector<512x128xi1>, vector<512x128xf32>
    %jit3A_883 = arith.constant 7296 : i32
    %broadcast_in_dim3A_884 = vector.broadcast %jit3A_883 : i32 to vector<512x128xi32>
    %select_n3A_885 = arith.select %lt3A_881, %broadcast_in_dim3A_884, %select_n3A_870 : vector<512x128xi1>, vector<512x128xi32>
    %slice3A_886 = vector.extract_strided_slice %dot_general3A_23 {offsets = [0, 1280], sizes = [512, 128], strides = [1, 1]} : vector<512x2048xf32> to vector<512x128xf32>
    %get3A_887 = arith.constant 0 : index
    %get3A_888 = arith.constant 7424 : index
    %get3A_889 = vector.load %arg5[%get3A_887, %get3A_888] : memref<1x8192xf32, #tpu.memory_space<vmem>>, vector<1x128xf32>
    %get3A_890 = vector.shape_cast %get3A_889 : vector<1x128xf32> to vector<128xf32>
    %sub3A_891 = vector.broadcast %broadcast_in_dim3A : vector<512x1xf32> to vector<512x128xf32>
    %sub3A_892 = arith.subf %sub3A_891, %slice3A_886 : vector<512x128xf32>
    %broadcast_in_dim3A_893 = vector.shape_cast %get3A_890 : vector<128xf32> to vector<1x128xf32>
    %add3A_894 = vector.broadcast %broadcast_in_dim3A_893 : vector<1x128xf32> to vector<512x128xf32>
    %add3A_895 = arith.addf %sub3A_892, %add3A_894 : vector<512x128xf32>
    %lt3A_896 = arith.cmpf olt, %add3A_895, %select_n3A_882 : vector<512x128xf32>
    %select_n3A_897 = arith.select %lt3A_896, %add3A_895, %select_n3A_882 : vector<512x128xi1>, vector<512x128xf32>
    %jit3A_898 = arith.constant 7424 : i32
    %broadcast_in_dim3A_899 = vector.broadcast %jit3A_898 : i32 to vector<512x128xi32>
    %select_n3A_900 = arith.select %lt3A_896, %broadcast_in_dim3A_899, %select_n3A_885 : vector<512x128xi1>, vector<512x128xi32>
    %slice3A_901 = vector.extract_strided_slice %dot_general3A_23 {offsets = [0, 1408], sizes = [512, 128], strides = [1, 1]} : vector<512x2048xf32> to vector<512x128xf32>
    %get3A_902 = arith.constant 0 : index
    %get3A_903 = arith.constant 7552 : index
    %get3A_904 = vector.load %arg5[%get3A_902, %get3A_903] : memref<1x8192xf32, #tpu.memory_space<vmem>>, vector<1x128xf32>
    %get3A_905 = vector.shape_cast %get3A_904 : vector<1x128xf32> to vector<128xf32>
    %sub3A_906 = vector.broadcast %broadcast_in_dim3A : vector<512x1xf32> to vector<512x128xf32>
    %sub3A_907 = arith.subf %sub3A_906, %slice3A_901 : vector<512x128xf32>
    %broadcast_in_dim3A_908 = vector.shape_cast %get3A_905 : vector<128xf32> to vector<1x128xf32>
    %add3A_909 = vector.broadcast %broadcast_in_dim3A_908 : vector<1x128xf32> to vector<512x128xf32>
    %add3A_910 = arith.addf %sub3A_907, %add3A_909 : vector<512x128xf32>
    %lt3A_911 = arith.cmpf olt, %add3A_910, %select_n3A_897 : vector<512x128xf32>
    %select_n3A_912 = arith.select %lt3A_911, %add3A_910, %select_n3A_897 : vector<512x128xi1>, vector<512x128xf32>
    %jit3A_913 = arith.constant 7552 : i32
    %broadcast_in_dim3A_914 = vector.broadcast %jit3A_913 : i32 to vector<512x128xi32>
    %select_n3A_915 = arith.select %lt3A_911, %broadcast_in_dim3A_914, %select_n3A_900 : vector<512x128xi1>, vector<512x128xi32>
    %slice3A_916 = vector.extract_strided_slice %dot_general3A_23 {offsets = [0, 1536], sizes = [512, 128], strides = [1, 1]} : vector<512x2048xf32> to vector<512x128xf32>
    %get3A_917 = arith.constant 0 : index
    %get3A_918 = arith.constant 7680 : index
    %get3A_919 = vector.load %arg5[%get3A_917, %get3A_918] : memref<1x8192xf32, #tpu.memory_space<vmem>>, vector<1x128xf32>
    %get3A_920 = vector.shape_cast %get3A_919 : vector<1x128xf32> to vector<128xf32>
    %sub3A_921 = vector.broadcast %broadcast_in_dim3A : vector<512x1xf32> to vector<512x128xf32>
    %sub3A_922 = arith.subf %sub3A_921, %slice3A_916 : vector<512x128xf32>
    %broadcast_in_dim3A_923 = vector.shape_cast %get3A_920 : vector<128xf32> to vector<1x128xf32>
    %add3A_924 = vector.broadcast %broadcast_in_dim3A_923 : vector<1x128xf32> to vector<512x128xf32>
    %add3A_925 = arith.addf %sub3A_922, %add3A_924 : vector<512x128xf32>
    %lt3A_926 = arith.cmpf olt, %add3A_925, %select_n3A_912 : vector<512x128xf32>
    %select_n3A_927 = arith.select %lt3A_926, %add3A_925, %select_n3A_912 : vector<512x128xi1>, vector<512x128xf32>
    %jit3A_928 = arith.constant 7680 : i32
    %broadcast_in_dim3A_929 = vector.broadcast %jit3A_928 : i32 to vector<512x128xi32>
    %select_n3A_930 = arith.select %lt3A_926, %broadcast_in_dim3A_929, %select_n3A_915 : vector<512x128xi1>, vector<512x128xi32>
    %slice3A_931 = vector.extract_strided_slice %dot_general3A_23 {offsets = [0, 1664], sizes = [512, 128], strides = [1, 1]} : vector<512x2048xf32> to vector<512x128xf32>
    %get3A_932 = arith.constant 0 : index
    %get3A_933 = arith.constant 7808 : index
    %get3A_934 = vector.load %arg5[%get3A_932, %get3A_933] : memref<1x8192xf32, #tpu.memory_space<vmem>>, vector<1x128xf32>
    %get3A_935 = vector.shape_cast %get3A_934 : vector<1x128xf32> to vector<128xf32>
    %sub3A_936 = vector.broadcast %broadcast_in_dim3A : vector<512x1xf32> to vector<512x128xf32>
    %sub3A_937 = arith.subf %sub3A_936, %slice3A_931 : vector<512x128xf32>
    %broadcast_in_dim3A_938 = vector.shape_cast %get3A_935 : vector<128xf32> to vector<1x128xf32>
    %add3A_939 = vector.broadcast %broadcast_in_dim3A_938 : vector<1x128xf32> to vector<512x128xf32>
    %add3A_940 = arith.addf %sub3A_937, %add3A_939 : vector<512x128xf32>
    %lt3A_941 = arith.cmpf olt, %add3A_940, %select_n3A_927 : vector<512x128xf32>
    %select_n3A_942 = arith.select %lt3A_941, %add3A_940, %select_n3A_927 : vector<512x128xi1>, vector<512x128xf32>
    %jit3A_943 = arith.constant 7808 : i32
    %broadcast_in_dim3A_944 = vector.broadcast %jit3A_943 : i32 to vector<512x128xi32>
    %select_n3A_945 = arith.select %lt3A_941, %broadcast_in_dim3A_944, %select_n3A_930 : vector<512x128xi1>, vector<512x128xi32>
    %slice3A_946 = vector.extract_strided_slice %dot_general3A_23 {offsets = [0, 1792], sizes = [512, 128], strides = [1, 1]} : vector<512x2048xf32> to vector<512x128xf32>
    %get3A_947 = arith.constant 0 : index
    %get3A_948 = arith.constant 7936 : index
    %get3A_949 = vector.load %arg5[%get3A_947, %get3A_948] : memref<1x8192xf32, #tpu.memory_space<vmem>>, vector<1x128xf32>
    %get3A_950 = vector.shape_cast %get3A_949 : vector<1x128xf32> to vector<128xf32>
    %sub3A_951 = vector.broadcast %broadcast_in_dim3A : vector<512x1xf32> to vector<512x128xf32>
    %sub3A_952 = arith.subf %sub3A_951, %slice3A_946 : vector<512x128xf32>
    %broadcast_in_dim3A_953 = vector.shape_cast %get3A_950 : vector<128xf32> to vector<1x128xf32>
    %add3A_954 = vector.broadcast %broadcast_in_dim3A_953 : vector<1x128xf32> to vector<512x128xf32>
    %add3A_955 = arith.addf %sub3A_952, %add3A_954 : vector<512x128xf32>
    %lt3A_956 = arith.cmpf olt, %add3A_955, %select_n3A_942 : vector<512x128xf32>
    %select_n3A_957 = arith.select %lt3A_956, %add3A_955, %select_n3A_942 : vector<512x128xi1>, vector<512x128xf32>
    %jit3A_958 = arith.constant 7936 : i32
    %broadcast_in_dim3A_959 = vector.broadcast %jit3A_958 : i32 to vector<512x128xi32>
    %select_n3A_960 = arith.select %lt3A_956, %broadcast_in_dim3A_959, %select_n3A_945 : vector<512x128xi1>, vector<512x128xi32>
    %slice3A_961 = vector.extract_strided_slice %dot_general3A_23 {offsets = [0, 1920], sizes = [512, 128], strides = [1, 1]} : vector<512x2048xf32> to vector<512x128xf32>
    %get3A_962 = arith.constant 0 : index
    %get3A_963 = arith.constant 8064 : index
    %get3A_964 = vector.load %arg5[%get3A_962, %get3A_963] : memref<1x8192xf32, #tpu.memory_space<vmem>>, vector<1x128xf32>
    %get3A_965 = vector.shape_cast %get3A_964 : vector<1x128xf32> to vector<128xf32>
    %sub3A_966 = vector.broadcast %broadcast_in_dim3A : vector<512x1xf32> to vector<512x128xf32>
    %sub3A_967 = arith.subf %sub3A_966, %slice3A_961 : vector<512x128xf32>
    %broadcast_in_dim3A_968 = vector.shape_cast %get3A_965 : vector<128xf32> to vector<1x128xf32>
    %add3A_969 = vector.broadcast %broadcast_in_dim3A_968 : vector<1x128xf32> to vector<512x128xf32>
    %add3A_970 = arith.addf %sub3A_967, %add3A_969 : vector<512x128xf32>
    %lt3A_971 = arith.cmpf olt, %add3A_970, %select_n3A_957 : vector<512x128xf32>
    %select_n3A_972 = arith.select %lt3A_971, %add3A_970, %select_n3A_957 : vector<512x128xi1>, vector<512x128xf32>
    %jit3A_973 = arith.constant 8064 : i32
    %broadcast_in_dim3A_974 = vector.broadcast %jit3A_973 : i32 to vector<512x128xi32>
    %select_n3A_975 = arith.select %lt3A_971, %broadcast_in_dim3A_974, %select_n3A_960 : vector<512x128xi1>, vector<512x128xi32>
    %reduce_min3A = arith.constant dense<0x7F800000> : vector<512xf32>
    %reduce_min3A_976 = vector.multi_reduction <minimumf>, %select_n3A_972, %reduce_min3A [1] : vector<512x128xf32> to vector<512xf32>
    %broadcast_in_dim3A_977 = vector.shape_cast %reduce_min3A_976 : vector<512xf32> to vector<512x1xf32>
    %iota3A = tpu.iota {dimensions = array<i32: 1>} : vector<512x128xi32>
    %eq3A_978 = vector.broadcast %broadcast_in_dim3A_977 : vector<512x1xf32> to vector<512x128xf32>
    %eq3A_979 = arith.cmpf oeq, %select_n3A_972, %eq3A_978 : vector<512x128xf32>
    %add3A_980 = arith.addi %select_n3A_975, %iota3A : vector<512x128xi32>
    %jit3A_981 = arith.constant 8192 : i32
    %broadcast_in_dim3A_982 = vector.broadcast %jit3A_981 : i32 to vector<512x128xi32>
    %select_n3A_983 = arith.select %eq3A_979, %add3A_980, %broadcast_in_dim3A_982 : vector<512x128xi1>, vector<512x128xi32>
    %reduce_min3A_984 = arith.constant dense<2147483647> : vector<512xi32>
    %reduce_min3A_985 = vector.multi_reduction <minsi>, %select_n3A_983, %reduce_min3A_984 [1] : vector<512x128xi32> to vector<512xi32>
    %broadcast_in_dim3A_986 = vector.shape_cast %reduce_min3A_985 : vector<512xi32> to vector<512x1xi32>
    %transpose3A = tpu.transpose %broadcast_in_dim3A_986, [1, 0] : vector<512x1xi32> -> vector<1x512xi32>
    %reshape3A = vector.shape_cast %transpose3A : vector<1x512xi32> to vector<512xi32>
    %swap3A = arith.constant 0 : index
    %swap3A_987 = vector.load %arg3[%swap3A] : memref<512xi32, #tpu.memory_space<vmem>>, vector<512xi32>
    tpu.vector_store %arg3[%swap3A], %reshape3A {strides = array<i32>} : memref<512xi32, #tpu.memory_space<vmem>>, vector<512xi32>,
    return
  }
  func.func @transform_0(%arg0: i32) -> (i32, i32) {
    %add3A = arith.constant 9 : i32
    %add3A_0 = arith.addi %arg0, %add3A : i32
    %c0_i32 = arith.constant 0 : i32
    %c0_i32_1 = arith.constant 0 : i32
    return %add3A_0, %c0_i32 : i32, i32
  }
  func.func @transform_1(%arg0: i32) -> (i32, i32) {
    %c0_i32 = arith.constant 0 : i32
    %c0_i32_0 = arith.constant 0 : i32
    %c0_i32_1 = arith.constant 0 : i32
    return %c0_i32, %c0_i32_0 : i32, i32
  }
  func.func @transform_2(%arg0: i32) -> i32 {
    %c0_i32 = arith.constant 0 : i32
    return %arg0 : i32
  }
}

module attributes {stable_mosaic.version = 14 : i64} {
  func.func @_vq_body(%arg0: i32, %arg1: memref<512x256xf32, #tpu.memory_space<vmem>>, %arg2: memref<8192x256xf32, #tpu.memory_space<vmem>>, %arg3: memref<512xi32, #tpu.memory_space<vmem>>, %arg4: memref<256x8192xf32, #tpu.memory_space<vmem>>, %arg5: memref<1x8192xf32, #tpu.memory_space<vmem>>) attributes {dimension_semantics = [#tpu.dimension_semantics<arbitrary>], iteration_bounds = array<i64: 9>, scalar_prefetch = 0 : i64, scratch_operands = 2 : i64, tpu.core_type = #tpu.core_type<tc>, window_params = [{transform_indices = @transform_0, window_bounds = array<i64: 512, 256>}, {pipeline_mode = #tpu.pipeline_mode<synchronous>, transform_indices = @transform_1, window_bounds = array<i64: 8192, 256>}, {transform_indices = @transform_2, window_bounds = array<i64: 512>}]} {
    %eq3A = arith.constant 0 : i32
    %eq3A_0 = arith.cmpi eq, %arg0, %eq3A : i32
    %convert_element_type3A = arith.extui %eq3A_0 : i1 to i32
    %cond3A = arith.constant 0 : i32
    %cond3A_1 = arith.cmpi ne, %convert_element_type3A, %cond3A : i32
    scf.if %cond3A_1 {
      %get3A_988 = arith.constant 0 : index
      %get3A_989 = arith.constant 0 : index
      %get3A_990 = vector.load %arg2[%get3A_988, %get3A_989] : memref<8192x256xf32, #tpu.memory_space<vmem>>, vector<8192x256xf32>
      %transpose3A_991 = tpu.transpose %get3A_990, [1, 0] : vector<8192x256xf32> -> vector<256x8192xf32>
      %swap3A_992 = arith.constant 0 : index
      %swap3A_993 = arith.constant 0 : index
      %swap3A_994 = vector.load %arg4[%swap3A_992, %swap3A_993] : memref<256x8192xf32, #tpu.memory_space<vmem>>, vector<256x8192xf32>
      tpu.vector_store %arg4[%swap3A_992, %swap3A_993], %transpose3A_991 {strides = array<i32>} : memref<256x8192xf32, #tpu.memory_space<vmem>>, vector<256x8192xf32>,
      %mul3A_995 = arith.mulf %transpose3A_991, %transpose3A_991 : vector<256x8192xf32>
      %reduce_sum3A_996 = arith.constant dense<0.000000e+00> : vector<8192xf32>
      %reduce_sum3A_997 = vector.multi_reduction <add>, %mul3A_995, %reduce_sum3A_996 [0] : vector<256x8192xf32> to vector<8192xf32>
      %broadcast_in_dim3A_998 = vector.shape_cast %reduce_sum3A_997 : vector<8192xf32> to vector<1x8192xf32>
      %swap3A_999 = arith.constant 0 : index
      %swap3A_1000 = arith.constant 0 : index
      %swap3A_1001 = vector.load %arg5[%swap3A_999, %swap3A_1000] : memref<1x8192xf32, #tpu.memory_space<vmem>>, vector<1x8192xf32>
      tpu.vector_store %arg5[%swap3A_999, %swap3A_1000], %broadcast_in_dim3A_998 {strides = array<i32>} : memref<1x8192xf32, #tpu.memory_space<vmem>>, vector<1x8192xf32>,
    } else {
    }
    %get3A = arith.constant 0 : index
    %get3A_2 = arith.constant 0 : index
    %get3A_3 = vector.load %arg1[%get3A, %get3A_2] : memref<512x256xf32, #tpu.memory_space<vmem>>, vector<512x256xf32>
    %add3A = arith.addf %get3A_3, %get3A_3 : vector<512x256xf32>
    %mul3A = arith.mulf %get3A_3, %get3A_3 : vector<512x256xf32>
    %reduce_sum3A = arith.constant dense<0.000000e+00> : vector<512xf32>
    %reduce_sum3A_4 = vector.multi_reduction <add>, %mul3A, %reduce_sum3A [1] : vector<512x256xf32> to vector<512xf32>
    %broadcast_in_dim3A = vector.shape_cast %reduce_sum3A_4 : vector<512xf32> to vector<512x1xf32>
    %get3A_5 = arith.constant 0 : index
    %get3A_6 = arith.constant 0 : index
    %get3A_7 = vector.load %arg4[%get3A_5, %get3A_6] : memref<256x8192xf32, #tpu.memory_space<vmem>>, vector<256x2048xf32>
    %dot_general3A = arith.constant dense<0.000000e+00> : vector<512x2048xf32>
    %dot_general3A_8 = tpu.matmul %add3A, %get3A_7, %dot_general3A {dimension_numbers = #tpu.dot_dimension_numbers<[1], [0], [0], [1], [0, 0, 1, 1], [], []>, transpose_lhs_hint = false} : vector<512x256xf32>, vector<256x2048xf32>, vector<512x2048xf32> -> vector<512x2048xf32>
    %get3A_9 = arith.constant 0 : index
    %get3A_10 = arith.constant 2048 : index
    %get3A_11 = vector.load %arg4[%get3A_9, %get3A_10] : memref<256x8192xf32, #tpu.memory_space<vmem>>, vector<256x2048xf32>
    %dot_general3A_12 = arith.constant dense<0.000000e+00> : vector<512x2048xf32>
    %dot_general3A_13 = tpu.matmul %add3A, %get3A_11, %dot_general3A_12 {dimension_numbers = #tpu.dot_dimension_numbers<[1], [0], [0], [1], [0, 0, 1, 1], [], []>, transpose_lhs_hint = false} : vector<512x256xf32>, vector<256x2048xf32>, vector<512x2048xf32> -> vector<512x2048xf32>
    %get3A_14 = arith.constant 0 : index
    %get3A_15 = arith.constant 4096 : index
    %get3A_16 = vector.load %arg4[%get3A_14, %get3A_15] : memref<256x8192xf32, #tpu.memory_space<vmem>>, vector<256x2048xf32>
    %dot_general3A_17 = arith.constant dense<0.000000e+00> : vector<512x2048xf32>
    %dot_general3A_18 = tpu.matmul %add3A, %get3A_16, %dot_general3A_17 {dimension_numbers = #tpu.dot_dimension_numbers<[1], [0], [0], [1], [0, 0, 1, 1], [], []>, transpose_lhs_hint = false} : vector<512x256xf32>, vector<256x2048xf32>, vector<512x2048xf32> -> vector<512x2048xf32>
    %get3A_19 = arith.constant 0 : index
    %get3A_20 = arith.constant 6144 : index
    %get3A_21 = vector.load %arg4[%get3A_19, %get3A_20] : memref<256x8192xf32, #tpu.memory_space<vmem>>, vector<256x2048xf32>
    %dot_general3A_22 = arith.constant dense<0.000000e+00> : vector<512x2048xf32>
    %dot_general3A_23 = tpu.matmul %add3A, %get3A_21, %dot_general3A_22 {dimension_numbers = #tpu.dot_dimension_numbers<[1], [0], [0], [1], [0, 0, 1, 1], [], []>, transpose_lhs_hint = false} : vector<512x256xf32>, vector<256x2048xf32>, vector<512x2048xf32> -> vector<512x2048xf32>
    %slice3A = vector.extract_strided_slice %dot_general3A_8 {offsets = [0, 0], sizes = [512, 128], strides = [1, 1]} : vector<512x2048xf32> to vector<512x128xf32>
    %get3A_24 = arith.constant 0 : index
    %get3A_25 = arith.constant 0 : index
    %get3A_26 = vector.load %arg5[%get3A_24, %get3A_25] : memref<1x8192xf32, #tpu.memory_space<vmem>>, vector<1x128xf32>
    %get3A_27 = vector.shape_cast %get3A_26 : vector<1x128xf32> to vector<128xf32>
    %sub3A = vector.broadcast %broadcast_in_dim3A : vector<512x1xf32> to vector<512x128xf32>
    %sub3A_28 = arith.subf %sub3A, %slice3A : vector<512x128xf32>
    %broadcast_in_dim3A_29 = vector.shape_cast %get3A_27 : vector<128xf32> to vector<1x128xf32>
    %add3A_30 = vector.broadcast %broadcast_in_dim3A_29 : vector<1x128xf32> to vector<512x128xf32>
    %add3A_31 = arith.addf %sub3A_28, %add3A_30 : vector<512x128xf32>
    %broadcast_in_dim3A_32 = arith.constant 0 : i32
    %broadcast_in_dim3A_33 = vector.broadcast %broadcast_in_dim3A_32 : i32 to vector<512x128xi32>
    %slice3A_34 = vector.extract_strided_slice %dot_general3A_8 {offsets = [0, 128], sizes = [512, 128], strides = [1, 1]} : vector<512x2048xf32> to vector<512x128xf32>
    %get3A_35 = arith.constant 0 : index
    %get3A_36 = arith.constant 128 : index
    %get3A_37 = vector.load %arg5[%get3A_35, %get3A_36] : memref<1x8192xf32, #tpu.memory_space<vmem>>, vector<1x128xf32>
    %get3A_38 = vector.shape_cast %get3A_37 : vector<1x128xf32> to vector<128xf32>
    %sub3A_39 = vector.broadcast %broadcast_in_dim3A : vector<512x1xf32> to vector<512x128xf32>
    %sub3A_40 = arith.subf %sub3A_39, %slice3A_34 : vector<512x128xf32>
    %broadcast_in_dim3A_41 = vector.shape_cast %get3A_38 : vector<128xf32> to vector<1x128xf32>
    %add3A_42 = vector.broadcast %broadcast_in_dim3A_41 : vector<1x128xf32> to vector<512x128xf32>
    %add3A_43 = arith.addf %sub3A_40, %add3A_42 : vector<512x128xf32>
    %lt3A = arith.cmpf olt, %add3A_43, %add3A_31 : vector<512x128xf32>
    %select_n3A = arith.select %lt3A, %add3A_43, %add3A_31 : vector<512x128xi1>, vector<512x128xf32>
    %jit3A = arith.constant 128 : i32
    %broadcast_in_dim3A_44 = vector.broadcast %jit3A : i32 to vector<512x128xi32>
    %select_n3A_45 = arith.select %lt3A, %broadcast_in_dim3A_44, %broadcast_in_dim3A_33 : vector<512x128xi1>, vector<512x128xi32>
    %slice3A_46 = vector.extract_strided_slice %dot_general3A_8 {offsets = [0, 256], sizes = [512, 128], strides = [1, 1]} : vector<512x2048xf32> to vector<512x128xf32>
    %get3A_47 = arith.constant 0 : index
    %get3A_48 = arith.constant 256 : index
    %get3A_49 = vector.load %arg5[%get3A_47, %get3A_48] : memref<1x8192xf32, #tpu.memory_space<vmem>>, vector<1x128xf32>
    %get3A_50 = vector.shape_cast %get3A_49 : vector<1x128xf32> to vector<128xf32>
    %sub3A_51 = vector.broadcast %broadcast_in_dim3A : vector<512x1xf32> to vector<512x128xf32>
    %sub3A_52 = arith.subf %sub3A_51, %slice3A_46 : vector<512x128xf32>
    %broadcast_in_dim3A_53 = vector.shape_cast %get3A_50 : vector<128xf32> to vector<1x128xf32>
    %add3A_54 = vector.broadcast %broadcast_in_dim3A_53 : vector<1x128xf32> to vector<512x128xf32>
    %add3A_55 = arith.addf %sub3A_52, %add3A_54 : vector<512x128xf32>
    %lt3A_56 = arith.cmpf olt, %add3A_55, %select_n3A : vector<512x128xf32>
    %select_n3A_57 = arith.select %lt3A_56, %add3A_55, %select_n3A : vector<512x128xi1>, vector<512x128xf32>
    %jit3A_58 = arith.constant 256 : i32
    %broadcast_in_dim3A_59 = vector.broadcast %jit3A_58 : i32 to vector<512x128xi32>
    %select_n3A_60 = arith.select %lt3A_56, %broadcast_in_dim3A_59, %select_n3A_45 : vector<512x128xi1>, vector<512x128xi32>
    %slice3A_61 = vector.extract_strided_slice %dot_general3A_8 {offsets = [0, 384], sizes = [512, 128], strides = [1, 1]} : vector<512x2048xf32> to vector<512x128xf32>
    %get3A_62 = arith.constant 0 : index
    %get3A_63 = arith.constant 384 : index
    %get3A_64 = vector.load %arg5[%get3A_62, %get3A_63] : memref<1x8192xf32, #tpu.memory_space<vmem>>, vector<1x128xf32>
    %get3A_65 = vector.shape_cast %get3A_64 : vector<1x128xf32> to vector<128xf32>
    %sub3A_66 = vector.broadcast %broadcast_in_dim3A : vector<512x1xf32> to vector<512x128xf32>
    %sub3A_67 = arith.subf %sub3A_66, %slice3A_61 : vector<512x128xf32>
    %broadcast_in_dim3A_68 = vector.shape_cast %get3A_65 : vector<128xf32> to vector<1x128xf32>
    %add3A_69 = vector.broadcast %broadcast_in_dim3A_68 : vector<1x128xf32> to vector<512x128xf32>
    %add3A_70 = arith.addf %sub3A_67, %add3A_69 : vector<512x128xf32>
    %lt3A_71 = arith.cmpf olt, %add3A_70, %select_n3A_57 : vector<512x128xf32>
    %select_n3A_72 = arith.select %lt3A_71, %add3A_70, %select_n3A_57 : vector<512x128xi1>, vector<512x128xf32>
    %jit3A_73 = arith.constant 384 : i32
    %broadcast_in_dim3A_74 = vector.broadcast %jit3A_73 : i32 to vector<512x128xi32>
    %select_n3A_75 = arith.select %lt3A_71, %broadcast_in_dim3A_74, %select_n3A_60 : vector<512x128xi1>, vector<512x128xi32>
    %slice3A_76 = vector.extract_strided_slice %dot_general3A_8 {offsets = [0, 512], sizes = [512, 128], strides = [1, 1]} : vector<512x2048xf32> to vector<512x128xf32>
    %get3A_77 = arith.constant 0 : index
    %get3A_78 = arith.constant 512 : index
    %get3A_79 = vector.load %arg5[%get3A_77, %get3A_78] : memref<1x8192xf32, #tpu.memory_space<vmem>>, vector<1x128xf32>
    %get3A_80 = vector.shape_cast %get3A_79 : vector<1x128xf32> to vector<128xf32>
    %sub3A_81 = vector.broadcast %broadcast_in_dim3A : vector<512x1xf32> to vector<512x128xf32>
    %sub3A_82 = arith.subf %sub3A_81, %slice3A_76 : vector<512x128xf32>
    %broadcast_in_dim3A_83 = vector.shape_cast %get3A_80 : vector<128xf32> to vector<1x128xf32>
    %add3A_84 = vector.broadcast %broadcast_in_dim3A_83 : vector<1x128xf32> to vector<512x128xf32>
    %add3A_85 = arith.addf %sub3A_82, %add3A_84 : vector<512x128xf32>
    %lt3A_86 = arith.cmpf olt, %add3A_85, %select_n3A_72 : vector<512x128xf32>
    %select_n3A_87 = arith.select %lt3A_86, %add3A_85, %select_n3A_72 : vector<512x128xi1>, vector<512x128xf32>
    %jit3A_88 = arith.constant 512 : i32
    %broadcast_in_dim3A_89 = vector.broadcast %jit3A_88 : i32 to vector<512x128xi32>
    %select_n3A_90 = arith.select %lt3A_86, %broadcast_in_dim3A_89, %select_n3A_75 : vector<512x128xi1>, vector<512x128xi32>
    %slice3A_91 = vector.extract_strided_slice %dot_general3A_8 {offsets = [0, 640], sizes = [512, 128], strides = [1, 1]} : vector<512x2048xf32> to vector<512x128xf32>
    %get3A_92 = arith.constant 0 : index
    %get3A_93 = arith.constant 640 : index
    %get3A_94 = vector.load %arg5[%get3A_92, %get3A_93] : memref<1x8192xf32, #tpu.memory_space<vmem>>, vector<1x128xf32>
    %get3A_95 = vector.shape_cast %get3A_94 : vector<1x128xf32> to vector<128xf32>
    %sub3A_96 = vector.broadcast %broadcast_in_dim3A : vector<512x1xf32> to vector<512x128xf32>
    %sub3A_97 = arith.subf %sub3A_96, %slice3A_91 : vector<512x128xf32>
    %broadcast_in_dim3A_98 = vector.shape_cast %get3A_95 : vector<128xf32> to vector<1x128xf32>
    %add3A_99 = vector.broadcast %broadcast_in_dim3A_98 : vector<1x128xf32> to vector<512x128xf32>
    %add3A_100 = arith.addf %sub3A_97, %add3A_99 : vector<512x128xf32>
    %lt3A_101 = arith.cmpf olt, %add3A_100, %select_n3A_87 : vector<512x128xf32>
    %select_n3A_102 = arith.select %lt3A_101, %add3A_100, %select_n3A_87 : vector<512x128xi1>, vector<512x128xf32>
    %jit3A_103 = arith.constant 640 : i32
    %broadcast_in_dim3A_104 = vector.broadcast %jit3A_103 : i32 to vector<512x128xi32>
    %select_n3A_105 = arith.select %lt3A_101, %broadcast_in_dim3A_104, %select_n3A_90 : vector<512x128xi1>, vector<512x128xi32>
    %slice3A_106 = vector.extract_strided_slice %dot_general3A_8 {offsets = [0, 768], sizes = [512, 128], strides = [1, 1]} : vector<512x2048xf32> to vector<512x128xf32>
    %get3A_107 = arith.constant 0 : index
    %get3A_108 = arith.constant 768 : index
    %get3A_109 = vector.load %arg5[%get3A_107, %get3A_108] : memref<1x8192xf32, #tpu.memory_space<vmem>>, vector<1x128xf32>
    %get3A_110 = vector.shape_cast %get3A_109 : vector<1x128xf32> to vector<128xf32>
    %sub3A_111 = vector.broadcast %broadcast_in_dim3A : vector<512x1xf32> to vector<512x128xf32>
    %sub3A_112 = arith.subf %sub3A_111, %slice3A_106 : vector<512x128xf32>
    %broadcast_in_dim3A_113 = vector.shape_cast %get3A_110 : vector<128xf32> to vector<1x128xf32>
    %add3A_114 = vector.broadcast %broadcast_in_dim3A_113 : vector<1x128xf32> to vector<512x128xf32>
    %add3A_115 = arith.addf %sub3A_112, %add3A_114 : vector<512x128xf32>
    %lt3A_116 = arith.cmpf olt, %add3A_115, %select_n3A_102 : vector<512x128xf32>
    %select_n3A_117 = arith.select %lt3A_116, %add3A_115, %select_n3A_102 : vector<512x128xi1>, vector<512x128xf32>
    %jit3A_118 = arith.constant 768 : i32
    %broadcast_in_dim3A_119 = vector.broadcast %jit3A_118 : i32 to vector<512x128xi32>
    %select_n3A_120 = arith.select %lt3A_116, %broadcast_in_dim3A_119, %select_n3A_105 : vector<512x128xi1>, vector<512x128xi32>
    %slice3A_121 = vector.extract_strided_slice %dot_general3A_8 {offsets = [0, 896], sizes = [512, 128], strides = [1, 1]} : vector<512x2048xf32> to vector<512x128xf32>
    %get3A_122 = arith.constant 0 : index
    %get3A_123 = arith.constant 896 : index
    %get3A_124 = vector.load %arg5[%get3A_122, %get3A_123] : memref<1x8192xf32, #tpu.memory_space<vmem>>, vector<1x128xf32>
    %get3A_125 = vector.shape_cast %get3A_124 : vector<1x128xf32> to vector<128xf32>
    %sub3A_126 = vector.broadcast %broadcast_in_dim3A : vector<512x1xf32> to vector<512x128xf32>
    %sub3A_127 = arith.subf %sub3A_126, %slice3A_121 : vector<512x128xf32>
    %broadcast_in_dim3A_128 = vector.shape_cast %get3A_125 : vector<128xf32> to vector<1x128xf32>
    %add3A_129 = vector.broadcast %broadcast_in_dim3A_128 : vector<1x128xf32> to vector<512x128xf32>
    %add3A_130 = arith.addf %sub3A_127, %add3A_129 : vector<512x128xf32>
    %lt3A_131 = arith.cmpf olt, %add3A_130, %select_n3A_117 : vector<512x128xf32>
    %select_n3A_132 = arith.select %lt3A_131, %add3A_130, %select_n3A_117 : vector<512x128xi1>, vector<512x128xf32>
    %jit3A_133 = arith.constant 896 : i32
    %broadcast_in_dim3A_134 = vector.broadcast %jit3A_133 : i32 to vector<512x128xi32>
    %select_n3A_135 = arith.select %lt3A_131, %broadcast_in_dim3A_134, %select_n3A_120 : vector<512x128xi1>, vector<512x128xi32>
    %slice3A_136 = vector.extract_strided_slice %dot_general3A_8 {offsets = [0, 1024], sizes = [512, 128], strides = [1, 1]} : vector<512x2048xf32> to vector<512x128xf32>
    %get3A_137 = arith.constant 0 : index
    %get3A_138 = arith.constant 1024 : index
    %get3A_139 = vector.load %arg5[%get3A_137, %get3A_138] : memref<1x8192xf32, #tpu.memory_space<vmem>>, vector<1x128xf32>
    %get3A_140 = vector.shape_cast %get3A_139 : vector<1x128xf32> to vector<128xf32>
    %sub3A_141 = vector.broadcast %broadcast_in_dim3A : vector<512x1xf32> to vector<512x128xf32>
    %sub3A_142 = arith.subf %sub3A_141, %slice3A_136 : vector<512x128xf32>
    %broadcast_in_dim3A_143 = vector.shape_cast %get3A_140 : vector<128xf32> to vector<1x128xf32>
    %add3A_144 = vector.broadcast %broadcast_in_dim3A_143 : vector<1x128xf32> to vector<512x128xf32>
    %add3A_145 = arith.addf %sub3A_142, %add3A_144 : vector<512x128xf32>
    %lt3A_146 = arith.cmpf olt, %add3A_145, %select_n3A_132 : vector<512x128xf32>
    %select_n3A_147 = arith.select %lt3A_146, %add3A_145, %select_n3A_132 : vector<512x128xi1>, vector<512x128xf32>
    %jit3A_148 = arith.constant 1024 : i32
    %broadcast_in_dim3A_149 = vector.broadcast %jit3A_148 : i32 to vector<512x128xi32>
    %select_n3A_150 = arith.select %lt3A_146, %broadcast_in_dim3A_149, %select_n3A_135 : vector<512x128xi1>, vector<512x128xi32>
    %slice3A_151 = vector.extract_strided_slice %dot_general3A_8 {offsets = [0, 1152], sizes = [512, 128], strides = [1, 1]} : vector<512x2048xf32> to vector<512x128xf32>
    %get3A_152 = arith.constant 0 : index
    %get3A_153 = arith.constant 1152 : index
    %get3A_154 = vector.load %arg5[%get3A_152, %get3A_153] : memref<1x8192xf32, #tpu.memory_space<vmem>>, vector<1x128xf32>
    %get3A_155 = vector.shape_cast %get3A_154 : vector<1x128xf32> to vector<128xf32>
    %sub3A_156 = vector.broadcast %broadcast_in_dim3A : vector<512x1xf32> to vector<512x128xf32>
    %sub3A_157 = arith.subf %sub3A_156, %slice3A_151 : vector<512x128xf32>
    %broadcast_in_dim3A_158 = vector.shape_cast %get3A_155 : vector<128xf32> to vector<1x128xf32>
    %add3A_159 = vector.broadcast %broadcast_in_dim3A_158 : vector<1x128xf32> to vector<512x128xf32>
    %add3A_160 = arith.addf %sub3A_157, %add3A_159 : vector<512x128xf32>
    %lt3A_161 = arith.cmpf olt, %add3A_160, %select_n3A_147 : vector<512x128xf32>
    %select_n3A_162 = arith.select %lt3A_161, %add3A_160, %select_n3A_147 : vector<512x128xi1>, vector<512x128xf32>
    %jit3A_163 = arith.constant 1152 : i32
    %broadcast_in_dim3A_164 = vector.broadcast %jit3A_163 : i32 to vector<512x128xi32>
    %select_n3A_165 = arith.select %lt3A_161, %broadcast_in_dim3A_164, %select_n3A_150 : vector<512x128xi1>, vector<512x128xi32>
    %slice3A_166 = vector.extract_strided_slice %dot_general3A_8 {offsets = [0, 1280], sizes = [512, 128], strides = [1, 1]} : vector<512x2048xf32> to vector<512x128xf32>
    %get3A_167 = arith.constant 0 : index
    %get3A_168 = arith.constant 1280 : index
    %get3A_169 = vector.load %arg5[%get3A_167, %get3A_168] : memref<1x8192xf32, #tpu.memory_space<vmem>>, vector<1x128xf32>
    %get3A_170 = vector.shape_cast %get3A_169 : vector<1x128xf32> to vector<128xf32>
    %sub3A_171 = vector.broadcast %broadcast_in_dim3A : vector<512x1xf32> to vector<512x128xf32>
    %sub3A_172 = arith.subf %sub3A_171, %slice3A_166 : vector<512x128xf32>
    %broadcast_in_dim3A_173 = vector.shape_cast %get3A_170 : vector<128xf32> to vector<1x128xf32>
    %add3A_174 = vector.broadcast %broadcast_in_dim3A_173 : vector<1x128xf32> to vector<512x128xf32>
    %add3A_175 = arith.addf %sub3A_172, %add3A_174 : vector<512x128xf32>
    %lt3A_176 = arith.cmpf olt, %add3A_175, %select_n3A_162 : vector<512x128xf32>
    %select_n3A_177 = arith.select %lt3A_176, %add3A_175, %select_n3A_162 : vector<512x128xi1>, vector<512x128xf32>
    %jit3A_178 = arith.constant 1280 : i32
    %broadcast_in_dim3A_179 = vector.broadcast %jit3A_178 : i32 to vector<512x128xi32>
    %select_n3A_180 = arith.select %lt3A_176, %broadcast_in_dim3A_179, %select_n3A_165 : vector<512x128xi1>, vector<512x128xi32>
    %slice3A_181 = vector.extract_strided_slice %dot_general3A_8 {offsets = [0, 1408], sizes = [512, 128], strides = [1, 1]} : vector<512x2048xf32> to vector<512x128xf32>
    %get3A_182 = arith.constant 0 : index
    %get3A_183 = arith.constant 1408 : index
    %get3A_184 = vector.load %arg5[%get3A_182, %get3A_183] : memref<1x8192xf32, #tpu.memory_space<vmem>>, vector<1x128xf32>
    %get3A_185 = vector.shape_cast %get3A_184 : vector<1x128xf32> to vector<128xf32>
    %sub3A_186 = vector.broadcast %broadcast_in_dim3A : vector<512x1xf32> to vector<512x128xf32>
    %sub3A_187 = arith.subf %sub3A_186, %slice3A_181 : vector<512x128xf32>
    %broadcast_in_dim3A_188 = vector.shape_cast %get3A_185 : vector<128xf32> to vector<1x128xf32>
    %add3A_189 = vector.broadcast %broadcast_in_dim3A_188 : vector<1x128xf32> to vector<512x128xf32>
    %add3A_190 = arith.addf %sub3A_187, %add3A_189 : vector<512x128xf32>
    %lt3A_191 = arith.cmpf olt, %add3A_190, %select_n3A_177 : vector<512x128xf32>
    %select_n3A_192 = arith.select %lt3A_191, %add3A_190, %select_n3A_177 : vector<512x128xi1>, vector<512x128xf32>
    %jit3A_193 = arith.constant 1408 : i32
    %broadcast_in_dim3A_194 = vector.broadcast %jit3A_193 : i32 to vector<512x128xi32>
    %select_n3A_195 = arith.select %lt3A_191, %broadcast_in_dim3A_194, %select_n3A_180 : vector<512x128xi1>, vector<512x128xi32>
    %slice3A_196 = vector.extract_strided_slice %dot_general3A_8 {offsets = [0, 1536], sizes = [512, 128], strides = [1, 1]} : vector<512x2048xf32> to vector<512x128xf32>
    %get3A_197 = arith.constant 0 : index
    %get3A_198 = arith.constant 1536 : index
    %get3A_199 = vector.load %arg5[%get3A_197, %get3A_198] : memref<1x8192xf32, #tpu.memory_space<vmem>>, vector<1x128xf32>
    %get3A_200 = vector.shape_cast %get3A_199 : vector<1x128xf32> to vector<128xf32>
    %sub3A_201 = vector.broadcast %broadcast_in_dim3A : vector<512x1xf32> to vector<512x128xf32>
    %sub3A_202 = arith.subf %sub3A_201, %slice3A_196 : vector<512x128xf32>
    %broadcast_in_dim3A_203 = vector.shape_cast %get3A_200 : vector<128xf32> to vector<1x128xf32>
    %add3A_204 = vector.broadcast %broadcast_in_dim3A_203 : vector<1x128xf32> to vector<512x128xf32>
    %add3A_205 = arith.addf %sub3A_202, %add3A_204 : vector<512x128xf32>
    %lt3A_206 = arith.cmpf olt, %add3A_205, %select_n3A_192 : vector<512x128xf32>
    %select_n3A_207 = arith.select %lt3A_206, %add3A_205, %select_n3A_192 : vector<512x128xi1>, vector<512x128xf32>
    %jit3A_208 = arith.constant 1536 : i32
    %broadcast_in_dim3A_209 = vector.broadcast %jit3A_208 : i32 to vector<512x128xi32>
    %select_n3A_210 = arith.select %lt3A_206, %broadcast_in_dim3A_209, %select_n3A_195 : vector<512x128xi1>, vector<512x128xi32>
    %slice3A_211 = vector.extract_strided_slice %dot_general3A_8 {offsets = [0, 1664], sizes = [512, 128], strides = [1, 1]} : vector<512x2048xf32> to vector<512x128xf32>
    %get3A_212 = arith.constant 0 : index
    %get3A_213 = arith.constant 1664 : index
    %get3A_214 = vector.load %arg5[%get3A_212, %get3A_213] : memref<1x8192xf32, #tpu.memory_space<vmem>>, vector<1x128xf32>
    %get3A_215 = vector.shape_cast %get3A_214 : vector<1x128xf32> to vector<128xf32>
    %sub3A_216 = vector.broadcast %broadcast_in_dim3A : vector<512x1xf32> to vector<512x128xf32>
    %sub3A_217 = arith.subf %sub3A_216, %slice3A_211 : vector<512x128xf32>
    %broadcast_in_dim3A_218 = vector.shape_cast %get3A_215 : vector<128xf32> to vector<1x128xf32>
    %add3A_219 = vector.broadcast %broadcast_in_dim3A_218 : vector<1x128xf32> to vector<512x128xf32>
    %add3A_220 = arith.addf %sub3A_217, %add3A_219 : vector<512x128xf32>
    %lt3A_221 = arith.cmpf olt, %add3A_220, %select_n3A_207 : vector<512x128xf32>
    %select_n3A_222 = arith.select %lt3A_221, %add3A_220, %select_n3A_207 : vector<512x128xi1>, vector<512x128xf32>
    %jit3A_223 = arith.constant 1664 : i32
    %broadcast_in_dim3A_224 = vector.broadcast %jit3A_223 : i32 to vector<512x128xi32>
    %select_n3A_225 = arith.select %lt3A_221, %broadcast_in_dim3A_224, %select_n3A_210 : vector<512x128xi1>, vector<512x128xi32>
    %slice3A_226 = vector.extract_strided_slice %dot_general3A_8 {offsets = [0, 1792], sizes = [512, 128], strides = [1, 1]} : vector<512x2048xf32> to vector<512x128xf32>
    %get3A_227 = arith.constant 0 : index
    %get3A_228 = arith.constant 1792 : index
    %get3A_229 = vector.load %arg5[%get3A_227, %get3A_228] : memref<1x8192xf32, #tpu.memory_space<vmem>>, vector<1x128xf32>
    %get3A_230 = vector.shape_cast %get3A_229 : vector<1x128xf32> to vector<128xf32>
    %sub3A_231 = vector.broadcast %broadcast_in_dim3A : vector<512x1xf32> to vector<512x128xf32>
    %sub3A_232 = arith.subf %sub3A_231, %slice3A_226 : vector<512x128xf32>
    %broadcast_in_dim3A_233 = vector.shape_cast %get3A_230 : vector<128xf32> to vector<1x128xf32>
    %add3A_234 = vector.broadcast %broadcast_in_dim3A_233 : vector<1x128xf32> to vector<512x128xf32>
    %add3A_235 = arith.addf %sub3A_232, %add3A_234 : vector<512x128xf32>
    %lt3A_236 = arith.cmpf olt, %add3A_235, %select_n3A_222 : vector<512x128xf32>
    %select_n3A_237 = arith.select %lt3A_236, %add3A_235, %select_n3A_222 : vector<512x128xi1>, vector<512x128xf32>
    %jit3A_238 = arith.constant 1792 : i32
    %broadcast_in_dim3A_239 = vector.broadcast %jit3A_238 : i32 to vector<512x128xi32>
    %select_n3A_240 = arith.select %lt3A_236, %broadcast_in_dim3A_239, %select_n3A_225 : vector<512x128xi1>, vector<512x128xi32>
    %slice3A_241 = vector.extract_strided_slice %dot_general3A_8 {offsets = [0, 1920], sizes = [512, 128], strides = [1, 1]} : vector<512x2048xf32> to vector<512x128xf32>
    %get3A_242 = arith.constant 0 : index
    %get3A_243 = arith.constant 1920 : index
    %get3A_244 = vector.load %arg5[%get3A_242, %get3A_243] : memref<1x8192xf32, #tpu.memory_space<vmem>>, vector<1x128xf32>
    %get3A_245 = vector.shape_cast %get3A_244 : vector<1x128xf32> to vector<128xf32>
    %sub3A_246 = vector.broadcast %broadcast_in_dim3A : vector<512x1xf32> to vector<512x128xf32>
    %sub3A_247 = arith.subf %sub3A_246, %slice3A_241 : vector<512x128xf32>
    %broadcast_in_dim3A_248 = vector.shape_cast %get3A_245 : vector<128xf32> to vector<1x128xf32>
    %add3A_249 = vector.broadcast %broadcast_in_dim3A_248 : vector<1x128xf32> to vector<512x128xf32>
    %add3A_250 = arith.addf %sub3A_247, %add3A_249 : vector<512x128xf32>
    %lt3A_251 = arith.cmpf olt, %add3A_250, %select_n3A_237 : vector<512x128xf32>
    %select_n3A_252 = arith.select %lt3A_251, %add3A_250, %select_n3A_237 : vector<512x128xi1>, vector<512x128xf32>
    %jit3A_253 = arith.constant 1920 : i32
    %broadcast_in_dim3A_254 = vector.broadcast %jit3A_253 : i32 to vector<512x128xi32>
    %select_n3A_255 = arith.select %lt3A_251, %broadcast_in_dim3A_254, %select_n3A_240 : vector<512x128xi1>, vector<512x128xi32>
    %slice3A_256 = vector.extract_strided_slice %dot_general3A_13 {offsets = [0, 0], sizes = [512, 128], strides = [1, 1]} : vector<512x2048xf32> to vector<512x128xf32>
    %get3A_257 = arith.constant 0 : index
    %get3A_258 = arith.constant 2048 : index
    %get3A_259 = vector.load %arg5[%get3A_257, %get3A_258] : memref<1x8192xf32, #tpu.memory_space<vmem>>, vector<1x128xf32>
    %get3A_260 = vector.shape_cast %get3A_259 : vector<1x128xf32> to vector<128xf32>
    %sub3A_261 = vector.broadcast %broadcast_in_dim3A : vector<512x1xf32> to vector<512x128xf32>
    %sub3A_262 = arith.subf %sub3A_261, %slice3A_256 : vector<512x128xf32>
    %broadcast_in_dim3A_263 = vector.shape_cast %get3A_260 : vector<128xf32> to vector<1x128xf32>
    %add3A_264 = vector.broadcast %broadcast_in_dim3A_263 : vector<1x128xf32> to vector<512x128xf32>
    %add3A_265 = arith.addf %sub3A_262, %add3A_264 : vector<512x128xf32>
    %lt3A_266 = arith.cmpf olt, %add3A_265, %select_n3A_252 : vector<512x128xf32>
    %select_n3A_267 = arith.select %lt3A_266, %add3A_265, %select_n3A_252 : vector<512x128xi1>, vector<512x128xf32>
    %jit3A_268 = arith.constant 2048 : i32
    %broadcast_in_dim3A_269 = vector.broadcast %jit3A_268 : i32 to vector<512x128xi32>
    %select_n3A_270 = arith.select %lt3A_266, %broadcast_in_dim3A_269, %select_n3A_255 : vector<512x128xi1>, vector<512x128xi32>
    %slice3A_271 = vector.extract_strided_slice %dot_general3A_13 {offsets = [0, 128], sizes = [512, 128], strides = [1, 1]} : vector<512x2048xf32> to vector<512x128xf32>
    %get3A_272 = arith.constant 0 : index
    %get3A_273 = arith.constant 2176 : index
    %get3A_274 = vector.load %arg5[%get3A_272, %get3A_273] : memref<1x8192xf32, #tpu.memory_space<vmem>>, vector<1x128xf32>
    %get3A_275 = vector.shape_cast %get3A_274 : vector<1x128xf32> to vector<128xf32>
    %sub3A_276 = vector.broadcast %broadcast_in_dim3A : vector<512x1xf32> to vector<512x128xf32>
    %sub3A_277 = arith.subf %sub3A_276, %slice3A_271 : vector<512x128xf32>
    %broadcast_in_dim3A_278 = vector.shape_cast %get3A_275 : vector<128xf32> to vector<1x128xf32>
    %add3A_279 = vector.broadcast %broadcast_in_dim3A_278 : vector<1x128xf32> to vector<512x128xf32>
    %add3A_280 = arith.addf %sub3A_277, %add3A_279 : vector<512x128xf32>
    %lt3A_281 = arith.cmpf olt, %add3A_280, %select_n3A_267 : vector<512x128xf32>
    %select_n3A_282 = arith.select %lt3A_281, %add3A_280, %select_n3A_267 : vector<512x128xi1>, vector<512x128xf32>
    %jit3A_283 = arith.constant 2176 : i32
    %broadcast_in_dim3A_284 = vector.broadcast %jit3A_283 : i32 to vector<512x128xi32>
    %select_n3A_285 = arith.select %lt3A_281, %broadcast_in_dim3A_284, %select_n3A_270 : vector<512x128xi1>, vector<512x128xi32>
    %slice3A_286 = vector.extract_strided_slice %dot_general3A_13 {offsets = [0, 256], sizes = [512, 128], strides = [1, 1]} : vector<512x2048xf32> to vector<512x128xf32>
    %get3A_287 = arith.constant 0 : index
    %get3A_288 = arith.constant 2304 : index
    %get3A_289 = vector.load %arg5[%get3A_287, %get3A_288] : memref<1x8192xf32, #tpu.memory_space<vmem>>, vector<1x128xf32>
    %get3A_290 = vector.shape_cast %get3A_289 : vector<1x128xf32> to vector<128xf32>
    %sub3A_291 = vector.broadcast %broadcast_in_dim3A : vector<512x1xf32> to vector<512x128xf32>
    %sub3A_292 = arith.subf %sub3A_291, %slice3A_286 : vector<512x128xf32>
    %broadcast_in_dim3A_293 = vector.shape_cast %get3A_290 : vector<128xf32> to vector<1x128xf32>
    %add3A_294 = vector.broadcast %broadcast_in_dim3A_293 : vector<1x128xf32> to vector<512x128xf32>
    %add3A_295 = arith.addf %sub3A_292, %add3A_294 : vector<512x128xf32>
    %lt3A_296 = arith.cmpf olt, %add3A_295, %select_n3A_282 : vector<512x128xf32>
    %select_n3A_297 = arith.select %lt3A_296, %add3A_295, %select_n3A_282 : vector<512x128xi1>, vector<512x128xf32>
    %jit3A_298 = arith.constant 2304 : i32
    %broadcast_in_dim3A_299 = vector.broadcast %jit3A_298 : i32 to vector<512x128xi32>
    %select_n3A_300 = arith.select %lt3A_296, %broadcast_in_dim3A_299, %select_n3A_285 : vector<512x128xi1>, vector<512x128xi32>
    %slice3A_301 = vector.extract_strided_slice %dot_general3A_13 {offsets = [0, 384], sizes = [512, 128], strides = [1, 1]} : vector<512x2048xf32> to vector<512x128xf32>
    %get3A_302 = arith.constant 0 : index
    %get3A_303 = arith.constant 2432 : index
    %get3A_304 = vector.load %arg5[%get3A_302, %get3A_303] : memref<1x8192xf32, #tpu.memory_space<vmem>>, vector<1x128xf32>
    %get3A_305 = vector.shape_cast %get3A_304 : vector<1x128xf32> to vector<128xf32>
    %sub3A_306 = vector.broadcast %broadcast_in_dim3A : vector<512x1xf32> to vector<512x128xf32>
    %sub3A_307 = arith.subf %sub3A_306, %slice3A_301 : vector<512x128xf32>
    %broadcast_in_dim3A_308 = vector.shape_cast %get3A_305 : vector<128xf32> to vector<1x128xf32>
    %add3A_309 = vector.broadcast %broadcast_in_dim3A_308 : vector<1x128xf32> to vector<512x128xf32>
    %add3A_310 = arith.addf %sub3A_307, %add3A_309 : vector<512x128xf32>
    %lt3A_311 = arith.cmpf olt, %add3A_310, %select_n3A_297 : vector<512x128xf32>
    %select_n3A_312 = arith.select %lt3A_311, %add3A_310, %select_n3A_297 : vector<512x128xi1>, vector<512x128xf32>
    %jit3A_313 = arith.constant 2432 : i32
    %broadcast_in_dim3A_314 = vector.broadcast %jit3A_313 : i32 to vector<512x128xi32>
    %select_n3A_315 = arith.select %lt3A_311, %broadcast_in_dim3A_314, %select_n3A_300 : vector<512x128xi1>, vector<512x128xi32>
    %slice3A_316 = vector.extract_strided_slice %dot_general3A_13 {offsets = [0, 512], sizes = [512, 128], strides = [1, 1]} : vector<512x2048xf32> to vector<512x128xf32>
    %get3A_317 = arith.constant 0 : index
    %get3A_318 = arith.constant 2560 : index
    %get3A_319 = vector.load %arg5[%get3A_317, %get3A_318] : memref<1x8192xf32, #tpu.memory_space<vmem>>, vector<1x128xf32>
    %get3A_320 = vector.shape_cast %get3A_319 : vector<1x128xf32> to vector<128xf32>
    %sub3A_321 = vector.broadcast %broadcast_in_dim3A : vector<512x1xf32> to vector<512x128xf32>
    %sub3A_322 = arith.subf %sub3A_321, %slice3A_316 : vector<512x128xf32>
    %broadcast_in_dim3A_323 = vector.shape_cast %get3A_320 : vector<128xf32> to vector<1x128xf32>
    %add3A_324 = vector.broadcast %broadcast_in_dim3A_323 : vector<1x128xf32> to vector<512x128xf32>
    %add3A_325 = arith.addf %sub3A_322, %add3A_324 : vector<512x128xf32>
    %lt3A_326 = arith.cmpf olt, %add3A_325, %select_n3A_312 : vector<512x128xf32>
    %select_n3A_327 = arith.select %lt3A_326, %add3A_325, %select_n3A_312 : vector<512x128xi1>, vector<512x128xf32>
    %jit3A_328 = arith.constant 2560 : i32
    %broadcast_in_dim3A_329 = vector.broadcast %jit3A_328 : i32 to vector<512x128xi32>
    %select_n3A_330 = arith.select %lt3A_326, %broadcast_in_dim3A_329, %select_n3A_315 : vector<512x128xi1>, vector<512x128xi32>
    %slice3A_331 = vector.extract_strided_slice %dot_general3A_13 {offsets = [0, 640], sizes = [512, 128], strides = [1, 1]} : vector<512x2048xf32> to vector<512x128xf32>
    %get3A_332 = arith.constant 0 : index
    %get3A_333 = arith.constant 2688 : index
    %get3A_334 = vector.load %arg5[%get3A_332, %get3A_333] : memref<1x8192xf32, #tpu.memory_space<vmem>>, vector<1x128xf32>
    %get3A_335 = vector.shape_cast %get3A_334 : vector<1x128xf32> to vector<128xf32>
    %sub3A_336 = vector.broadcast %broadcast_in_dim3A : vector<512x1xf32> to vector<512x128xf32>
    %sub3A_337 = arith.subf %sub3A_336, %slice3A_331 : vector<512x128xf32>
    %broadcast_in_dim3A_338 = vector.shape_cast %get3A_335 : vector<128xf32> to vector<1x128xf32>
    %add3A_339 = vector.broadcast %broadcast_in_dim3A_338 : vector<1x128xf32> to vector<512x128xf32>
    %add3A_340 = arith.addf %sub3A_337, %add3A_339 : vector<512x128xf32>
    %lt3A_341 = arith.cmpf olt, %add3A_340, %select_n3A_327 : vector<512x128xf32>
    %select_n3A_342 = arith.select %lt3A_341, %add3A_340, %select_n3A_327 : vector<512x128xi1>, vector<512x128xf32>
    %jit3A_343 = arith.constant 2688 : i32
    %broadcast_in_dim3A_344 = vector.broadcast %jit3A_343 : i32 to vector<512x128xi32>
    %select_n3A_345 = arith.select %lt3A_341, %broadcast_in_dim3A_344, %select_n3A_330 : vector<512x128xi1>, vector<512x128xi32>
    %slice3A_346 = vector.extract_strided_slice %dot_general3A_13 {offsets = [0, 768], sizes = [512, 128], strides = [1, 1]} : vector<512x2048xf32> to vector<512x128xf32>
    %get3A_347 = arith.constant 0 : index
    %get3A_348 = arith.constant 2816 : index
    %get3A_349 = vector.load %arg5[%get3A_347, %get3A_348] : memref<1x8192xf32, #tpu.memory_space<vmem>>, vector<1x128xf32>
    %get3A_350 = vector.shape_cast %get3A_349 : vector<1x128xf32> to vector<128xf32>
    %sub3A_351 = vector.broadcast %broadcast_in_dim3A : vector<512x1xf32> to vector<512x128xf32>
    %sub3A_352 = arith.subf %sub3A_351, %slice3A_346 : vector<512x128xf32>
    %broadcast_in_dim3A_353 = vector.shape_cast %get3A_350 : vector<128xf32> to vector<1x128xf32>
    %add3A_354 = vector.broadcast %broadcast_in_dim3A_353 : vector<1x128xf32> to vector<512x128xf32>
    %add3A_355 = arith.addf %sub3A_352, %add3A_354 : vector<512x128xf32>
    %lt3A_356 = arith.cmpf olt, %add3A_355, %select_n3A_342 : vector<512x128xf32>
    %select_n3A_357 = arith.select %lt3A_356, %add3A_355, %select_n3A_342 : vector<512x128xi1>, vector<512x128xf32>
    %jit3A_358 = arith.constant 2816 : i32
    %broadcast_in_dim3A_359 = vector.broadcast %jit3A_358 : i32 to vector<512x128xi32>
    %select_n3A_360 = arith.select %lt3A_356, %broadcast_in_dim3A_359, %select_n3A_345 : vector<512x128xi1>, vector<512x128xi32>
    %slice3A_361 = vector.extract_strided_slice %dot_general3A_13 {offsets = [0, 896], sizes = [512, 128], strides = [1, 1]} : vector<512x2048xf32> to vector<512x128xf32>
    %get3A_362 = arith.constant 0 : index
    %get3A_363 = arith.constant 2944 : index
    %get3A_364 = vector.load %arg5[%get3A_362, %get3A_363] : memref<1x8192xf32, #tpu.memory_space<vmem>>, vector<1x128xf32>
    %get3A_365 = vector.shape_cast %get3A_364 : vector<1x128xf32> to vector<128xf32>
    %sub3A_366 = vector.broadcast %broadcast_in_dim3A : vector<512x1xf32> to vector<512x128xf32>
    %sub3A_367 = arith.subf %sub3A_366, %slice3A_361 : vector<512x128xf32>
    %broadcast_in_dim3A_368 = vector.shape_cast %get3A_365 : vector<128xf32> to vector<1x128xf32>
    %add3A_369 = vector.broadcast %broadcast_in_dim3A_368 : vector<1x128xf32> to vector<512x128xf32>
    %add3A_370 = arith.addf %sub3A_367, %add3A_369 : vector<512x128xf32>
    %lt3A_371 = arith.cmpf olt, %add3A_370, %select_n3A_357 : vector<512x128xf32>
    %select_n3A_372 = arith.select %lt3A_371, %add3A_370, %select_n3A_357 : vector<512x128xi1>, vector<512x128xf32>
    %jit3A_373 = arith.constant 2944 : i32
    %broadcast_in_dim3A_374 = vector.broadcast %jit3A_373 : i32 to vector<512x128xi32>
    %select_n3A_375 = arith.select %lt3A_371, %broadcast_in_dim3A_374, %select_n3A_360 : vector<512x128xi1>, vector<512x128xi32>
    %slice3A_376 = vector.extract_strided_slice %dot_general3A_13 {offsets = [0, 1024], sizes = [512, 128], strides = [1, 1]} : vector<512x2048xf32> to vector<512x128xf32>
    %get3A_377 = arith.constant 0 : index
    %get3A_378 = arith.constant 3072 : index
    %get3A_379 = vector.load %arg5[%get3A_377, %get3A_378] : memref<1x8192xf32, #tpu.memory_space<vmem>>, vector<1x128xf32>
    %get3A_380 = vector.shape_cast %get3A_379 : vector<1x128xf32> to vector<128xf32>
    %sub3A_381 = vector.broadcast %broadcast_in_dim3A : vector<512x1xf32> to vector<512x128xf32>
    %sub3A_382 = arith.subf %sub3A_381, %slice3A_376 : vector<512x128xf32>
    %broadcast_in_dim3A_383 = vector.shape_cast %get3A_380 : vector<128xf32> to vector<1x128xf32>
    %add3A_384 = vector.broadcast %broadcast_in_dim3A_383 : vector<1x128xf32> to vector<512x128xf32>
    %add3A_385 = arith.addf %sub3A_382, %add3A_384 : vector<512x128xf32>
    %lt3A_386 = arith.cmpf olt, %add3A_385, %select_n3A_372 : vector<512x128xf32>
    %select_n3A_387 = arith.select %lt3A_386, %add3A_385, %select_n3A_372 : vector<512x128xi1>, vector<512x128xf32>
    %jit3A_388 = arith.constant 3072 : i32
    %broadcast_in_dim3A_389 = vector.broadcast %jit3A_388 : i32 to vector<512x128xi32>
    %select_n3A_390 = arith.select %lt3A_386, %broadcast_in_dim3A_389, %select_n3A_375 : vector<512x128xi1>, vector<512x128xi32>
    %slice3A_391 = vector.extract_strided_slice %dot_general3A_13 {offsets = [0, 1152], sizes = [512, 128], strides = [1, 1]} : vector<512x2048xf32> to vector<512x128xf32>
    %get3A_392 = arith.constant 0 : index
    %get3A_393 = arith.constant 3200 : index
    %get3A_394 = vector.load %arg5[%get3A_392, %get3A_393] : memref<1x8192xf32, #tpu.memory_space<vmem>>, vector<1x128xf32>
    %get3A_395 = vector.shape_cast %get3A_394 : vector<1x128xf32> to vector<128xf32>
    %sub3A_396 = vector.broadcast %broadcast_in_dim3A : vector<512x1xf32> to vector<512x128xf32>
    %sub3A_397 = arith.subf %sub3A_396, %slice3A_391 : vector<512x128xf32>
    %broadcast_in_dim3A_398 = vector.shape_cast %get3A_395 : vector<128xf32> to vector<1x128xf32>
    %add3A_399 = vector.broadcast %broadcast_in_dim3A_398 : vector<1x128xf32> to vector<512x128xf32>
    %add3A_400 = arith.addf %sub3A_397, %add3A_399 : vector<512x128xf32>
    %lt3A_401 = arith.cmpf olt, %add3A_400, %select_n3A_387 : vector<512x128xf32>
    %select_n3A_402 = arith.select %lt3A_401, %add3A_400, %select_n3A_387 : vector<512x128xi1>, vector<512x128xf32>
    %jit3A_403 = arith.constant 3200 : i32
    %broadcast_in_dim3A_404 = vector.broadcast %jit3A_403 : i32 to vector<512x128xi32>
    %select_n3A_405 = arith.select %lt3A_401, %broadcast_in_dim3A_404, %select_n3A_390 : vector<512x128xi1>, vector<512x128xi32>
    %slice3A_406 = vector.extract_strided_slice %dot_general3A_13 {offsets = [0, 1280], sizes = [512, 128], strides = [1, 1]} : vector<512x2048xf32> to vector<512x128xf32>
    %get3A_407 = arith.constant 0 : index
    %get3A_408 = arith.constant 3328 : index
    %get3A_409 = vector.load %arg5[%get3A_407, %get3A_408] : memref<1x8192xf32, #tpu.memory_space<vmem>>, vector<1x128xf32>
    %get3A_410 = vector.shape_cast %get3A_409 : vector<1x128xf32> to vector<128xf32>
    %sub3A_411 = vector.broadcast %broadcast_in_dim3A : vector<512x1xf32> to vector<512x128xf32>
    %sub3A_412 = arith.subf %sub3A_411, %slice3A_406 : vector<512x128xf32>
    %broadcast_in_dim3A_413 = vector.shape_cast %get3A_410 : vector<128xf32> to vector<1x128xf32>
    %add3A_414 = vector.broadcast %broadcast_in_dim3A_413 : vector<1x128xf32> to vector<512x128xf32>
    %add3A_415 = arith.addf %sub3A_412, %add3A_414 : vector<512x128xf32>
    %lt3A_416 = arith.cmpf olt, %add3A_415, %select_n3A_402 : vector<512x128xf32>
    %select_n3A_417 = arith.select %lt3A_416, %add3A_415, %select_n3A_402 : vector<512x128xi1>, vector<512x128xf32>
    %jit3A_418 = arith.constant 3328 : i32
    %broadcast_in_dim3A_419 = vector.broadcast %jit3A_418 : i32 to vector<512x128xi32>
    %select_n3A_420 = arith.select %lt3A_416, %broadcast_in_dim3A_419, %select_n3A_405 : vector<512x128xi1>, vector<512x128xi32>
    %slice3A_421 = vector.extract_strided_slice %dot_general3A_13 {offsets = [0, 1408], sizes = [512, 128], strides = [1, 1]} : vector<512x2048xf32> to vector<512x128xf32>
    %get3A_422 = arith.constant 0 : index
    %get3A_423 = arith.constant 3456 : index
    %get3A_424 = vector.load %arg5[%get3A_422, %get3A_423] : memref<1x8192xf32, #tpu.memory_space<vmem>>, vector<1x128xf32>
    %get3A_425 = vector.shape_cast %get3A_424 : vector<1x128xf32> to vector<128xf32>
    %sub3A_426 = vector.broadcast %broadcast_in_dim3A : vector<512x1xf32> to vector<512x128xf32>
    %sub3A_427 = arith.subf %sub3A_426, %slice3A_421 : vector<512x128xf32>
    %broadcast_in_dim3A_428 = vector.shape_cast %get3A_425 : vector<128xf32> to vector<1x128xf32>
    %add3A_429 = vector.broadcast %broadcast_in_dim3A_428 : vector<1x128xf32> to vector<512x128xf32>
    %add3A_430 = arith.addf %sub3A_427, %add3A_429 : vector<512x128xf32>
    %lt3A_431 = arith.cmpf olt, %add3A_430, %select_n3A_417 : vector<512x128xf32>
    %select_n3A_432 = arith.select %lt3A_431, %add3A_430, %select_n3A_417 : vector<512x128xi1>, vector<512x128xf32>
    %jit3A_433 = arith.constant 3456 : i32
    %broadcast_in_dim3A_434 = vector.broadcast %jit3A_433 : i32 to vector<512x128xi32>
    %select_n3A_435 = arith.select %lt3A_431, %broadcast_in_dim3A_434, %select_n3A_420 : vector<512x128xi1>, vector<512x128xi32>
    %slice3A_436 = vector.extract_strided_slice %dot_general3A_13 {offsets = [0, 1536], sizes = [512, 128], strides = [1, 1]} : vector<512x2048xf32> to vector<512x128xf32>
    %get3A_437 = arith.constant 0 : index
    %get3A_438 = arith.constant 3584 : index
    %get3A_439 = vector.load %arg5[%get3A_437, %get3A_438] : memref<1x8192xf32, #tpu.memory_space<vmem>>, vector<1x128xf32>
    %get3A_440 = vector.shape_cast %get3A_439 : vector<1x128xf32> to vector<128xf32>
    %sub3A_441 = vector.broadcast %broadcast_in_dim3A : vector<512x1xf32> to vector<512x128xf32>
    %sub3A_442 = arith.subf %sub3A_441, %slice3A_436 : vector<512x128xf32>
    %broadcast_in_dim3A_443 = vector.shape_cast %get3A_440 : vector<128xf32> to vector<1x128xf32>
    %add3A_444 = vector.broadcast %broadcast_in_dim3A_443 : vector<1x128xf32> to vector<512x128xf32>
    %add3A_445 = arith.addf %sub3A_442, %add3A_444 : vector<512x128xf32>
    %lt3A_446 = arith.cmpf olt, %add3A_445, %select_n3A_432 : vector<512x128xf32>
    %select_n3A_447 = arith.select %lt3A_446, %add3A_445, %select_n3A_432 : vector<512x128xi1>, vector<512x128xf32>
    %jit3A_448 = arith.constant 3584 : i32
    %broadcast_in_dim3A_449 = vector.broadcast %jit3A_448 : i32 to vector<512x128xi32>
    %select_n3A_450 = arith.select %lt3A_446, %broadcast_in_dim3A_449, %select_n3A_435 : vector<512x128xi1>, vector<512x128xi32>
    %slice3A_451 = vector.extract_strided_slice %dot_general3A_13 {offsets = [0, 1664], sizes = [512, 128], strides = [1, 1]} : vector<512x2048xf32> to vector<512x128xf32>
    %get3A_452 = arith.constant 0 : index
    %get3A_453 = arith.constant 3712 : index
    %get3A_454 = vector.load %arg5[%get3A_452, %get3A_453] : memref<1x8192xf32, #tpu.memory_space<vmem>>, vector<1x128xf32>
    %get3A_455 = vector.shape_cast %get3A_454 : vector<1x128xf32> to vector<128xf32>
    %sub3A_456 = vector.broadcast %broadcast_in_dim3A : vector<512x1xf32> to vector<512x128xf32>
    %sub3A_457 = arith.subf %sub3A_456, %slice3A_451 : vector<512x128xf32>
    %broadcast_in_dim3A_458 = vector.shape_cast %get3A_455 : vector<128xf32> to vector<1x128xf32>
    %add3A_459 = vector.broadcast %broadcast_in_dim3A_458 : vector<1x128xf32> to vector<512x128xf32>
    %add3A_460 = arith.addf %sub3A_457, %add3A_459 : vector<512x128xf32>
    %lt3A_461 = arith.cmpf olt, %add3A_460, %select_n3A_447 : vector<512x128xf32>
    %select_n3A_462 = arith.select %lt3A_461, %add3A_460, %select_n3A_447 : vector<512x128xi1>, vector<512x128xf32>
    %jit3A_463 = arith.constant 3712 : i32
    %broadcast_in_dim3A_464 = vector.broadcast %jit3A_463 : i32 to vector<512x128xi32>
    %select_n3A_465 = arith.select %lt3A_461, %broadcast_in_dim3A_464, %select_n3A_450 : vector<512x128xi1>, vector<512x128xi32>
    %slice3A_466 = vector.extract_strided_slice %dot_general3A_13 {offsets = [0, 1792], sizes = [512, 128], strides = [1, 1]} : vector<512x2048xf32> to vector<512x128xf32>
    %get3A_467 = arith.constant 0 : index
    %get3A_468 = arith.constant 3840 : index
    %get3A_469 = vector.load %arg5[%get3A_467, %get3A_468] : memref<1x8192xf32, #tpu.memory_space<vmem>>, vector<1x128xf32>
    %get3A_470 = vector.shape_cast %get3A_469 : vector<1x128xf32> to vector<128xf32>
    %sub3A_471 = vector.broadcast %broadcast_in_dim3A : vector<512x1xf32> to vector<512x128xf32>
    %sub3A_472 = arith.subf %sub3A_471, %slice3A_466 : vector<512x128xf32>
    %broadcast_in_dim3A_473 = vector.shape_cast %get3A_470 : vector<128xf32> to vector<1x128xf32>
    %add3A_474 = vector.broadcast %broadcast_in_dim3A_473 : vector<1x128xf32> to vector<512x128xf32>
    %add3A_475 = arith.addf %sub3A_472, %add3A_474 : vector<512x128xf32>
    %lt3A_476 = arith.cmpf olt, %add3A_475, %select_n3A_462 : vector<512x128xf32>
    %select_n3A_477 = arith.select %lt3A_476, %add3A_475, %select_n3A_462 : vector<512x128xi1>, vector<512x128xf32>
    %jit3A_478 = arith.constant 3840 : i32
    %broadcast_in_dim3A_479 = vector.broadcast %jit3A_478 : i32 to vector<512x128xi32>
    %select_n3A_480 = arith.select %lt3A_476, %broadcast_in_dim3A_479, %select_n3A_465 : vector<512x128xi1>, vector<512x128xi32>
    %slice3A_481 = vector.extract_strided_slice %dot_general3A_13 {offsets = [0, 1920], sizes = [512, 128], strides = [1, 1]} : vector<512x2048xf32> to vector<512x128xf32>
    %get3A_482 = arith.constant 0 : index
    %get3A_483 = arith.constant 3968 : index
    %get3A_484 = vector.load %arg5[%get3A_482, %get3A_483] : memref<1x8192xf32, #tpu.memory_space<vmem>>, vector<1x128xf32>
    %get3A_485 = vector.shape_cast %get3A_484 : vector<1x128xf32> to vector<128xf32>
    %sub3A_486 = vector.broadcast %broadcast_in_dim3A : vector<512x1xf32> to vector<512x128xf32>
    %sub3A_487 = arith.subf %sub3A_486, %slice3A_481 : vector<512x128xf32>
    %broadcast_in_dim3A_488 = vector.shape_cast %get3A_485 : vector<128xf32> to vector<1x128xf32>
    %add3A_489 = vector.broadcast %broadcast_in_dim3A_488 : vector<1x128xf32> to vector<512x128xf32>
    %add3A_490 = arith.addf %sub3A_487, %add3A_489 : vector<512x128xf32>
    %lt3A_491 = arith.cmpf olt, %add3A_490, %select_n3A_477 : vector<512x128xf32>
    %select_n3A_492 = arith.select %lt3A_491, %add3A_490, %select_n3A_477 : vector<512x128xi1>, vector<512x128xf32>
    %jit3A_493 = arith.constant 3968 : i32
    %broadcast_in_dim3A_494 = vector.broadcast %jit3A_493 : i32 to vector<512x128xi32>
    %select_n3A_495 = arith.select %lt3A_491, %broadcast_in_dim3A_494, %select_n3A_480 : vector<512x128xi1>, vector<512x128xi32>
    %slice3A_496 = vector.extract_strided_slice %dot_general3A_18 {offsets = [0, 0], sizes = [512, 128], strides = [1, 1]} : vector<512x2048xf32> to vector<512x128xf32>
    %get3A_497 = arith.constant 0 : index
    %get3A_498 = arith.constant 4096 : index
    %get3A_499 = vector.load %arg5[%get3A_497, %get3A_498] : memref<1x8192xf32, #tpu.memory_space<vmem>>, vector<1x128xf32>
    %get3A_500 = vector.shape_cast %get3A_499 : vector<1x128xf32> to vector<128xf32>
    %sub3A_501 = vector.broadcast %broadcast_in_dim3A : vector<512x1xf32> to vector<512x128xf32>
    %sub3A_502 = arith.subf %sub3A_501, %slice3A_496 : vector<512x128xf32>
    %broadcast_in_dim3A_503 = vector.shape_cast %get3A_500 : vector<128xf32> to vector<1x128xf32>
    %add3A_504 = vector.broadcast %broadcast_in_dim3A_503 : vector<1x128xf32> to vector<512x128xf32>
    %add3A_505 = arith.addf %sub3A_502, %add3A_504 : vector<512x128xf32>
    %lt3A_506 = arith.cmpf olt, %add3A_505, %select_n3A_492 : vector<512x128xf32>
    %select_n3A_507 = arith.select %lt3A_506, %add3A_505, %select_n3A_492 : vector<512x128xi1>, vector<512x128xf32>
    %jit3A_508 = arith.constant 4096 : i32
    %broadcast_in_dim3A_509 = vector.broadcast %jit3A_508 : i32 to vector<512x128xi32>
    %select_n3A_510 = arith.select %lt3A_506, %broadcast_in_dim3A_509, %select_n3A_495 : vector<512x128xi1>, vector<512x128xi32>
    %slice3A_511 = vector.extract_strided_slice %dot_general3A_18 {offsets = [0, 128], sizes = [512, 128], strides = [1, 1]} : vector<512x2048xf32> to vector<512x128xf32>
    %get3A_512 = arith.constant 0 : index
    %get3A_513 = arith.constant 4224 : index
    %get3A_514 = vector.load %arg5[%get3A_512, %get3A_513] : memref<1x8192xf32, #tpu.memory_space<vmem>>, vector<1x128xf32>
    %get3A_515 = vector.shape_cast %get3A_514 : vector<1x128xf32> to vector<128xf32>
    %sub3A_516 = vector.broadcast %broadcast_in_dim3A : vector<512x1xf32> to vector<512x128xf32>
    %sub3A_517 = arith.subf %sub3A_516, %slice3A_511 : vector<512x128xf32>
    %broadcast_in_dim3A_518 = vector.shape_cast %get3A_515 : vector<128xf32> to vector<1x128xf32>
    %add3A_519 = vector.broadcast %broadcast_in_dim3A_518 : vector<1x128xf32> to vector<512x128xf32>
    %add3A_520 = arith.addf %sub3A_517, %add3A_519 : vector<512x128xf32>
    %lt3A_521 = arith.cmpf olt, %add3A_520, %select_n3A_507 : vector<512x128xf32>
    %select_n3A_522 = arith.select %lt3A_521, %add3A_520, %select_n3A_507 : vector<512x128xi1>, vector<512x128xf32>
    %jit3A_523 = arith.constant 4224 : i32
    %broadcast_in_dim3A_524 = vector.broadcast %jit3A_523 : i32 to vector<512x128xi32>
    %select_n3A_525 = arith.select %lt3A_521, %broadcast_in_dim3A_524, %select_n3A_510 : vector<512x128xi1>, vector<512x128xi32>
    %slice3A_526 = vector.extract_strided_slice %dot_general3A_18 {offsets = [0, 256], sizes = [512, 128], strides = [1, 1]} : vector<512x2048xf32> to vector<512x128xf32>
    %get3A_527 = arith.constant 0 : index
    %get3A_528 = arith.constant 4352 : index
    %get3A_529 = vector.load %arg5[%get3A_527, %get3A_528] : memref<1x8192xf32, #tpu.memory_space<vmem>>, vector<1x128xf32>
    %get3A_530 = vector.shape_cast %get3A_529 : vector<1x128xf32> to vector<128xf32>
    %sub3A_531 = vector.broadcast %broadcast_in_dim3A : vector<512x1xf32> to vector<512x128xf32>
    %sub3A_532 = arith.subf %sub3A_531, %slice3A_526 : vector<512x128xf32>
    %broadcast_in_dim3A_533 = vector.shape_cast %get3A_530 : vector<128xf32> to vector<1x128xf32>
    %add3A_534 = vector.broadcast %broadcast_in_dim3A_533 : vector<1x128xf32> to vector<512x128xf32>
    %add3A_535 = arith.addf %sub3A_532, %add3A_534 : vector<512x128xf32>
    %lt3A_536 = arith.cmpf olt, %add3A_535, %select_n3A_522 : vector<512x128xf32>
    %select_n3A_537 = arith.select %lt3A_536, %add3A_535, %select_n3A_522 : vector<512x128xi1>, vector<512x128xf32>
    %jit3A_538 = arith.constant 4352 : i32
    %broadcast_in_dim3A_539 = vector.broadcast %jit3A_538 : i32 to vector<512x128xi32>
    %select_n3A_540 = arith.select %lt3A_536, %broadcast_in_dim3A_539, %select_n3A_525 : vector<512x128xi1>, vector<512x128xi32>
    %slice3A_541 = vector.extract_strided_slice %dot_general3A_18 {offsets = [0, 384], sizes = [512, 128], strides = [1, 1]} : vector<512x2048xf32> to vector<512x128xf32>
    %get3A_542 = arith.constant 0 : index
    %get3A_543 = arith.constant 4480 : index
    %get3A_544 = vector.load %arg5[%get3A_542, %get3A_543] : memref<1x8192xf32, #tpu.memory_space<vmem>>, vector<1x128xf32>
    %get3A_545 = vector.shape_cast %get3A_544 : vector<1x128xf32> to vector<128xf32>
    %sub3A_546 = vector.broadcast %broadcast_in_dim3A : vector<512x1xf32> to vector<512x128xf32>
    %sub3A_547 = arith.subf %sub3A_546, %slice3A_541 : vector<512x128xf32>
    %broadcast_in_dim3A_548 = vector.shape_cast %get3A_545 : vector<128xf32> to vector<1x128xf32>
    %add3A_549 = vector.broadcast %broadcast_in_dim3A_548 : vector<1x128xf32> to vector<512x128xf32>
    %add3A_550 = arith.addf %sub3A_547, %add3A_549 : vector<512x128xf32>
    %lt3A_551 = arith.cmpf olt, %add3A_550, %select_n3A_537 : vector<512x128xf32>
    %select_n3A_552 = arith.select %lt3A_551, %add3A_550, %select_n3A_537 : vector<512x128xi1>, vector<512x128xf32>
    %jit3A_553 = arith.constant 4480 : i32
    %broadcast_in_dim3A_554 = vector.broadcast %jit3A_553 : i32 to vector<512x128xi32>
    %select_n3A_555 = arith.select %lt3A_551, %broadcast_in_dim3A_554, %select_n3A_540 : vector<512x128xi1>, vector<512x128xi32>
    %slice3A_556 = vector.extract_strided_slice %dot_general3A_18 {offsets = [0, 512], sizes = [512, 128], strides = [1, 1]} : vector<512x2048xf32> to vector<512x128xf32>
    %get3A_557 = arith.constant 0 : index
    %get3A_558 = arith.constant 4608 : index
    %get3A_559 = vector.load %arg5[%get3A_557, %get3A_558] : memref<1x8192xf32, #tpu.memory_space<vmem>>, vector<1x128xf32>
    %get3A_560 = vector.shape_cast %get3A_559 : vector<1x128xf32> to vector<128xf32>
    %sub3A_561 = vector.broadcast %broadcast_in_dim3A : vector<512x1xf32> to vector<512x128xf32>
    %sub3A_562 = arith.subf %sub3A_561, %slice3A_556 : vector<512x128xf32>
    %broadcast_in_dim3A_563 = vector.shape_cast %get3A_560 : vector<128xf32> to vector<1x128xf32>
    %add3A_564 = vector.broadcast %broadcast_in_dim3A_563 : vector<1x128xf32> to vector<512x128xf32>
    %add3A_565 = arith.addf %sub3A_562, %add3A_564 : vector<512x128xf32>
    %lt3A_566 = arith.cmpf olt, %add3A_565, %select_n3A_552 : vector<512x128xf32>
    %select_n3A_567 = arith.select %lt3A_566, %add3A_565, %select_n3A_552 : vector<512x128xi1>, vector<512x128xf32>
    %jit3A_568 = arith.constant 4608 : i32
    %broadcast_in_dim3A_569 = vector.broadcast %jit3A_568 : i32 to vector<512x128xi32>
    %select_n3A_570 = arith.select %lt3A_566, %broadcast_in_dim3A_569, %select_n3A_555 : vector<512x128xi1>, vector<512x128xi32>
    %slice3A_571 = vector.extract_strided_slice %dot_general3A_18 {offsets = [0, 640], sizes = [512, 128], strides = [1, 1]} : vector<512x2048xf32> to vector<512x128xf32>
    %get3A_572 = arith.constant 0 : index
    %get3A_573 = arith.constant 4736 : index
    %get3A_574 = vector.load %arg5[%get3A_572, %get3A_573] : memref<1x8192xf32, #tpu.memory_space<vmem>>, vector<1x128xf32>
    %get3A_575 = vector.shape_cast %get3A_574 : vector<1x128xf32> to vector<128xf32>
    %sub3A_576 = vector.broadcast %broadcast_in_dim3A : vector<512x1xf32> to vector<512x128xf32>
    %sub3A_577 = arith.subf %sub3A_576, %slice3A_571 : vector<512x128xf32>
    %broadcast_in_dim3A_578 = vector.shape_cast %get3A_575 : vector<128xf32> to vector<1x128xf32>
    %add3A_579 = vector.broadcast %broadcast_in_dim3A_578 : vector<1x128xf32> to vector<512x128xf32>
    %add3A_580 = arith.addf %sub3A_577, %add3A_579 : vector<512x128xf32>
    %lt3A_581 = arith.cmpf olt, %add3A_580, %select_n3A_567 : vector<512x128xf32>
    %select_n3A_582 = arith.select %lt3A_581, %add3A_580, %select_n3A_567 : vector<512x128xi1>, vector<512x128xf32>
    %jit3A_583 = arith.constant 4736 : i32
    %broadcast_in_dim3A_584 = vector.broadcast %jit3A_583 : i32 to vector<512x128xi32>
    %select_n3A_585 = arith.select %lt3A_581, %broadcast_in_dim3A_584, %select_n3A_570 : vector<512x128xi1>, vector<512x128xi32>
    %slice3A_586 = vector.extract_strided_slice %dot_general3A_18 {offsets = [0, 768], sizes = [512, 128], strides = [1, 1]} : vector<512x2048xf32> to vector<512x128xf32>
    %get3A_587 = arith.constant 0 : index
    %get3A_588 = arith.constant 4864 : index
    %get3A_589 = vector.load %arg5[%get3A_587, %get3A_588] : memref<1x8192xf32, #tpu.memory_space<vmem>>, vector<1x128xf32>
    %get3A_590 = vector.shape_cast %get3A_589 : vector<1x128xf32> to vector<128xf32>
    %sub3A_591 = vector.broadcast %broadcast_in_dim3A : vector<512x1xf32> to vector<512x128xf32>
    %sub3A_592 = arith.subf %sub3A_591, %slice3A_586 : vector<512x128xf32>
    %broadcast_in_dim3A_593 = vector.shape_cast %get3A_590 : vector<128xf32> to vector<1x128xf32>
    %add3A_594 = vector.broadcast %broadcast_in_dim3A_593 : vector<1x128xf32> to vector<512x128xf32>
    %add3A_595 = arith.addf %sub3A_592, %add3A_594 : vector<512x128xf32>
    %lt3A_596 = arith.cmpf olt, %add3A_595, %select_n3A_582 : vector<512x128xf32>
    %select_n3A_597 = arith.select %lt3A_596, %add3A_595, %select_n3A_582 : vector<512x128xi1>, vector<512x128xf32>
    %jit3A_598 = arith.constant 4864 : i32
    %broadcast_in_dim3A_599 = vector.broadcast %jit3A_598 : i32 to vector<512x128xi32>
    %select_n3A_600 = arith.select %lt3A_596, %broadcast_in_dim3A_599, %select_n3A_585 : vector<512x128xi1>, vector<512x128xi32>
    %slice3A_601 = vector.extract_strided_slice %dot_general3A_18 {offsets = [0, 896], sizes = [512, 128], strides = [1, 1]} : vector<512x2048xf32> to vector<512x128xf32>
    %get3A_602 = arith.constant 0 : index
    %get3A_603 = arith.constant 4992 : index
    %get3A_604 = vector.load %arg5[%get3A_602, %get3A_603] : memref<1x8192xf32, #tpu.memory_space<vmem>>, vector<1x128xf32>
    %get3A_605 = vector.shape_cast %get3A_604 : vector<1x128xf32> to vector<128xf32>
    %sub3A_606 = vector.broadcast %broadcast_in_dim3A : vector<512x1xf32> to vector<512x128xf32>
    %sub3A_607 = arith.subf %sub3A_606, %slice3A_601 : vector<512x128xf32>
    %broadcast_in_dim3A_608 = vector.shape_cast %get3A_605 : vector<128xf32> to vector<1x128xf32>
    %add3A_609 = vector.broadcast %broadcast_in_dim3A_608 : vector<1x128xf32> to vector<512x128xf32>
    %add3A_610 = arith.addf %sub3A_607, %add3A_609 : vector<512x128xf32>
    %lt3A_611 = arith.cmpf olt, %add3A_610, %select_n3A_597 : vector<512x128xf32>
    %select_n3A_612 = arith.select %lt3A_611, %add3A_610, %select_n3A_597 : vector<512x128xi1>, vector<512x128xf32>
    %jit3A_613 = arith.constant 4992 : i32
    %broadcast_in_dim3A_614 = vector.broadcast %jit3A_613 : i32 to vector<512x128xi32>
    %select_n3A_615 = arith.select %lt3A_611, %broadcast_in_dim3A_614, %select_n3A_600 : vector<512x128xi1>, vector<512x128xi32>
    %slice3A_616 = vector.extract_strided_slice %dot_general3A_18 {offsets = [0, 1024], sizes = [512, 128], strides = [1, 1]} : vector<512x2048xf32> to vector<512x128xf32>
    %get3A_617 = arith.constant 0 : index
    %get3A_618 = arith.constant 5120 : index
    %get3A_619 = vector.load %arg5[%get3A_617, %get3A_618] : memref<1x8192xf32, #tpu.memory_space<vmem>>, vector<1x128xf32>
    %get3A_620 = vector.shape_cast %get3A_619 : vector<1x128xf32> to vector<128xf32>
    %sub3A_621 = vector.broadcast %broadcast_in_dim3A : vector<512x1xf32> to vector<512x128xf32>
    %sub3A_622 = arith.subf %sub3A_621, %slice3A_616 : vector<512x128xf32>
    %broadcast_in_dim3A_623 = vector.shape_cast %get3A_620 : vector<128xf32> to vector<1x128xf32>
    %add3A_624 = vector.broadcast %broadcast_in_dim3A_623 : vector<1x128xf32> to vector<512x128xf32>
    %add3A_625 = arith.addf %sub3A_622, %add3A_624 : vector<512x128xf32>
    %lt3A_626 = arith.cmpf olt, %add3A_625, %select_n3A_612 : vector<512x128xf32>
    %select_n3A_627 = arith.select %lt3A_626, %add3A_625, %select_n3A_612 : vector<512x128xi1>, vector<512x128xf32>
    %jit3A_628 = arith.constant 5120 : i32
    %broadcast_in_dim3A_629 = vector.broadcast %jit3A_628 : i32 to vector<512x128xi32>
    %select_n3A_630 = arith.select %lt3A_626, %broadcast_in_dim3A_629, %select_n3A_615 : vector<512x128xi1>, vector<512x128xi32>
    %slice3A_631 = vector.extract_strided_slice %dot_general3A_18 {offsets = [0, 1152], sizes = [512, 128], strides = [1, 1]} : vector<512x2048xf32> to vector<512x128xf32>
    %get3A_632 = arith.constant 0 : index
    %get3A_633 = arith.constant 5248 : index
    %get3A_634 = vector.load %arg5[%get3A_632, %get3A_633] : memref<1x8192xf32, #tpu.memory_space<vmem>>, vector<1x128xf32>
    %get3A_635 = vector.shape_cast %get3A_634 : vector<1x128xf32> to vector<128xf32>
    %sub3A_636 = vector.broadcast %broadcast_in_dim3A : vector<512x1xf32> to vector<512x128xf32>
    %sub3A_637 = arith.subf %sub3A_636, %slice3A_631 : vector<512x128xf32>
    %broadcast_in_dim3A_638 = vector.shape_cast %get3A_635 : vector<128xf32> to vector<1x128xf32>
    %add3A_639 = vector.broadcast %broadcast_in_dim3A_638 : vector<1x128xf32> to vector<512x128xf32>
    %add3A_640 = arith.addf %sub3A_637, %add3A_639 : vector<512x128xf32>
    %lt3A_641 = arith.cmpf olt, %add3A_640, %select_n3A_627 : vector<512x128xf32>
    %select_n3A_642 = arith.select %lt3A_641, %add3A_640, %select_n3A_627 : vector<512x128xi1>, vector<512x128xf32>
    %jit3A_643 = arith.constant 5248 : i32
    %broadcast_in_dim3A_644 = vector.broadcast %jit3A_643 : i32 to vector<512x128xi32>
    %select_n3A_645 = arith.select %lt3A_641, %broadcast_in_dim3A_644, %select_n3A_630 : vector<512x128xi1>, vector<512x128xi32>
    %slice3A_646 = vector.extract_strided_slice %dot_general3A_18 {offsets = [0, 1280], sizes = [512, 128], strides = [1, 1]} : vector<512x2048xf32> to vector<512x128xf32>
    %get3A_647 = arith.constant 0 : index
    %get3A_648 = arith.constant 5376 : index
    %get3A_649 = vector.load %arg5[%get3A_647, %get3A_648] : memref<1x8192xf32, #tpu.memory_space<vmem>>, vector<1x128xf32>
    %get3A_650 = vector.shape_cast %get3A_649 : vector<1x128xf32> to vector<128xf32>
    %sub3A_651 = vector.broadcast %broadcast_in_dim3A : vector<512x1xf32> to vector<512x128xf32>
    %sub3A_652 = arith.subf %sub3A_651, %slice3A_646 : vector<512x128xf32>
    %broadcast_in_dim3A_653 = vector.shape_cast %get3A_650 : vector<128xf32> to vector<1x128xf32>
    %add3A_654 = vector.broadcast %broadcast_in_dim3A_653 : vector<1x128xf32> to vector<512x128xf32>
    %add3A_655 = arith.addf %sub3A_652, %add3A_654 : vector<512x128xf32>
    %lt3A_656 = arith.cmpf olt, %add3A_655, %select_n3A_642 : vector<512x128xf32>
    %select_n3A_657 = arith.select %lt3A_656, %add3A_655, %select_n3A_642 : vector<512x128xi1>, vector<512x128xf32>
    %jit3A_658 = arith.constant 5376 : i32
    %broadcast_in_dim3A_659 = vector.broadcast %jit3A_658 : i32 to vector<512x128xi32>
    %select_n3A_660 = arith.select %lt3A_656, %broadcast_in_dim3A_659, %select_n3A_645 : vector<512x128xi1>, vector<512x128xi32>
    %slice3A_661 = vector.extract_strided_slice %dot_general3A_18 {offsets = [0, 1408], sizes = [512, 128], strides = [1, 1]} : vector<512x2048xf32> to vector<512x128xf32>
    %get3A_662 = arith.constant 0 : index
    %get3A_663 = arith.constant 5504 : index
    %get3A_664 = vector.load %arg5[%get3A_662, %get3A_663] : memref<1x8192xf32, #tpu.memory_space<vmem>>, vector<1x128xf32>
    %get3A_665 = vector.shape_cast %get3A_664 : vector<1x128xf32> to vector<128xf32>
    %sub3A_666 = vector.broadcast %broadcast_in_dim3A : vector<512x1xf32> to vector<512x128xf32>
    %sub3A_667 = arith.subf %sub3A_666, %slice3A_661 : vector<512x128xf32>
    %broadcast_in_dim3A_668 = vector.shape_cast %get3A_665 : vector<128xf32> to vector<1x128xf32>
    %add3A_669 = vector.broadcast %broadcast_in_dim3A_668 : vector<1x128xf32> to vector<512x128xf32>
    %add3A_670 = arith.addf %sub3A_667, %add3A_669 : vector<512x128xf32>
    %lt3A_671 = arith.cmpf olt, %add3A_670, %select_n3A_657 : vector<512x128xf32>
    %select_n3A_672 = arith.select %lt3A_671, %add3A_670, %select_n3A_657 : vector<512x128xi1>, vector<512x128xf32>
    %jit3A_673 = arith.constant 5504 : i32
    %broadcast_in_dim3A_674 = vector.broadcast %jit3A_673 : i32 to vector<512x128xi32>
    %select_n3A_675 = arith.select %lt3A_671, %broadcast_in_dim3A_674, %select_n3A_660 : vector<512x128xi1>, vector<512x128xi32>
    %slice3A_676 = vector.extract_strided_slice %dot_general3A_18 {offsets = [0, 1536], sizes = [512, 128], strides = [1, 1]} : vector<512x2048xf32> to vector<512x128xf32>
    %get3A_677 = arith.constant 0 : index
    %get3A_678 = arith.constant 5632 : index
    %get3A_679 = vector.load %arg5[%get3A_677, %get3A_678] : memref<1x8192xf32, #tpu.memory_space<vmem>>, vector<1x128xf32>
    %get3A_680 = vector.shape_cast %get3A_679 : vector<1x128xf32> to vector<128xf32>
    %sub3A_681 = vector.broadcast %broadcast_in_dim3A : vector<512x1xf32> to vector<512x128xf32>
    %sub3A_682 = arith.subf %sub3A_681, %slice3A_676 : vector<512x128xf32>
    %broadcast_in_dim3A_683 = vector.shape_cast %get3A_680 : vector<128xf32> to vector<1x128xf32>
    %add3A_684 = vector.broadcast %broadcast_in_dim3A_683 : vector<1x128xf32> to vector<512x128xf32>
    %add3A_685 = arith.addf %sub3A_682, %add3A_684 : vector<512x128xf32>
    %lt3A_686 = arith.cmpf olt, %add3A_685, %select_n3A_672 : vector<512x128xf32>
    %select_n3A_687 = arith.select %lt3A_686, %add3A_685, %select_n3A_672 : vector<512x128xi1>, vector<512x128xf32>
    %jit3A_688 = arith.constant 5632 : i32
    %broadcast_in_dim3A_689 = vector.broadcast %jit3A_688 : i32 to vector<512x128xi32>
    %select_n3A_690 = arith.select %lt3A_686, %broadcast_in_dim3A_689, %select_n3A_675 : vector<512x128xi1>, vector<512x128xi32>
    %slice3A_691 = vector.extract_strided_slice %dot_general3A_18 {offsets = [0, 1664], sizes = [512, 128], strides = [1, 1]} : vector<512x2048xf32> to vector<512x128xf32>
    %get3A_692 = arith.constant 0 : index
    %get3A_693 = arith.constant 5760 : index
    %get3A_694 = vector.load %arg5[%get3A_692, %get3A_693] : memref<1x8192xf32, #tpu.memory_space<vmem>>, vector<1x128xf32>
    %get3A_695 = vector.shape_cast %get3A_694 : vector<1x128xf32> to vector<128xf32>
    %sub3A_696 = vector.broadcast %broadcast_in_dim3A : vector<512x1xf32> to vector<512x128xf32>
    %sub3A_697 = arith.subf %sub3A_696, %slice3A_691 : vector<512x128xf32>
    %broadcast_in_dim3A_698 = vector.shape_cast %get3A_695 : vector<128xf32> to vector<1x128xf32>
    %add3A_699 = vector.broadcast %broadcast_in_dim3A_698 : vector<1x128xf32> to vector<512x128xf32>
    %add3A_700 = arith.addf %sub3A_697, %add3A_699 : vector<512x128xf32>
    %lt3A_701 = arith.cmpf olt, %add3A_700, %select_n3A_687 : vector<512x128xf32>
    %select_n3A_702 = arith.select %lt3A_701, %add3A_700, %select_n3A_687 : vector<512x128xi1>, vector<512x128xf32>
    %jit3A_703 = arith.constant 5760 : i32
    %broadcast_in_dim3A_704 = vector.broadcast %jit3A_703 : i32 to vector<512x128xi32>
    %select_n3A_705 = arith.select %lt3A_701, %broadcast_in_dim3A_704, %select_n3A_690 : vector<512x128xi1>, vector<512x128xi32>
    %slice3A_706 = vector.extract_strided_slice %dot_general3A_18 {offsets = [0, 1792], sizes = [512, 128], strides = [1, 1]} : vector<512x2048xf32> to vector<512x128xf32>
    %get3A_707 = arith.constant 0 : index
    %get3A_708 = arith.constant 5888 : index
    %get3A_709 = vector.load %arg5[%get3A_707, %get3A_708] : memref<1x8192xf32, #tpu.memory_space<vmem>>, vector<1x128xf32>
    %get3A_710 = vector.shape_cast %get3A_709 : vector<1x128xf32> to vector<128xf32>
    %sub3A_711 = vector.broadcast %broadcast_in_dim3A : vector<512x1xf32> to vector<512x128xf32>
    %sub3A_712 = arith.subf %sub3A_711, %slice3A_706 : vector<512x128xf32>
    %broadcast_in_dim3A_713 = vector.shape_cast %get3A_710 : vector<128xf32> to vector<1x128xf32>
    %add3A_714 = vector.broadcast %broadcast_in_dim3A_713 : vector<1x128xf32> to vector<512x128xf32>
    %add3A_715 = arith.addf %sub3A_712, %add3A_714 : vector<512x128xf32>
    %lt3A_716 = arith.cmpf olt, %add3A_715, %select_n3A_702 : vector<512x128xf32>
    %select_n3A_717 = arith.select %lt3A_716, %add3A_715, %select_n3A_702 : vector<512x128xi1>, vector<512x128xf32>
    %jit3A_718 = arith.constant 5888 : i32
    %broadcast_in_dim3A_719 = vector.broadcast %jit3A_718 : i32 to vector<512x128xi32>
    %select_n3A_720 = arith.select %lt3A_716, %broadcast_in_dim3A_719, %select_n3A_705 : vector<512x128xi1>, vector<512x128xi32>
    %slice3A_721 = vector.extract_strided_slice %dot_general3A_18 {offsets = [0, 1920], sizes = [512, 128], strides = [1, 1]} : vector<512x2048xf32> to vector<512x128xf32>
    %get3A_722 = arith.constant 0 : index
    %get3A_723 = arith.constant 6016 : index
    %get3A_724 = vector.load %arg5[%get3A_722, %get3A_723] : memref<1x8192xf32, #tpu.memory_space<vmem>>, vector<1x128xf32>
    %get3A_725 = vector.shape_cast %get3A_724 : vector<1x128xf32> to vector<128xf32>
    %sub3A_726 = vector.broadcast %broadcast_in_dim3A : vector<512x1xf32> to vector<512x128xf32>
    %sub3A_727 = arith.subf %sub3A_726, %slice3A_721 : vector<512x128xf32>
    %broadcast_in_dim3A_728 = vector.shape_cast %get3A_725 : vector<128xf32> to vector<1x128xf32>
    %add3A_729 = vector.broadcast %broadcast_in_dim3A_728 : vector<1x128xf32> to vector<512x128xf32>
    %add3A_730 = arith.addf %sub3A_727, %add3A_729 : vector<512x128xf32>
    %lt3A_731 = arith.cmpf olt, %add3A_730, %select_n3A_717 : vector<512x128xf32>
    %select_n3A_732 = arith.select %lt3A_731, %add3A_730, %select_n3A_717 : vector<512x128xi1>, vector<512x128xf32>
    %jit3A_733 = arith.constant 6016 : i32
    %broadcast_in_dim3A_734 = vector.broadcast %jit3A_733 : i32 to vector<512x128xi32>
    %select_n3A_735 = arith.select %lt3A_731, %broadcast_in_dim3A_734, %select_n3A_720 : vector<512x128xi1>, vector<512x128xi32>
    %slice3A_736 = vector.extract_strided_slice %dot_general3A_23 {offsets = [0, 0], sizes = [512, 128], strides = [1, 1]} : vector<512x2048xf32> to vector<512x128xf32>
    %get3A_737 = arith.constant 0 : index
    %get3A_738 = arith.constant 6144 : index
    %get3A_739 = vector.load %arg5[%get3A_737, %get3A_738] : memref<1x8192xf32, #tpu.memory_space<vmem>>, vector<1x128xf32>
    %get3A_740 = vector.shape_cast %get3A_739 : vector<1x128xf32> to vector<128xf32>
    %sub3A_741 = vector.broadcast %broadcast_in_dim3A : vector<512x1xf32> to vector<512x128xf32>
    %sub3A_742 = arith.subf %sub3A_741, %slice3A_736 : vector<512x128xf32>
    %broadcast_in_dim3A_743 = vector.shape_cast %get3A_740 : vector<128xf32> to vector<1x128xf32>
    %add3A_744 = vector.broadcast %broadcast_in_dim3A_743 : vector<1x128xf32> to vector<512x128xf32>
    %add3A_745 = arith.addf %sub3A_742, %add3A_744 : vector<512x128xf32>
    %lt3A_746 = arith.cmpf olt, %add3A_745, %select_n3A_732 : vector<512x128xf32>
    %select_n3A_747 = arith.select %lt3A_746, %add3A_745, %select_n3A_732 : vector<512x128xi1>, vector<512x128xf32>
    %jit3A_748 = arith.constant 6144 : i32
    %broadcast_in_dim3A_749 = vector.broadcast %jit3A_748 : i32 to vector<512x128xi32>
    %select_n3A_750 = arith.select %lt3A_746, %broadcast_in_dim3A_749, %select_n3A_735 : vector<512x128xi1>, vector<512x128xi32>
    %slice3A_751 = vector.extract_strided_slice %dot_general3A_23 {offsets = [0, 128], sizes = [512, 128], strides = [1, 1]} : vector<512x2048xf32> to vector<512x128xf32>
    %get3A_752 = arith.constant 0 : index
    %get3A_753 = arith.constant 6272 : index
    %get3A_754 = vector.load %arg5[%get3A_752, %get3A_753] : memref<1x8192xf32, #tpu.memory_space<vmem>>, vector<1x128xf32>
    %get3A_755 = vector.shape_cast %get3A_754 : vector<1x128xf32> to vector<128xf32>
    %sub3A_756 = vector.broadcast %broadcast_in_dim3A : vector<512x1xf32> to vector<512x128xf32>
    %sub3A_757 = arith.subf %sub3A_756, %slice3A_751 : vector<512x128xf32>
    %broadcast_in_dim3A_758 = vector.shape_cast %get3A_755 : vector<128xf32> to vector<1x128xf32>
    %add3A_759 = vector.broadcast %broadcast_in_dim3A_758 : vector<1x128xf32> to vector<512x128xf32>
    %add3A_760 = arith.addf %sub3A_757, %add3A_759 : vector<512x128xf32>
    %lt3A_761 = arith.cmpf olt, %add3A_760, %select_n3A_747 : vector<512x128xf32>
    %select_n3A_762 = arith.select %lt3A_761, %add3A_760, %select_n3A_747 : vector<512x128xi1>, vector<512x128xf32>
    %jit3A_763 = arith.constant 6272 : i32
    %broadcast_in_dim3A_764 = vector.broadcast %jit3A_763 : i32 to vector<512x128xi32>
    %select_n3A_765 = arith.select %lt3A_761, %broadcast_in_dim3A_764, %select_n3A_750 : vector<512x128xi1>, vector<512x128xi32>
    %slice3A_766 = vector.extract_strided_slice %dot_general3A_23 {offsets = [0, 256], sizes = [512, 128], strides = [1, 1]} : vector<512x2048xf32> to vector<512x128xf32>
    %get3A_767 = arith.constant 0 : index
    %get3A_768 = arith.constant 6400 : index
    %get3A_769 = vector.load %arg5[%get3A_767, %get3A_768] : memref<1x8192xf32, #tpu.memory_space<vmem>>, vector<1x128xf32>
    %get3A_770 = vector.shape_cast %get3A_769 : vector<1x128xf32> to vector<128xf32>
    %sub3A_771 = vector.broadcast %broadcast_in_dim3A : vector<512x1xf32> to vector<512x128xf32>
    %sub3A_772 = arith.subf %sub3A_771, %slice3A_766 : vector<512x128xf32>
    %broadcast_in_dim3A_773 = vector.shape_cast %get3A_770 : vector<128xf32> to vector<1x128xf32>
    %add3A_774 = vector.broadcast %broadcast_in_dim3A_773 : vector<1x128xf32> to vector<512x128xf32>
    %add3A_775 = arith.addf %sub3A_772, %add3A_774 : vector<512x128xf32>
    %lt3A_776 = arith.cmpf olt, %add3A_775, %select_n3A_762 : vector<512x128xf32>
    %select_n3A_777 = arith.select %lt3A_776, %add3A_775, %select_n3A_762 : vector<512x128xi1>, vector<512x128xf32>
    %jit3A_778 = arith.constant 6400 : i32
    %broadcast_in_dim3A_779 = vector.broadcast %jit3A_778 : i32 to vector<512x128xi32>
    %select_n3A_780 = arith.select %lt3A_776, %broadcast_in_dim3A_779, %select_n3A_765 : vector<512x128xi1>, vector<512x128xi32>
    %slice3A_781 = vector.extract_strided_slice %dot_general3A_23 {offsets = [0, 384], sizes = [512, 128], strides = [1, 1]} : vector<512x2048xf32> to vector<512x128xf32>
    %get3A_782 = arith.constant 0 : index
    %get3A_783 = arith.constant 6528 : index
    %get3A_784 = vector.load %arg5[%get3A_782, %get3A_783] : memref<1x8192xf32, #tpu.memory_space<vmem>>, vector<1x128xf32>
    %get3A_785 = vector.shape_cast %get3A_784 : vector<1x128xf32> to vector<128xf32>
    %sub3A_786 = vector.broadcast %broadcast_in_dim3A : vector<512x1xf32> to vector<512x128xf32>
    %sub3A_787 = arith.subf %sub3A_786, %slice3A_781 : vector<512x128xf32>
    %broadcast_in_dim3A_788 = vector.shape_cast %get3A_785 : vector<128xf32> to vector<1x128xf32>
    %add3A_789 = vector.broadcast %broadcast_in_dim3A_788 : vector<1x128xf32> to vector<512x128xf32>
    %add3A_790 = arith.addf %sub3A_787, %add3A_789 : vector<512x128xf32>
    %lt3A_791 = arith.cmpf olt, %add3A_790, %select_n3A_777 : vector<512x128xf32>
    %select_n3A_792 = arith.select %lt3A_791, %add3A_790, %select_n3A_777 : vector<512x128xi1>, vector<512x128xf32>
    %jit3A_793 = arith.constant 6528 : i32
    %broadcast_in_dim3A_794 = vector.broadcast %jit3A_793 : i32 to vector<512x128xi32>
    %select_n3A_795 = arith.select %lt3A_791, %broadcast_in_dim3A_794, %select_n3A_780 : vector<512x128xi1>, vector<512x128xi32>
    %slice3A_796 = vector.extract_strided_slice %dot_general3A_23 {offsets = [0, 512], sizes = [512, 128], strides = [1, 1]} : vector<512x2048xf32> to vector<512x128xf32>
    %get3A_797 = arith.constant 0 : index
    %get3A_798 = arith.constant 6656 : index
    %get3A_799 = vector.load %arg5[%get3A_797, %get3A_798] : memref<1x8192xf32, #tpu.memory_space<vmem>>, vector<1x128xf32>
    %get3A_800 = vector.shape_cast %get3A_799 : vector<1x128xf32> to vector<128xf32>
    %sub3A_801 = vector.broadcast %broadcast_in_dim3A : vector<512x1xf32> to vector<512x128xf32>
    %sub3A_802 = arith.subf %sub3A_801, %slice3A_796 : vector<512x128xf32>
    %broadcast_in_dim3A_803 = vector.shape_cast %get3A_800 : vector<128xf32> to vector<1x128xf32>
    %add3A_804 = vector.broadcast %broadcast_in_dim3A_803 : vector<1x128xf32> to vector<512x128xf32>
    %add3A_805 = arith.addf %sub3A_802, %add3A_804 : vector<512x128xf32>
    %lt3A_806 = arith.cmpf olt, %add3A_805, %select_n3A_792 : vector<512x128xf32>
    %select_n3A_807 = arith.select %lt3A_806, %add3A_805, %select_n3A_792 : vector<512x128xi1>, vector<512x128xf32>
    %jit3A_808 = arith.constant 6656 : i32
    %broadcast_in_dim3A_809 = vector.broadcast %jit3A_808 : i32 to vector<512x128xi32>
    %select_n3A_810 = arith.select %lt3A_806, %broadcast_in_dim3A_809, %select_n3A_795 : vector<512x128xi1>, vector<512x128xi32>
    %slice3A_811 = vector.extract_strided_slice %dot_general3A_23 {offsets = [0, 640], sizes = [512, 128], strides = [1, 1]} : vector<512x2048xf32> to vector<512x128xf32>
    %get3A_812 = arith.constant 0 : index
    %get3A_813 = arith.constant 6784 : index
    %get3A_814 = vector.load %arg5[%get3A_812, %get3A_813] : memref<1x8192xf32, #tpu.memory_space<vmem>>, vector<1x128xf32>
    %get3A_815 = vector.shape_cast %get3A_814 : vector<1x128xf32> to vector<128xf32>
    %sub3A_816 = vector.broadcast %broadcast_in_dim3A : vector<512x1xf32> to vector<512x128xf32>
    %sub3A_817 = arith.subf %sub3A_816, %slice3A_811 : vector<512x128xf32>
    %broadcast_in_dim3A_818 = vector.shape_cast %get3A_815 : vector<128xf32> to vector<1x128xf32>
    %add3A_819 = vector.broadcast %broadcast_in_dim3A_818 : vector<1x128xf32> to vector<512x128xf32>
    %add3A_820 = arith.addf %sub3A_817, %add3A_819 : vector<512x128xf32>
    %lt3A_821 = arith.cmpf olt, %add3A_820, %select_n3A_807 : vector<512x128xf32>
    %select_n3A_822 = arith.select %lt3A_821, %add3A_820, %select_n3A_807 : vector<512x128xi1>, vector<512x128xf32>
    %jit3A_823 = arith.constant 6784 : i32
    %broadcast_in_dim3A_824 = vector.broadcast %jit3A_823 : i32 to vector<512x128xi32>
    %select_n3A_825 = arith.select %lt3A_821, %broadcast_in_dim3A_824, %select_n3A_810 : vector<512x128xi1>, vector<512x128xi32>
    %slice3A_826 = vector.extract_strided_slice %dot_general3A_23 {offsets = [0, 768], sizes = [512, 128], strides = [1, 1]} : vector<512x2048xf32> to vector<512x128xf32>
    %get3A_827 = arith.constant 0 : index
    %get3A_828 = arith.constant 6912 : index
    %get3A_829 = vector.load %arg5[%get3A_827, %get3A_828] : memref<1x8192xf32, #tpu.memory_space<vmem>>, vector<1x128xf32>
    %get3A_830 = vector.shape_cast %get3A_829 : vector<1x128xf32> to vector<128xf32>
    %sub3A_831 = vector.broadcast %broadcast_in_dim3A : vector<512x1xf32> to vector<512x128xf32>
    %sub3A_832 = arith.subf %sub3A_831, %slice3A_826 : vector<512x128xf32>
    %broadcast_in_dim3A_833 = vector.shape_cast %get3A_830 : vector<128xf32> to vector<1x128xf32>
    %add3A_834 = vector.broadcast %broadcast_in_dim3A_833 : vector<1x128xf32> to vector<512x128xf32>
    %add3A_835 = arith.addf %sub3A_832, %add3A_834 : vector<512x128xf32>
    %lt3A_836 = arith.cmpf olt, %add3A_835, %select_n3A_822 : vector<512x128xf32>
    %select_n3A_837 = arith.select %lt3A_836, %add3A_835, %select_n3A_822 : vector<512x128xi1>, vector<512x128xf32>
    %jit3A_838 = arith.constant 6912 : i32
    %broadcast_in_dim3A_839 = vector.broadcast %jit3A_838 : i32 to vector<512x128xi32>
    %select_n3A_840 = arith.select %lt3A_836, %broadcast_in_dim3A_839, %select_n3A_825 : vector<512x128xi1>, vector<512x128xi32>
    %slice3A_841 = vector.extract_strided_slice %dot_general3A_23 {offsets = [0, 896], sizes = [512, 128], strides = [1, 1]} : vector<512x2048xf32> to vector<512x128xf32>
    %get3A_842 = arith.constant 0 : index
    %get3A_843 = arith.constant 7040 : index
    %get3A_844 = vector.load %arg5[%get3A_842, %get3A_843] : memref<1x8192xf32, #tpu.memory_space<vmem>>, vector<1x128xf32>
    %get3A_845 = vector.shape_cast %get3A_844 : vector<1x128xf32> to vector<128xf32>
    %sub3A_846 = vector.broadcast %broadcast_in_dim3A : vector<512x1xf32> to vector<512x128xf32>
    %sub3A_847 = arith.subf %sub3A_846, %slice3A_841 : vector<512x128xf32>
    %broadcast_in_dim3A_848 = vector.shape_cast %get3A_845 : vector<128xf32> to vector<1x128xf32>
    %add3A_849 = vector.broadcast %broadcast_in_dim3A_848 : vector<1x128xf32> to vector<512x128xf32>
    %add3A_850 = arith.addf %sub3A_847, %add3A_849 : vector<512x128xf32>
    %lt3A_851 = arith.cmpf olt, %add3A_850, %select_n3A_837 : vector<512x128xf32>
    %select_n3A_852 = arith.select %lt3A_851, %add3A_850, %select_n3A_837 : vector<512x128xi1>, vector<512x128xf32>
    %jit3A_853 = arith.constant 7040 : i32
    %broadcast_in_dim3A_854 = vector.broadcast %jit3A_853 : i32 to vector<512x128xi32>
    %select_n3A_855 = arith.select %lt3A_851, %broadcast_in_dim3A_854, %select_n3A_840 : vector<512x128xi1>, vector<512x128xi32>
    %slice3A_856 = vector.extract_strided_slice %dot_general3A_23 {offsets = [0, 1024], sizes = [512, 128], strides = [1, 1]} : vector<512x2048xf32> to vector<512x128xf32>
    %get3A_857 = arith.constant 0 : index
    %get3A_858 = arith.constant 7168 : index
    %get3A_859 = vector.load %arg5[%get3A_857, %get3A_858] : memref<1x8192xf32, #tpu.memory_space<vmem>>, vector<1x128xf32>
    %get3A_860 = vector.shape_cast %get3A_859 : vector<1x128xf32> to vector<128xf32>
    %sub3A_861 = vector.broadcast %broadcast_in_dim3A : vector<512x1xf32> to vector<512x128xf32>
    %sub3A_862 = arith.subf %sub3A_861, %slice3A_856 : vector<512x128xf32>
    %broadcast_in_dim3A_863 = vector.shape_cast %get3A_860 : vector<128xf32> to vector<1x128xf32>
    %add3A_864 = vector.broadcast %broadcast_in_dim3A_863 : vector<1x128xf32> to vector<512x128xf32>
    %add3A_865 = arith.addf %sub3A_862, %add3A_864 : vector<512x128xf32>
    %lt3A_866 = arith.cmpf olt, %add3A_865, %select_n3A_852 : vector<512x128xf32>
    %select_n3A_867 = arith.select %lt3A_866, %add3A_865, %select_n3A_852 : vector<512x128xi1>, vector<512x128xf32>
    %jit3A_868 = arith.constant 7168 : i32
    %broadcast_in_dim3A_869 = vector.broadcast %jit3A_868 : i32 to vector<512x128xi32>
    %select_n3A_870 = arith.select %lt3A_866, %broadcast_in_dim3A_869, %select_n3A_855 : vector<512x128xi1>, vector<512x128xi32>
    %slice3A_871 = vector.extract_strided_slice %dot_general3A_23 {offsets = [0, 1152], sizes = [512, 128], strides = [1, 1]} : vector<512x2048xf32> to vector<512x128xf32>
    %get3A_872 = arith.constant 0 : index
    %get3A_873 = arith.constant 7296 : index
    %get3A_874 = vector.load %arg5[%get3A_872, %get3A_873] : memref<1x8192xf32, #tpu.memory_space<vmem>>, vector<1x128xf32>
    %get3A_875 = vector.shape_cast %get3A_874 : vector<1x128xf32> to vector<128xf32>
    %sub3A_876 = vector.broadcast %broadcast_in_dim3A : vector<512x1xf32> to vector<512x128xf32>
    %sub3A_877 = arith.subf %sub3A_876, %slice3A_871 : vector<512x128xf32>
    %broadcast_in_dim3A_878 = vector.shape_cast %get3A_875 : vector<128xf32> to vector<1x128xf32>
    %add3A_879 = vector.broadcast %broadcast_in_dim3A_878 : vector<1x128xf32> to vector<512x128xf32>
    %add3A_880 = arith.addf %sub3A_877, %add3A_879 : vector<512x128xf32>
    %lt3A_881 = arith.cmpf olt, %add3A_880, %select_n3A_867 : vector<512x128xf32>
    %select_n3A_882 = arith.select %lt3A_881, %add3A_880, %select_n3A_867 : vector<512x128xi1>, vector<512x128xf32>
    %jit3A_883 = arith.constant 7296 : i32
    %broadcast_in_dim3A_884 = vector.broadcast %jit3A_883 : i32 to vector<512x128xi32>
    %select_n3A_885 = arith.select %lt3A_881, %broadcast_in_dim3A_884, %select_n3A_870 : vector<512x128xi1>, vector<512x128xi32>
    %slice3A_886 = vector.extract_strided_slice %dot_general3A_23 {offsets = [0, 1280], sizes = [512, 128], strides = [1, 1]} : vector<512x2048xf32> to vector<512x128xf32>
    %get3A_887 = arith.constant 0 : index
    %get3A_888 = arith.constant 7424 : index
    %get3A_889 = vector.load %arg5[%get3A_887, %get3A_888] : memref<1x8192xf32, #tpu.memory_space<vmem>>, vector<1x128xf32>
    %get3A_890 = vector.shape_cast %get3A_889 : vector<1x128xf32> to vector<128xf32>
    %sub3A_891 = vector.broadcast %broadcast_in_dim3A : vector<512x1xf32> to vector<512x128xf32>
    %sub3A_892 = arith.subf %sub3A_891, %slice3A_886 : vector<512x128xf32>
    %broadcast_in_dim3A_893 = vector.shape_cast %get3A_890 : vector<128xf32> to vector<1x128xf32>
    %add3A_894 = vector.broadcast %broadcast_in_dim3A_893 : vector<1x128xf32> to vector<512x128xf32>
    %add3A_895 = arith.addf %sub3A_892, %add3A_894 : vector<512x128xf32>
    %lt3A_896 = arith.cmpf olt, %add3A_895, %select_n3A_882 : vector<512x128xf32>
    %select_n3A_897 = arith.select %lt3A_896, %add3A_895, %select_n3A_882 : vector<512x128xi1>, vector<512x128xf32>
    %jit3A_898 = arith.constant 7424 : i32
    %broadcast_in_dim3A_899 = vector.broadcast %jit3A_898 : i32 to vector<512x128xi32>
    %select_n3A_900 = arith.select %lt3A_896, %broadcast_in_dim3A_899, %select_n3A_885 : vector<512x128xi1>, vector<512x128xi32>
    %slice3A_901 = vector.extract_strided_slice %dot_general3A_23 {offsets = [0, 1408], sizes = [512, 128], strides = [1, 1]} : vector<512x2048xf32> to vector<512x128xf32>
    %get3A_902 = arith.constant 0 : index
    %get3A_903 = arith.constant 7552 : index
    %get3A_904 = vector.load %arg5[%get3A_902, %get3A_903] : memref<1x8192xf32, #tpu.memory_space<vmem>>, vector<1x128xf32>
    %get3A_905 = vector.shape_cast %get3A_904 : vector<1x128xf32> to vector<128xf32>
    %sub3A_906 = vector.broadcast %broadcast_in_dim3A : vector<512x1xf32> to vector<512x128xf32>
    %sub3A_907 = arith.subf %sub3A_906, %slice3A_901 : vector<512x128xf32>
    %broadcast_in_dim3A_908 = vector.shape_cast %get3A_905 : vector<128xf32> to vector<1x128xf32>
    %add3A_909 = vector.broadcast %broadcast_in_dim3A_908 : vector<1x128xf32> to vector<512x128xf32>
    %add3A_910 = arith.addf %sub3A_907, %add3A_909 : vector<512x128xf32>
    %lt3A_911 = arith.cmpf olt, %add3A_910, %select_n3A_897 : vector<512x128xf32>
    %select_n3A_912 = arith.select %lt3A_911, %add3A_910, %select_n3A_897 : vector<512x128xi1>, vector<512x128xf32>
    %jit3A_913 = arith.constant 7552 : i32
    %broadcast_in_dim3A_914 = vector.broadcast %jit3A_913 : i32 to vector<512x128xi32>
    %select_n3A_915 = arith.select %lt3A_911, %broadcast_in_dim3A_914, %select_n3A_900 : vector<512x128xi1>, vector<512x128xi32>
    %slice3A_916 = vector.extract_strided_slice %dot_general3A_23 {offsets = [0, 1536], sizes = [512, 128], strides = [1, 1]} : vector<512x2048xf32> to vector<512x128xf32>
    %get3A_917 = arith.constant 0 : index
    %get3A_918 = arith.constant 7680 : index
    %get3A_919 = vector.load %arg5[%get3A_917, %get3A_918] : memref<1x8192xf32, #tpu.memory_space<vmem>>, vector<1x128xf32>
    %get3A_920 = vector.shape_cast %get3A_919 : vector<1x128xf32> to vector<128xf32>
    %sub3A_921 = vector.broadcast %broadcast_in_dim3A : vector<512x1xf32> to vector<512x128xf32>
    %sub3A_922 = arith.subf %sub3A_921, %slice3A_916 : vector<512x128xf32>
    %broadcast_in_dim3A_923 = vector.shape_cast %get3A_920 : vector<128xf32> to vector<1x128xf32>
    %add3A_924 = vector.broadcast %broadcast_in_dim3A_923 : vector<1x128xf32> to vector<512x128xf32>
    %add3A_925 = arith.addf %sub3A_922, %add3A_924 : vector<512x128xf32>
    %lt3A_926 = arith.cmpf olt, %add3A_925, %select_n3A_912 : vector<512x128xf32>
    %select_n3A_927 = arith.select %lt3A_926, %add3A_925, %select_n3A_912 : vector<512x128xi1>, vector<512x128xf32>
    %jit3A_928 = arith.constant 7680 : i32
    %broadcast_in_dim3A_929 = vector.broadcast %jit3A_928 : i32 to vector<512x128xi32>
    %select_n3A_930 = arith.select %lt3A_926, %broadcast_in_dim3A_929, %select_n3A_915 : vector<512x128xi1>, vector<512x128xi32>
    %slice3A_931 = vector.extract_strided_slice %dot_general3A_23 {offsets = [0, 1664], sizes = [512, 128], strides = [1, 1]} : vector<512x2048xf32> to vector<512x128xf32>
    %get3A_932 = arith.constant 0 : index
    %get3A_933 = arith.constant 7808 : index
    %get3A_934 = vector.load %arg5[%get3A_932, %get3A_933] : memref<1x8192xf32, #tpu.memory_space<vmem>>, vector<1x128xf32>
    %get3A_935 = vector.shape_cast %get3A_934 : vector<1x128xf32> to vector<128xf32>
    %sub3A_936 = vector.broadcast %broadcast_in_dim3A : vector<512x1xf32> to vector<512x128xf32>
    %sub3A_937 = arith.subf %sub3A_936, %slice3A_931 : vector<512x128xf32>
    %broadcast_in_dim3A_938 = vector.shape_cast %get3A_935 : vector<128xf32> to vector<1x128xf32>
    %add3A_939 = vector.broadcast %broadcast_in_dim3A_938 : vector<1x128xf32> to vector<512x128xf32>
    %add3A_940 = arith.addf %sub3A_937, %add3A_939 : vector<512x128xf32>
    %lt3A_941 = arith.cmpf olt, %add3A_940, %select_n3A_927 : vector<512x128xf32>
    %select_n3A_942 = arith.select %lt3A_941, %add3A_940, %select_n3A_927 : vector<512x128xi1>, vector<512x128xf32>
    %jit3A_943 = arith.constant 7808 : i32
    %broadcast_in_dim3A_944 = vector.broadcast %jit3A_943 : i32 to vector<512x128xi32>
    %select_n3A_945 = arith.select %lt3A_941, %broadcast_in_dim3A_944, %select_n3A_930 : vector<512x128xi1>, vector<512x128xi32>
    %slice3A_946 = vector.extract_strided_slice %dot_general3A_23 {offsets = [0, 1792], sizes = [512, 128], strides = [1, 1]} : vector<512x2048xf32> to vector<512x128xf32>
    %get3A_947 = arith.constant 0 : index
    %get3A_948 = arith.constant 7936 : index
    %get3A_949 = vector.load %arg5[%get3A_947, %get3A_948] : memref<1x8192xf32, #tpu.memory_space<vmem>>, vector<1x128xf32>
    %get3A_950 = vector.shape_cast %get3A_949 : vector<1x128xf32> to vector<128xf32>
    %sub3A_951 = vector.broadcast %broadcast_in_dim3A : vector<512x1xf32> to vector<512x128xf32>
    %sub3A_952 = arith.subf %sub3A_951, %slice3A_946 : vector<512x128xf32>
    %broadcast_in_dim3A_953 = vector.shape_cast %get3A_950 : vector<128xf32> to vector<1x128xf32>
    %add3A_954 = vector.broadcast %broadcast_in_dim3A_953 : vector<1x128xf32> to vector<512x128xf32>
    %add3A_955 = arith.addf %sub3A_952, %add3A_954 : vector<512x128xf32>
    %lt3A_956 = arith.cmpf olt, %add3A_955, %select_n3A_942 : vector<512x128xf32>
    %select_n3A_957 = arith.select %lt3A_956, %add3A_955, %select_n3A_942 : vector<512x128xi1>, vector<512x128xf32>
    %jit3A_958 = arith.constant 7936 : i32
    %broadcast_in_dim3A_959 = vector.broadcast %jit3A_958 : i32 to vector<512x128xi32>
    %select_n3A_960 = arith.select %lt3A_956, %broadcast_in_dim3A_959, %select_n3A_945 : vector<512x128xi1>, vector<512x128xi32>
    %slice3A_961 = vector.extract_strided_slice %dot_general3A_23 {offsets = [0, 1920], sizes = [512, 128], strides = [1, 1]} : vector<512x2048xf32> to vector<512x128xf32>
    %get3A_962 = arith.constant 0 : index
    %get3A_963 = arith.constant 8064 : index
    %get3A_964 = vector.load %arg5[%get3A_962, %get3A_963] : memref<1x8192xf32, #tpu.memory_space<vmem>>, vector<1x128xf32>
    %get3A_965 = vector.shape_cast %get3A_964 : vector<1x128xf32> to vector<128xf32>
    %sub3A_966 = vector.broadcast %broadcast_in_dim3A : vector<512x1xf32> to vector<512x128xf32>
    %sub3A_967 = arith.subf %sub3A_966, %slice3A_961 : vector<512x128xf32>
    %broadcast_in_dim3A_968 = vector.shape_cast %get3A_965 : vector<128xf32> to vector<1x128xf32>
    %add3A_969 = vector.broadcast %broadcast_in_dim3A_968 : vector<1x128xf32> to vector<512x128xf32>
    %add3A_970 = arith.addf %sub3A_967, %add3A_969 : vector<512x128xf32>
    %lt3A_971 = arith.cmpf olt, %add3A_970, %select_n3A_957 : vector<512x128xf32>
    %select_n3A_972 = arith.select %lt3A_971, %add3A_970, %select_n3A_957 : vector<512x128xi1>, vector<512x128xf32>
    %jit3A_973 = arith.constant 8064 : i32
    %broadcast_in_dim3A_974 = vector.broadcast %jit3A_973 : i32 to vector<512x128xi32>
    %select_n3A_975 = arith.select %lt3A_971, %broadcast_in_dim3A_974, %select_n3A_960 : vector<512x128xi1>, vector<512x128xi32>
    %reduce_min3A = arith.constant dense<0x7F800000> : vector<512xf32>
    %reduce_min3A_976 = vector.multi_reduction <minimumf>, %select_n3A_972, %reduce_min3A [1] : vector<512x128xf32> to vector<512xf32>
    %broadcast_in_dim3A_977 = vector.shape_cast %reduce_min3A_976 : vector<512xf32> to vector<512x1xf32>
    %iota3A = tpu.iota {dimensions = array<i32: 1>} : vector<512x128xi32>
    %eq3A_978 = vector.broadcast %broadcast_in_dim3A_977 : vector<512x1xf32> to vector<512x128xf32>
    %eq3A_979 = arith.cmpf oeq, %select_n3A_972, %eq3A_978 : vector<512x128xf32>
    %add3A_980 = arith.addi %select_n3A_975, %iota3A : vector<512x128xi32>
    %jit3A_981 = arith.constant 8192 : i32
    %broadcast_in_dim3A_982 = vector.broadcast %jit3A_981 : i32 to vector<512x128xi32>
    %select_n3A_983 = arith.select %eq3A_979, %add3A_980, %broadcast_in_dim3A_982 : vector<512x128xi1>, vector<512x128xi32>
    %reduce_min3A_984 = arith.constant dense<2147483647> : vector<512xi32>
    %reduce_min3A_985 = vector.multi_reduction <minsi>, %select_n3A_983, %reduce_min3A_984 [1] : vector<512x128xi32> to vector<512xi32>
    %broadcast_in_dim3A_986 = vector.shape_cast %reduce_min3A_985 : vector<512xi32> to vector<512x1xi32>
    %transpose3A = tpu.transpose %broadcast_in_dim3A_986, [1, 0] : vector<512x1xi32> -> vector<1x512xi32>
    %reshape3A = vector.shape_cast %transpose3A : vector<1x512xi32> to vector<512xi32>
    %swap3A = arith.constant 0 : index
    %swap3A_987 = vector.load %arg3[%swap3A] : memref<512xi32, #tpu.memory_space<vmem>>, vector<512xi32>
    tpu.vector_store %arg3[%swap3A], %reshape3A {strides = array<i32>} : memref<512xi32, #tpu.memory_space<vmem>>, vector<512xi32>,
    return
  }
  func.func @transform_0(%arg0: i32) -> (i32, i32) {
    %add3A = arith.constant 0 : i32
    %add3A_0 = arith.addi %arg0, %add3A : i32
    %c0_i32 = arith.constant 0 : i32
    %c0_i32_1 = arith.constant 0 : i32
    return %add3A_0, %c0_i32 : i32, i32
  }
  func.func @transform_1(%arg0: i32) -> (i32, i32) {
    %c0_i32 = arith.constant 0 : i32
    %c0_i32_0 = arith.constant 0 : i32
    %c0_i32_1 = arith.constant 0 : i32
    return %c0_i32, %c0_i32_0 : i32, i32
  }
  func.func @transform_2(%arg0: i32) -> i32 {
    %c0_i32 = arith.constant 0 : i32
    return %arg0 : i32
  }
}

</mosaic_0001>

<sc_bundles>
// kernel: kernel.6.cloned.1.call-start
scs
__scs_entry_jumppad:
0x0: {  	(pc) =	sbr.rel $0x88, $3  }
0x1: {  	(tag) =	ssettag $0x0;
	lr =	simm.s32 $0x1  }
0x2: {  	[smem:$0x3F9F] =	sst lr;
	_ =	strace $0xD0000000  }
0x3: {  	_ = 	snop  }
0x4: {  	_ = 	snop  }
0x5: {  	_ = 	snop  }
0x6: {  	_ = 	snop  }
0x7: {  	_ = 	snop  }
__scs_overlays_trampoline_lowered:
0x8: {  	[smem:$0x3FAE] =	sst s0  }
0x9: {  	[smem:$0x3FAF] =	sst s1  }
0xa: {  	[smem:$0x3FB0] =	sst s2  }
0xb: {  	[smem:$0x3FB1] =	sst s3  }
0xc: {  	[smem:$0x3FB2] =	sst s4  }
0xd: {  	[smem:$0x3FB3] =	sst s5  }
0xe: {  	[smem:$0x3FB4] =	sst s6  }
0xf: {  	[smem:$0x3FB5] =	sst s7  }
0x10: {  	[smem:$0x3FB6] =	sst s8  }
0x11: {  	[smem:$0x3FB7] =	sst s9;
	s0 =	simm.s32 @!p0 $0x0  }
0x12: {  	s1 =	sld [smem:$0x3F9D];
	s0 =	simm.s32 @p0 $0x1  }
0x13: {  	[smem:$0x3FB8] =	sst s0;
	s0 =	simm.s32 @!p1 $0x0  }
0x14: {  	s2 =	sld [smem:$0x3F9C];
	s0 =	simm.s32 @p1 $0x1  }
0x15: {  	[smem:$0x3FB9] =	sst s0;
	s0 =	simm.s32 @!p2 $0x0  }
0x16: {  	s3 =	sld [smem:$0x3FDB];
	s0 =	simm.s32 @p2 $0x1  }
0x17: {  	s4 =	simm.s32 $0x1BF5;
	[smem:$0x3FBB] =	sst s0  }
0x18: {  	s0 =	sld [smem:$0x3F9E];
	_ =	swait.ge [sflag:s4], $0x0  }
0x19: {  	s7 =	sld [smem:$0x3F9F]  }
0x1a: {  	s8 =	sadd.s32 $0xFFFFE003, lr  }
0x1b: {  	s9 =	sadd.s32 $0xFFFFFEF7, lr;
	s5 =	simm.s32 $0xFFFFFFFF;
	p2 =	slt.u32 s8, $0xFFFFF086  }
0x1c: {  	p1 =	slt.u32 s9, $0xF7A;
	s5 =	simm.s32 @!p2 $0x0  }
0x1d: {  	s5 =	simm.s32 @p1 $0x1;
	p0 =	seq.s32 s7, s2  }
0x1e: {  	s7 =	smul.u32 @!p0 $0xF7A, s2;
	p2 =	seq.s32 @!p0 s5, $0x0  }
0x1f: {  	s9 =	smul.u32 $0xF7A, s1;
	s8 =	simm.s32 @!p0 $0x1BF5;
	p2 =	por !p2, p0  }
0x20: {  	[sflag:s8] =	ssyncset.s32 @!p0 $0xFFFFF086;
	s6 =	sadd.s32 @!p0 s3, s7;
	s7 =	simm.s32 @!p0 $0x108  }
0x21: {  	s3 =	sadd.s32 s3, s9;
	s6 =	sadd.s32 @!p0 $0x88, s6;
	s7 =	simm.s32 @p2 $0x1082  }
0x22: {  	[simem:s7], [sflag:s8] =	dma.local @!p0 [hbm:s6], $0xF7A  }
0x23: {  	s9 =	sor.u32 $0xD0000000, s2;
	s6 =	simm.s32 $0x108;
	_ =	swait.ge @!p0 [sflag:s8], $0x0  }
0x24: {  	s3 =	sadd.s32 $0x88, s3;
	s6 =	simm.s32 @!p1 $0x1082;
	[sflag:s4] =	ssyncset.s32 $0xFFFFF086  }
0x25: {  	[simem:s6], [sflag:s4] =	dma.local [hbm:s3], $0xF7A  }
0x26: {  	[smem:$0x3F9F] =	sst s1;
	(tag) =	ssettag s2;
	_ =	strace s9  }
0x27: {  	s1 =	sld [smem:$0x3FAF]  }
0x28: {  	s2 =	sld [smem:$0x3FB0]  }
0x29: {  	s4 =	sld [smem:$0x3FB2]  }
0x2a: {  	p0 =	seq.s32 s5, $0x0;
	s5 =	sld [smem:$0x3FB3]  }
0x2b: {  	s6 =	sld [smem:$0x3FB4]  }
0x2c: {  	s7 =	sld [smem:$0x3FB5]  }
0x2d: {  	s3 =	simm.s32 $0x108;
	s8 =	sld [smem:$0x3FB6]  }
0x2e: {  	s3 =	simm.s32 @!p0 $0x1082;
	s9 =	sld [smem:$0x3FB7]  }
0x2f: {  	lr =	sadd.s32 s0, s3;
	s0 =	sld [smem:$0x3FAE]  }
0x30: {  	s3 =	sld [smem:$0x3FB1]  }
0x31: {  	[smem:$0x3FBA] =	sst s10  }
0x32: {  	s10 =	sld [smem:$0x3FB8];
	_ =	sdelay $0x3  }
0x33: {  	p0 =	seq.s32 s10, $0x1;
	s10 =	sld [smem:$0x3FBA];
	_ =	sdelay $0x3  }
0x34: {  	[smem:$0x3FBA] =	sst s10  }
0x35: {  	s10 =	sld [smem:$0x3FB9];
	_ =	sdelay $0x3  }
0x36: {  	p1 =	seq.s32 s10, $0x1;
	s10 =	sld [smem:$0x3FBA];
	_ =	sdelay $0x3  }
0x37: {  	[smem:$0x3FBA] =	sst s10  }
0x38: {  	s10 =	sld [smem:$0x3FBB]  }
0x39: {  	_ = 	snop;
	(pc) =	sbr.ind lr, $3  }
0x3a: {  	_ = 	snop  }
0x3b: {  	_ = 	snop  }
0x3c: {  	p2 =	seq.s32 s10, $0x1;
	s10 =	sld [smem:$0x3FBA]  }
0x3d: {  	_ =	shalt  }
0x3e: {  	_ =	shalt  }
0x3f: {  	_ =	shalt  }
0x40: {  	_ =	shalt  }
0x41: {  	_ =	shalt  }
0x42: {  	_ =	shalt  }
0x43: {  	_ =	shalt  }
0x44: {  	_ =	shalt  }
0x45: {  	_ =	shalt  }
0x46: {  	_ =	shalt  }
0x47: {  	_ =	shalt  }
0x48: {  	_ =	shalt  }
0x49: {  	_ =	shalt  }
0x4a: {  	_ =	shalt  }
0x4b: {  	_ =	shalt  }
0x4c: {  	_ =	shalt  }
0x4d: {  	_ =	shalt  }
0x4e: {  	_ =	shalt  }
0x4f: {  	_ =	shalt  }
0x50: {  	_ =	shalt  }
0x51: {  	_ =	shalt  }
0x52: {  	_ =	shalt  }
0x53: {  	_ =	shalt  }
0x54: {  	_ =	shalt  }
0x55: {  	_ =	shalt  }
0x56: {  	_ =	shalt  }
0x57: {  	_ =	shalt  }
0x58: {  	_ =	shalt  }
0x59: {  	_ =	shalt  }
0x5a: {  	_ =	shalt  }
0x5b: {  	_ =	shalt  }
0x5c: {  	_ =	shalt  }
0x5d: {  	_ =	shalt  }
0x5e: {  	_ =	shalt  }
0x5f: {  	_ =	shalt  }
0x60: {  	_ =	shalt  }
0x61: {  	_ =	shalt  }
0x62: {  	_ =	shalt  }
0x63: {  	_ =	shalt  }
0x64: {  	_ =	shalt  }
0x65: {  	_ =	shalt  }
0x66: {  	_ =	shalt  }
0x67: {  	_ =	shalt  }
0x68: {  	_ =	shalt  }
0x69: {  	_ =	shalt  }
0x6a: {  	_ =	shalt  }
0x6b: {  	_ =	shalt  }
0x6c: {  	_ =	shalt  }
0x6d: {  	_ =	shalt  }
0x6e: {  	_ =	shalt  }
0x6f: {  	_ =	shalt  }
0x70: {  	_ =	shalt  }
0x71: {  	_ =	shalt  }
0x72: {  	_ =	shalt  }
0x73: {  	_ =	shalt  }
0x74: {  	_ =	shalt  }
0x75: {  	_ =	shalt  }
0x76: {  	_ =	shalt  }
0x77: {  	_ =	shalt  }
0x78: {  	_ =	shalt  }
0x79: {  	_ =	shalt  }
0x7a: {  	_ =	shalt  }
0x7b: {  	_ =	shalt  }
0x7c: {  	_ =	shalt  }
0x7d: {  	_ =	shalt  }
0x7e: {  	_ =	shalt  }
0x7f: {  	_ =	shalt  }
0x80: {  	_ =	shalt  }
0x81: {  	_ =	shalt  }
0x82: {  	_ =	shalt  }
0x83: {  	_ =	shalt  }
0x84: {  	_ =	shalt  }
0x85: {  	_ =	shalt  }
0x86: {  	_ =	shalt  }
0x87: {  	_ =	shalt  }
.Lfunc_end0:
.L_simem_size_0:
called_computation_lowered:
.L_overlay_start_0:
0x88: {  	s2 =	sld [smem:$0x3FD9]  }
0x89: {  	s3 =	sld [smem:$0x3FFE];
	_ =	sdelay $0x1  }
0x8a: {  	s1 =	srdreg.scid  }
0x8b: {  	s0 =	sand.u32 $0x1, s1  }
0x8c: {  	s17 =	sshll.u32 s0, $0xA;
	s2 =	sadd.s32 s3, s2  }
0x8d: {  	s2 =	sadd.s32 s2, s17  }
0x8e: {  	[smem:$0x3FC6] =	sst s2  }
0x8f: {  	_ = 	snop  }
0x90: {  	s2 =	sld [smem:$0x3FC8];
	(tm) =	ssettm $0x1  }
0x91: {  	s18 =	sld [smem:$0x3FFB];
	_ =	sdelay $0x3  }
0x92: {  	_ =	strace s18  }
0x93: {  	s3 =	sld [smem:$0x3FFC];
	_ =	sdelay $0x3  }
0x94: {  	_ =	strace s3  }
0x95: {  	s3 =	sld [smem:$0x3FFD];
	_ =	sdelay $0x3  }
0x96: {  	_ =	strace s3  }
0x97: {  	_ =	strace $0x8FFFFFFF  }
0x98: {  	s19 =	sld [smem:$0x3FDB];
	_ =	sdelay $0x1  }
0x99: {  	s4 =	simm.s32 $_scs_section_size  }
0x9a: {  	s5 =	simm.s32 $_size__tile_overlayer_lowered;
	s6 =	simm.s32 $_tile_overlayer_lowered  }
0x9b: {  	s22 =	simm.s32 $0x1BFF;
	s21 =	sshll.u32 s6, $0x1;
	s3 =	sadd.s32 s4, s19  }
0x9c: {  	s7 =	simm.s32 $0x0;
	s20 =	sshll.u32 s5, $0x1;
	s5 =	sadd.s32 s21, s3  }
0x9d: {  	[timem:s7], [sflag:s22] =	dma.local [hbm:s5], s20  }
0x9e: {  	_ =	swait.ge [sflag:s22], s20  }
0x9f: {  	s4 =	ssub.s32 $0x0, s20;
	[sflag:s22] =	ssyncset.done $0x0  }
0xa0: {  	[sflag:s22] =	ssyncadd.s32 s4;
	_ =	sdelay $0x1  }
0xa1: {  	s23 =	simm.s32 $0x1B8B  }
0xa2: {  	_ =	swait.ge [sflag:s23], $0x1  }
0xa3: {  	[sflag:s23] =	ssyncset.done $0x0  }
0xa4: {  	s25 =	simm.s32 $0x1B8E;
	s24 =	sld [smem:$0x3FFE];
	[sflag:s23] =	ssyncadd.s32 $0xFFFFFFFF  }
0xa5: {  	s26 =	simm.s32 $execute0_lowered;
	[smem:$0x3FD2] =	sst s25  }
0xa6: {  	s5 =	sshll.u32 s26, $0x1;
	_ =	strace $0x80000046;
	[dreg:$0x1] =	wrdreg $0xFFFFFFFF  }
0xa7: {  	s28 =	simm.s32 $_size_execute0_lowered;
	s3 =	sadd.s32 s3, s5;
	[dreg:$0x0] =	wrdreg $0x0  }
0xa8: {  	s5 =	sshll.u32 s28, $0x1;
	[dreg:$0x2] =	wrdreg s3  }
0xa9: {  	[dreg:$0x3] =	wrdreg s5  }
0xaa: {  	[dreg:$0x4] =	wrdreg $0xC0  }
0xab: {  	_ =	task [dreg:s7], $0x5FFFF  }
0xac: {  	[dreg:$0x1] =	wrdreg $0xFFFFFFFF  }
0xad: {  	[dreg:$0x0] =	wrdreg $0x60  }
0xae: {  	[dreg:$0x2] =	wrdreg s2  }
0xaf: {  	[dreg:$0x3] =	wrdreg s24  }
0xb0: {  	[dreg:$0x4] =	wrdreg $0x9  }
0xb1: {  	_ =	task.clear_ibuf [dreg:s7], $0x5FFFF;
	_ =	strace $0x90000046  }
0xb2: {  	s29 =	simm.s32 $0x9;
	_ =	strace $0x80000048  }
0xb3: {  	_ =	swait.ge [sflag:s29], $0x1  }
0xb4: {  	[sflag:s29] =	ssyncadd.s32 $0xFFFFFFFF  }
0xb5: {  	_ =	strace $0x90000048  }
0xb6: {  	_ =	sfence  }
0xb7: {  	s30 =	sld [smem:$0x0];
	_ =	sdelay $0x2  }
0xb8: {  	s31 =	sshll.u32 s1, $0xD;
	s1 =	sshrl.u32 s1, $0x2  }
0xb9: {  	s3 =	sand.u32 $0x4000, s31;
	s1 =	sadd.s32 s1, s30  }
0xba: {  	s0 =	sor.u32 s3, s0;
	s1 =	sshll.u32 s1, $0x11  }
0xbb: {  	s0 =	sor.u32 s1, s0  }
0xbc: {  	s0 =	sadd.s32 $0x8F2B, s0  }
0xbd: {  	[sflag:s0] =	ssyncadd.remote.s32 $0x1  }
0xbe: {  	_ =	sfence.sel $0xFFFF  }
0xbf: {  	[dreg:$0x0] =	wrdreg $0xFFFFFFFF;
	(pc) =	sbr.abs _section_cstart, $3  }
0xc0: {  	[dreg:$0x1] =	wrdreg $0xFFFFFFFF  }
0xc1: {  	_ =	task.clear_ibuf [dreg:s7], $0x2FFFF;
	_ =	strace $0x9FFFFFFF  }
0xc2: {  	(tm) =	ssettm $0x7FFFFFFF  }
0xc3: {  	_ =	shalt  }
tec
execute0_lowered:
.L_overlay_start_1:
0x0: {  	(tag) =	ssettag $0x1  }
0x1: {  	s1 =	srdreg.scid;
	s2 =	rddreg [dreg:$0x0]  }
0x2: {  	s0 =	stileid.u32;
	s5 =	rddreg [dreg:$0x1];
	s3 =	simm.s32 $0x0  }
0x3: {  	s8 =	simm.s32 $0x100;
	s9 =	simm.s32 $0x900;
	s10 =	simm.s32 $0x1100  }
0x4: {  	s11 =	simm.s32 $0x1900;
	s12 =	simm.s32 $0x2100;
	s13 =	simm.s32 $0x2900  }
0x5: {  	s14 =	simm.s32 $0x3100;
	s15 =	simm.s32 $0x3900;
	s16 =	simm.s32 $0x4100  }
0x6: {  	s17 =	simm.s32 $0x4900;
	s18 =	simm.s32 $0x5100;
	s19 =	simm.s32 $0x5900  }
0x7: {  	s20 =	simm.s32 $0x6100;
	s21 =	simm.s32 $0x6900;
	s22 =	simm.s32 $0x7100  }
0x8: {  	s23 =	simm.s32 $0x7900;
	s4 =	sand.u32 $0x1, s1;
	s30 =	sshll.u32 s0, $0x1  }
0x9: {  	s24 =	simm.s32 $0x8100;
	s25 =	simm.s32 $0x8900;
	s6 =	sor.u32 s4, s30  }
0xa: {  	s26 =	simm.s32 $0x1;
	s1 =	rddreg [dreg:$0x2];
	s7 =	smul.u32 $0x12, s6  }
0xb: {  	[smem:$0x7FF] =	sst s3;
	s4 =	ssub.s32 $0x2, s4;
	s6 =	smul.u32 $0x1200, s6  }
0xc: {  	v2 =	vlaneseq.u32;
	_ =	strace $0x80000047;
	s31 =	sshrl.u32 s4, $0x1;
	s7 =	sadd.s32 s7, s5  }
0xd: {  	vm0 =	vmmov $0xffff;
	v1 =	vshrl.u32 v2, $0x3;
	s5 =	sadd.s32 s6, s5;
	s6 =	ssub.s32 s4, s31;
	s4 =	sadd.s32 $0x1800, s7  }
0xe: {  	v0 =	vand.u32 $0x7, v2;
	v2 =	vor.u32 $0x8, v2;
	v1 =	vmul.u32 $0x8, v1;
	s5 =	sadd.s32 $0x1C00, s5;
	s6 =	smax.u32 s6, $0x1;
	s7 =	simm.s32 $0x2  }
.LBB2_1:
0xf: {  	[tilespmem:s3], [sflag:$0x2] =	stream.linear.gather [hbm4b:s4+s3], $0x90, $0x38;
	[tilespmem:$0x9100] =	vst v63  }
0x10: {  	_ =	swait.ge [sflag:s7], $0x90  }
0x11: {  	[sflag:s7] =	ssyncset.done $0x0  }
0x12: {  	[sflag:s7] =	ssyncadd.s32 $0xFFFFFF70  }
0x13: {  	v3 =	vld [tilespmem:$0x0];
	_ =	sdelay $0x4  }
0x14: {  	v4 =	vshll.u32 v3, $0x1  }
0x15: {  	v3 =	vand.u32 $0x7, v3;
	v4 =	vand.u32 $0xFFFFFFF0, v4  }
0x16: {  	v3 =	vor.u32 v3, v4  }
0x17: {  	v4 =	vperm.xlane v3, v0;
	_ =	sdelay $0x1  }
0x18: {  	v3 =	vperm.xlane v3, v2;
	v4 =	vadd.s32 v1, v4;
	_ =	sdelay $0x1  }
0x19: {  	v3 =	vadd.s32 v1, v3;
	_ =	sdelay $0x2  }
0x1a: {  	[tilespmem:s8], [sflag:$0x1] =	stream.indirect_vreg.gather [hbm4b:s2+s3], $0x80, v4, vm0, $0xb8;
	[tilespmem:$0x9100] =	vst v63  }
0x1b: {  	_ = 	snop  }
0x1c: {  	[tilespmem:s9], [sflag:$0x1] =	stream.indirect_vreg.gather [hbm4b:s2+s3], $0x80, v3, vm0, $0xb8;
	[tilespmem:$0x9100] =	vst v63  }
0x1d: {  	v3 =	vld [tilespmem:$0x10];
	_ =	sdelay $0x4  }
0x1e: {  	v55 =	vshll.u32 v3, $0x1  }
0x1f: {  	v3 =	vand.u32 $0x7, v3;
	v4 =	vand.u32 $0xFFFFFFF0, v55  }
0x20: {  	v3 =	vor.u32 v3, v4  }
0x21: {  	v4 =	vperm.xlane v3, v0;
	_ =	sdelay $0x1  }
0x22: {  	v3 =	vperm.xlane v3, v2;
	v4 =	vadd.s32 v1, v4;
	_ =	sdelay $0x1  }
0x23: {  	v3 =	vadd.s32 v1, v3;
	_ =	sdelay $0x2  }
0x24: {  	[tilespmem:s10], [sflag:$0x1] =	stream.indirect_vreg.gather [hbm4b:s2+s3], $0x80, v4, vm0, $0xb8;
	[tilespmem:$0x9100] =	vst v63  }
0x25: {  	_ = 	snop  }
0x26: {  	[tilespmem:s11], [sflag:$0x1] =	stream.indirect_vreg.gather [hbm4b:s2+s3], $0x80, v3, vm0, $0xb8;
	[tilespmem:$0x9100] =	vst v63  }
0x27: {  	v3 =	vld [tilespmem:$0x20];
	_ =	sdelay $0x4  }
0x28: {  	v56 =	vshll.u32 v3, $0x1  }
0x29: {  	v3 =	vand.u32 $0x7, v3;
	v4 =	vand.u32 $0xFFFFFFF0, v56  }
0x2a: {  	v3 =	vor.u32 v3, v4  }
0x2b: {  	v4 =	vperm.xlane v3, v0;
	_ =	sdelay $0x1  }
0x2c: {  	v3 =	vperm.xlane v3, v2;
	v4 =	vadd.s32 v1, v4;
	_ =	sdelay $0x1  }
0x2d: {  	v3 =	vadd.s32 v1, v3;
	_ =	sdelay $0x2  }
0x2e: {  	[tilespmem:s12], [sflag:$0x1] =	stream.indirect_vreg.gather [hbm4b:s2+s3], $0x80, v4, vm0, $0xb8;
	[tilespmem:$0x9100] =	vst v63  }
0x2f: {  	_ = 	snop  }
0x30: {  	[tilespmem:s13], [sflag:$0x1] =	stream.indirect_vreg.gather [hbm4b:s2+s3], $0x80, v3, vm0, $0xb8;
	[tilespmem:$0x9100] =	vst v63  }
0x31: {  	v3 =	vld [tilespmem:$0x30];
	_ =	sdelay $0x4  }
0x32: {  	v57 =	vshll.u32 v3, $0x1  }
0x33: {  	v3 =	vand.u32 $0x7, v3;
	v4 =	vand.u32 $0xFFFFFFF0, v57  }
0x34: {  	v3 =	vor.u32 v3, v4  }
0x35: {  	v4 =	vperm.xlane v3, v0;
	_ =	sdelay $0x1  }
0x36: {  	v3 =	vperm.xlane v3, v2;
	v4 =	vadd.s32 v1, v4;
	_ =	sdelay $0x1  }
0x37: {  	v3 =	vadd.s32 v1, v3;
	_ =	sdelay $0x2  }
0x38: {  	[tilespmem:s14], [sflag:$0x1] =	stream.indirect_vreg.gather [hbm4b:s2+s3], $0x80, v4, vm0, $0xb8;
	[tilespmem:$0x9100] =	vst v63  }
0x39: {  	_ = 	snop  }
0x3a: {  	[tilespmem:s15], [sflag:$0x1] =	stream.indirect_vreg.gather [hbm4b:s2+s3], $0x80, v3, vm0, $0xb8;
	[tilespmem:$0x9100] =	vst v63  }
0x3b: {  	v3 =	vld.msk [tilespmem:$0x40], $0xff;
	_ =	sdelay $0x4  }
0x3c: {  	v58 =	vshll.u32 v3, $0x1  }
0x3d: {  	v3 =	vand.u32 $0x7, v3;
	v4 =	vand.u32 $0xFFFFFFF0, v58  }
0x3e: {  	v3 =	vor.u32 v3, v4  }
0x3f: {  	v3 =	vperm.xlane v3, v0;
	_ =	sdelay $0x1  }
0x40: {  	v3 =	vadd.s32 v1, v3;
	_ =	sdelay $0x4  }
0x41: {  	[tilespmem:s16], [sflag:$0x1] =	stream.indirect_vreg.gather [hbm4b:s2+s3], $0x80, v3, vm0, $0xb8;
	[tilespmem:$0x9100] =	vst v63  }
0x42: {  	v3 =	vld [tilespmem:$0x48];
	_ =	sdelay $0x4  }
0x43: {  	v59 =	vshll.u32 v3, $0x1  }
0x44: {  	v3 =	vand.u32 $0x7, v3;
	v4 =	vand.u32 $0xFFFFFFF0, v59  }
0x45: {  	v3 =	vor.u32 v3, v4  }
0x46: {  	v4 =	vperm.xlane v3, v0;
	_ =	sdelay $0x1  }
0x47: {  	v3 =	vperm.xlane v3, v2;
	v4 =	vadd.s32 v1, v4;
	_ =	sdelay $0x1  }
0x48: {  	v3 =	vadd.s32 v1, v3;
	_ =	sdelay $0x2  }
0x49: {  	[tilespmem:s17], [sflag:$0x1] =	stream.indirect_vreg.gather [hbm4b:s2+s3], $0x80, v4, vm0, $0xb8;
	[tilespmem:$0x9100] =	vst v63  }
0x4a: {  	_ = 	snop  }
0x4b: {  	[tilespmem:s18], [sflag:$0x1] =	stream.indirect_vreg.gather [hbm4b:s2+s3], $0x80, v3, vm0, $0xb8;
	[tilespmem:$0x9100] =	vst v63  }
0x4c: {  	v3 =	vld [tilespmem:$0x58];
	_ =	sdelay $0x4  }
0x4d: {  	v60 =	vshll.u32 v3, $0x1  }
0x4e: {  	v3 =	vand.u32 $0x7, v3;
	v4 =	vand.u32 $0xFFFFFFF0, v60  }
0x4f: {  	v3 =	vor.u32 v3, v4  }
0x50: {  	v4 =	vperm.xlane v3, v0;
	_ =	sdelay $0x1  }
0x51: {  	v3 =	vperm.xlane v3, v2;
	v4 =	vadd.s32 v1, v4;
	_ =	sdelay $0x1  }
0x52: {  	v3 =	vadd.s32 v1, v3;
	_ =	sdelay $0x2  }
0x53: {  	[tilespmem:s19], [sflag:$0x1] =	stream.indirect_vreg.gather [hbm4b:s2+s3], $0x80, v4, vm0, $0xb8;
	[tilespmem:$0x9100] =	vst v63  }
0x54: {  	_ = 	snop  }
0x55: {  	[tilespmem:s20], [sflag:$0x1] =	stream.indirect_vreg.gather [hbm4b:s2+s3], $0x80, v3, vm0, $0xb8;
	[tilespmem:$0x9100] =	vst v63  }
0x56: {  	v3 =	vld [tilespmem:$0x68];
	_ =	sdelay $0x4  }
0x57: {  	v61 =	vshll.u32 v3, $0x1  }
0x58: {  	v3 =	vand.u32 $0x7, v3;
	v4 =	vand.u32 $0xFFFFFFF0, v61  }
0x59: {  	v3 =	vor.u32 v3, v4  }
0x5a: {  	v4 =	vperm.xlane v3, v0;
	_ =	sdelay $0x1  }
0x5b: {  	v3 =	vperm.xlane v3, v2;
	v4 =	vadd.s32 v1, v4;
	_ =	sdelay $0x1  }
0x5c: {  	v3 =	vadd.s32 v1, v3;
	_ =	sdelay $0x2  }
0x5d: {  	[tilespmem:s21], [sflag:$0x1] =	stream.indirect_vreg.gather [hbm4b:s2+s3], $0x80, v4, vm0, $0xb8;
	[tilespmem:$0x9100] =	vst v63  }
0x5e: {  	_ = 	snop  }
0x5f: {  	[tilespmem:s22], [sflag:$0x1] =	stream.indirect_vreg.gather [hbm4b:s2+s3], $0x80, v3, vm0, $0xb8;
	[tilespmem:$0x9100] =	vst v63  }
0x60: {  	v3 =	vld [tilespmem:$0x78];
	_ =	sdelay $0x4  }
0x61: {  	v62 =	vshll.u32 v3, $0x1  }
0x62: {  	v3 =	vand.u32 $0x7, v3;
	v4 =	vand.u32 $0xFFFFFFF0, v62  }
0x63: {  	v3 =	vor.u32 v3, v4  }
0x64: {  	v4 =	vperm.xlane v3, v0;
	_ =	sdelay $0x1  }
0x65: {  	v3 =	vperm.xlane v3, v2;
	v4 =	vadd.s32 v1, v4;
	_ =	sdelay $0x1  }
0x66: {  	v3 =	vadd.s32 v1, v3;
	_ =	sdelay $0x2  }
0x67: {  	[tilespmem:s23], [sflag:$0x1] =	stream.indirect_vreg.gather [hbm4b:s2+s3], $0x80, v4, vm0, $0xb8;
	[tilespmem:$0x9100] =	vst v63  }
0x68: {  	_ = 	snop  }
0x69: {  	[tilespmem:s24], [sflag:$0x1] =	stream.indirect_vreg.gather [hbm4b:s2+s3], $0x80, v3, vm0, $0xb8;
	[tilespmem:$0x9100] =	vst v63  }
0x6a: {  	v3 =	vld.msk [tilespmem:$0x88], $0xff;
	_ =	sdelay $0x4  }
0x6b: {  	v63 =	vshll.u32 v3, $0x1  }
0x6c: {  	v3 =	vand.u32 $0x7, v3;
	v4 =	vand.u32 $0xFFFFFFF0, v63  }
0x6d: {  	v3 =	vor.u32 v3, v4  }
0x6e: {  	v3 =	vperm.xlane v3, v0;
	_ =	sdelay $0x1  }
0x6f: {  	v3 =	vadd.s32 v1, v3;
	_ =	sdelay $0x4  }
0x70: {  	[tilespmem:s25], [sflag:$0x1] =	stream.indirect_vreg.gather [hbm4b:s2+s3], $0x80, v3, vm0, $0xb8;
	[tilespmem:$0x9100] =	vst v63  }
0x71: {  	_ =	swait.ge [sflag:s26], $0x4800  }
0x72: {  	[sflag:s26] =	ssyncset.done $0x0  }
0x73: {  	[sflag:s26] =	ssyncadd.s32 $0xFFFFB800  }
0x74: {  	_ =	swait.ge [sflag:s26], $0x4800  }
0x75: {  	p0 =	sne.s32 s6, $0x1;
	[sflag:s26] =	ssyncset.done $0x0  }
.Ltmp0:
0x76: {  	[sflag:s26] =	ssyncadd.s32 $0xFFFFB800;
	(pc) =	sbr.rel @p0 .LBB2_1-.Ltmp0, $4  }
0x77: {  	[hbm4b:s5+s3] =	stream.linear.scatter [tilespmem:s8], [sflag:$0x2], $0x9000, $0x38;
	[tilespmem:$0x9100] =	vst v63  }
0x78: {  	_ =	swait.ge [sflag:s7], $0x9000  }
0x79: {  	[sflag:s7] =	ssyncset.done $0x0  }
0x7a: {  	s6 =	sadd.s32 $0xFFFFFFFF, s6;
	[sflag:s7] =	ssyncadd.s32 $0xFFFF7000  }
0x7b: {  	_ =	sfence.sel $0x180000  }
0x7c: {  	[bflag:$0x0] =	sbarrier.arrive $0xFFFF  }
0x7d: {  	p0 =	sne.s32 s0, $0x0;
	_ =	strace $0x90000047  }
0x7e: {  	s0 =	sadd.s32 @!p0 $0x100000, s1;
	[bflag:$0x2] =	sbarrier.arrive $0xFFFF  }
0x7f: {  	[sflag:s0] =	ssyncadd.tile.s32 @!p0 $0x1;
	_ =	shalt  }
.Lfunc_end2:
_tile_overlayer_lowered:
.L_overlay_start_2:
0x80: {  	(tag) =	ssettag $0x2  }
0x81: {  	s0 =	rddreg [dreg:$0x0];
	s2 =	stileid.u32  }
0x82: {  	s1 =	rddreg [dreg:$0x1];
	p0 =	sne.s32 s2, $0x0  }
0x83: {  	s3 =	rddreg [dreg:$0x2];
	[bflag:$0x3] =	sbarrier.arrive $0xFFFF;
	s2 =	simm.s32 @!p0 $0x1C02  }
0x84: {  	[timem:s3], [sflag:s2] =	dma.local @!p0 [hbm:s0], s1  }
0x85: {  	s0 =	simm.s32 @!p0 $0x2  }
0x86: {  	_ =	swait.ge @!p0 [sflag:s0], s1  }
0x87: {  	s1 =	ssub.s32 @!p0 $0x0, s1;
	[sflag:s0] =	ssyncset.done @!p0 $0x0  }
0x88: {  	[sflag:s0] =	ssyncadd.s32 @!p0 s1  }
0x89: {  	[bflag:$0x3] =	sbarrier.arrive $0xFFFF  }
0x8a: {  	_ =	shalt  }

// kernel: kernel.9.cloned.1.call-start
scs
__scs_entry_jumppad:
0x0: {  	(pc) =	sbr.rel $0x88, $3  }
0x1: {  	(tag) =	ssettag $0x0;
	lr =	simm.s32 $0x1  }
0x2: {  	[smem:$0x3F9F] =	sst lr;
	_ =	strace $0xD0000000  }
0x3: {  	_ = 	snop  }
0x4: {  	_ = 	snop  }
0x5: {  	_ = 	snop  }
0x6: {  	_ = 	snop  }
0x7: {  	_ = 	snop  }
__scs_overlays_trampoline_lowered:
0x8: {  	[smem:$0x3FAE] =	sst s0  }
0x9: {  	[smem:$0x3FAF] =	sst s1  }
0xa: {  	[smem:$0x3FB0] =	sst s2  }
0xb: {  	[smem:$0x3FB1] =	sst s3  }
0xc: {  	[smem:$0x3FB2] =	sst s4  }
0xd: {  	[smem:$0x3FB3] =	sst s5  }
0xe: {  	[smem:$0x3FB4] =	sst s6  }
0xf: {  	[smem:$0x3FB5] =	sst s7  }
0x10: {  	[smem:$0x3FB6] =	sst s8  }
0x11: {  	[smem:$0x3FB7] =	sst s9;
	s0 =	simm.s32 @!p0 $0x0  }
0x12: {  	s1 =	sld [smem:$0x3F9D];
	s0 =	simm.s32 @p0 $0x1  }
0x13: {  	[smem:$0x3FB8] =	sst s0;
	s0 =	simm.s32 @!p1 $0x0  }
0x14: {  	s2 =	sld [smem:$0x3F9C];
	s0 =	simm.s32 @p1 $0x1  }
0x15: {  	[smem:$0x3FB9] =	sst s0;
	s0 =	simm.s32 @!p2 $0x0  }
0x16: {  	s3 =	sld [smem:$0x3FDB];
	s0 =	simm.s32 @p2 $0x1  }
0x17: {  	s4 =	simm.s32 $0x1BF5;
	[smem:$0x3FBB] =	sst s0  }
0x18: {  	s0 =	sld [smem:$0x3F9E];
	_ =	swait.ge [sflag:s4], $0x0  }
0x19: {  	s7 =	sld [smem:$0x3F9F]  }
0x1a: {  	s8 =	sadd.s32 $0xFFFFE003, lr  }
0x1b: {  	s9 =	sadd.s32 $0xFFFFFEF7, lr;
	s5 =	simm.s32 $0xFFFFFFFF;
	p2 =	slt.u32 s8, $0xFFFFF086  }
0x1c: {  	p1 =	slt.u32 s9, $0xF7A;
	s5 =	simm.s32 @!p2 $0x0  }
0x1d: {  	s5 =	simm.s32 @p1 $0x1;
	p0 =	seq.s32 s7, s2  }
0x1e: {  	s7 =	smul.u32 @!p0 $0xF7A, s2;
	p2 =	seq.s32 @!p0 s5, $0x0  }
0x1f: {  	s9 =	smul.u32 $0xF7A, s1;
	s8 =	simm.s32 @!p0 $0x1BF5;
	p2 =	por !p2, p0  }
0x20: {  	[sflag:s8] =	ssyncset.s32 @!p0 $0xFFFFF086;
	s6 =	sadd.s32 @!p0 s3, s7;
	s7 =	simm.s32 @!p0 $0x108  }
0x21: {  	s3 =	sadd.s32 s3, s9;
	s6 =	sadd.s32 @!p0 $0x88, s6;
	s7 =	simm.s32 @p2 $0x1082  }
0x22: {  	[simem:s7], [sflag:s8] =	dma.local @!p0 [hbm:s6], $0xF7A  }
0x23: {  	s9 =	sor.u32 $0xD0000000, s2;
	s6 =	simm.s32 $0x108;
	_ =	swait.ge @!p0 [sflag:s8], $0x0  }
0x24: {  	s3 =	sadd.s32 $0x88, s3;
	s6 =	simm.s32 @!p1 $0x1082;
	[sflag:s4] =	ssyncset.s32 $0xFFFFF086  }
0x25: {  	[simem:s6], [sflag:s4] =	dma.local [hbm:s3], $0xF7A  }
0x26: {  	[smem:$0x3F9F] =	sst s1;
	(tag) =	ssettag s2;
	_ =	strace s9  }
0x27: {  	s1 =	sld [smem:$0x3FAF]  }
0x28: {  	s2 =	sld [smem:$0x3FB0]  }
0x29: {  	s4 =	sld [smem:$0x3FB2]  }
0x2a: {  	p0 =	seq.s32 s5, $0x0;
	s5 =	sld [smem:$0x3FB3]  }
0x2b: {  	s6 =	sld [smem:$0x3FB4]  }
0x2c: {  	s7 =	sld [smem:$0x3FB5]  }
0x2d: {  	s3 =	simm.s32 $0x108;
	s8 =	sld [smem:$0x3FB6]  }
0x2e: {  	s3 =	simm.s32 @!p0 $0x1082;
	s9 =	sld [smem:$0x3FB7]  }
0x2f: {  	lr =	sadd.s32 s0, s3;
	s0 =	sld [smem:$0x3FAE]  }
0x30: {  	s3 =	sld [smem:$0x3FB1]  }
0x31: {  	[smem:$0x3FBA] =	sst s10  }
0x32: {  	s10 =	sld [smem:$0x3FB8];
	_ =	sdelay $0x3  }
0x33: {  	p0 =	seq.s32 s10, $0x1;
	s10 =	sld [smem:$0x3FBA];
	_ =	sdelay $0x3  }
0x34: {  	[smem:$0x3FBA] =	sst s10  }
0x35: {  	s10 =	sld [smem:$0x3FB9];
	_ =	sdelay $0x3  }
0x36: {  	p1 =	seq.s32 s10, $0x1;
	s10 =	sld [smem:$0x3FBA];
	_ =	sdelay $0x3  }
0x37: {  	[smem:$0x3FBA] =	sst s10  }
0x38: {  	s10 =	sld [smem:$0x3FBB]  }
0x39: {  	_ = 	snop;
	(pc) =	sbr.ind lr, $3  }
0x3a: {  	_ = 	snop  }
0x3b: {  	_ = 	snop  }
0x3c: {  	p2 =	seq.s32 s10, $0x1;
	s10 =	sld [smem:$0x3FBA]  }
0x3d: {  	_ =	shalt  }
0x3e: {  	_ =	shalt  }
0x3f: {  	_ =	shalt  }
0x40: {  	_ =	shalt  }
0x41: {  	_ =	shalt  }
0x42: {  	_ =	shalt  }
0x43: {  	_ =	shalt  }
0x44: {  	_ =	shalt  }
0x45: {  	_ =	shalt  }
0x46: {  	_ =	shalt  }
0x47: {  	_ =	shalt  }
0x48: {  	_ =	shalt  }
0x49: {  	_ =	shalt  }
0x4a: {  	_ =	shalt  }
0x4b: {  	_ =	shalt  }
0x4c: {  	_ =	shalt  }
0x4d: {  	_ =	shalt  }
0x4e: {  	_ =	shalt  }
0x4f: {  	_ =	shalt  }
0x50: {  	_ =	shalt  }
0x51: {  	_ =	shalt  }
0x52: {  	_ =	shalt  }
0x53: {  	_ =	shalt  }
0x54: {  	_ =	shalt  }
0x55: {  	_ =	shalt  }
0x56: {  	_ =	shalt  }
0x57: {  	_ =	shalt  }
0x58: {  	_ =	shalt  }
0x59: {  	_ =	shalt  }
0x5a: {  	_ =	shalt  }
0x5b: {  	_ =	shalt  }
0x5c: {  	_ =	shalt  }
0x5d: {  	_ =	shalt  }
0x5e: {  	_ =	shalt  }
0x5f: {  	_ =	shalt  }
0x60: {  	_ =	shalt  }
0x61: {  	_ =	shalt  }
0x62: {  	_ =	shalt  }
0x63: {  	_ =	shalt  }
0x64: {  	_ =	shalt  }
0x65: {  	_ =	shalt  }
0x66: {  	_ =	shalt  }
0x67: {  	_ =	shalt  }
0x68: {  	_ =	shalt  }
0x69: {  	_ =	shalt  }
0x6a: {  	_ =	shalt  }
0x6b: {  	_ =	shalt  }
0x6c: {  	_ =	shalt  }
0x6d: {  	_ =	shalt  }
0x6e: {  	_ =	shalt  }
0x6f: {  	_ =	shalt  }
0x70: {  	_ =	shalt  }
0x71: {  	_ =	shalt  }
0x72: {  	_ =	shalt  }
0x73: {  	_ =	shalt  }
0x74: {  	_ =	shalt  }
0x75: {  	_ =	shalt  }
0x76: {  	_ =	shalt  }
0x77: {  	_ =	shalt  }
0x78: {  	_ =	shalt  }
0x79: {  	_ =	shalt  }
0x7a: {  	_ =	shalt  }
0x7b: {  	_ =	shalt  }
0x7c: {  	_ =	shalt  }
0x7d: {  	_ =	shalt  }
0x7e: {  	_ =	shalt  }
0x7f: {  	_ =	shalt  }
0x80: {  	_ =	shalt  }
0x81: {  	_ =	shalt  }
0x82: {  	_ =	shalt  }
0x83: {  	_ =	shalt  }
0x84: {  	_ =	shalt  }
0x85: {  	_ =	shalt  }
0x86: {  	_ =	shalt  }
0x87: {  	_ =	shalt  }
.Lfunc_end0:
.L_simem_size_0:
called_computation.1_lowered:
.L_overlay_start_0:
0x88: {  	s2 =	sld [smem:$0x3FD9]  }
0x89: {  	s3 =	sld [smem:$0x3FFE];
	_ =	sdelay $0x1  }
0x8a: {  	s1 =	srdreg.scid  }
0x8b: {  	s0 =	sand.u32 $0x1, s1  }
0x8c: {  	s17 =	sshll.u32 s0, $0xA;
	s2 =	sadd.s32 s3, s2  }
0x8d: {  	s2 =	sadd.s32 s2, s17  }
0x8e: {  	[smem:$0x3FC6] =	sst s2  }
0x8f: {  	_ = 	snop  }
0x90: {  	s18 =	sld [smem:$0x3FC8]  }
0x91: {  	s4 =	sld [smem:$0x3FD0];
	(tm) =	ssettm $0x1  }
0x92: {  	s19 =	sld [smem:$0x3FFB];
	_ =	sdelay $0x3  }
0x93: {  	_ =	strace s19  }
0x94: {  	s2 =	sld [smem:$0x3FFC];
	_ =	sdelay $0x3  }
0x95: {  	_ =	strace s2  }
0x96: {  	s2 =	sld [smem:$0x3FFD];
	_ =	sdelay $0x3  }
0x97: {  	_ =	strace s2  }
0x98: {  	_ =	strace $0x8FFFFFFF  }
0x99: {  	s20 =	sld [smem:$0x3FDB];
	_ =	sdelay $0x1  }
0x9a: {  	s5 =	simm.s32 $_scs_section_size  }
0x9b: {  	s6 =	simm.s32 $_size__tile_overlayer_lowered;
	s7 =	simm.s32 $_tile_overlayer_lowered  }
0x9c: {  	s8 =	simm.s32 $0x1BFF;
	s21 =	sshll.u32 s7, $0x1;
	s5 =	sadd.s32 s5, s20  }
0x9d: {  	s22 =	simm.s32 $0x0;
	s6 =	sshll.u32 s6, $0x1;
	s7 =	sadd.s32 s21, s5  }
0x9e: {  	[timem:s22], [sflag:s8] =	dma.local [hbm:s7], s6  }
0x9f: {  	_ =	swait.ge [sflag:s8], s6  }
0xa0: {  	s6 =	ssub.s32 $0x0, s6;
	[sflag:s8] =	ssyncset.done $0x0  }
0xa1: {  	[sflag:s8] =	ssyncadd.s32 s6;
	_ =	sdelay $0x1  }
0xa2: {  	s23 =	simm.s32 $0x1B8B  }
0xa3: {  	_ =	swait.ge [sflag:s23], $0x1  }
0xa4: {  	[sflag:s23] =	ssyncset.done $0x0  }
0xa5: {  	[sflag:s23] =	ssyncadd.s32 $0xFFFFFFFF  }
0xa6: {  	s6 =	sld [smem:$0x0]  }
0xa7: {  	s7 =	sand.u32 $0xFFFFFFFE, s1  }
0xa8: {  	p0 =	sne.s32 s1, s7  }
0xa9: {  	s7 =	sshll.u32 @p0 s7, $0xE  }
0xaa: {  	s7 =	sadd.s32 @p0 $0x11B8D, s7;
	s8 =	sshll.u32 @p0 s6, $0x11  }
0xab: {  	s7 =	sor.u32 @p0 s8, s7  }
0xac: {  	[sflag:s7] =	ssyncadd.remote.s32 @p0 $0x1;
	_ =	sdelay $0x1  }
0xad: {  	s7 =	simm.s32 @p0 $0x1B8D  }
0xae: {  	_ =	swait.eq @p0 [sflag:s7], $0x1  }
0xaf: {  	[sflag:s7] =	ssyncadd.s32 @p0 $0xFFFFFFFF  }
0xb0: {  	s8 =	sshll.u32 @!p0 s1, $0xE  }
0xb1: {  	s8 =	sor.u32 @!p0 $0x4000, s8;
	s7 =	simm.s32 @!p0 $0x1B8D  }
0xb2: {  	s6 =	sshll.u32 @!p0 s6, $0x11;
	s8 =	sadd.s32 @!p0 $0x11B8D, s8;
	_ =	swait.eq @!p0 [sflag:s7], $0x1  }
0xb3: {  	s6 =	sor.u32 @!p0 s6, s8;
	[sflag:s7] =	ssyncadd.s32 @!p0 $0xFFFFFFFF  }
0xb4: {  	s25 =	simm.s32 $0x1B8E;
	s24 =	sld [smem:$0x3FFE];
	[sflag:s6] =	ssyncadd.remote.s32 @!p0 $0x1  }
0xb5: {  	s26 =	simm.s32 $execute0_lowered;
	[smem:$0x3FD2] =	sst s25  }
0xb6: {  	s7 =	sshll.u32 s26, $0x1;
	_ =	strace $0x80000049;
	[dreg:$0x1] =	wrdreg $0xFFFFFFFF  }
0xb7: {  	s28 =	simm.s32 $_size_execute0_lowered;
	s5 =	sadd.s32 s5, s7;
	[dreg:$0x0] =	wrdreg $0x0  }
0xb8: {  	s7 =	sshll.u32 s28, $0x1;
	[dreg:$0x2] =	wrdreg s5  }
0xb9: {  	[dreg:$0x3] =	wrdreg s7  }
0xba: {  	[dreg:$0x4] =	wrdreg $0xC0  }
0xbb: {  	_ =	task [dreg:s22], $0x5FFFF  }
0xbc: {  	[dreg:$0x1] =	wrdreg $0xFFFFFFFF  }
0xbd: {  	[dreg:$0x0] =	wrdreg $0x60  }
0xbe: {  	[dreg:$0x2] =	wrdreg s18  }
0xbf: {  	[dreg:$0x3] =	wrdreg s4  }
0xc0: {  	[dreg:$0x4] =	wrdreg s24  }
0xc1: {  	[dreg:$0x5] =	wrdreg $0xA  }
0xc2: {  	_ =	task.clear_ibuf [dreg:s22], $0x6FFFF;
	_ =	strace $0x90000049  }
0xc3: {  	s29 =	simm.s32 $0xA;
	_ =	strace $0x8000004B  }
0xc4: {  	_ =	swait.ge [sflag:s29], $0x1  }
0xc5: {  	[sflag:s29] =	ssyncadd.s32 $0xFFFFFFFF  }
0xc6: {  	_ =	strace $0x9000004B  }
0xc7: {  	_ =	sfence  }
0xc8: {  	s30 =	sld [smem:$0x0];
	_ =	sdelay $0x2  }
0xc9: {  	s31 =	sshll.u32 s1, $0xD;
	s1 =	sshrl.u32 s1, $0x2  }
0xca: {  	s4 =	sand.u32 $0x4000, s31;
	s1 =	sadd.s32 s1, s30  }
0xcb: {  	s0 =	sor.u32 s4, s0;
	s1 =	sshll.u32 s1, $0x11  }
0xcc: {  	s0 =	sor.u32 s1, s0  }
0xcd: {  	s0 =	sadd.s32 $0x8F2B, s0  }
0xce: {  	[sflag:s0] =	ssyncadd.remote.s32 $0x1  }
0xcf: {  	_ =	sfence.sel $0xFFFF  }
0xd0: {  	[dreg:$0x0] =	wrdreg $0xFFFFFFFF;
	(pc) =	sbr.abs _section_cstart, $3  }
0xd1: {  	[dreg:$0x1] =	wrdreg $0xFFFFFFFF  }
0xd2: {  	_ =	task.clear_ibuf [dreg:s22], $0x2FFFF;
	_ =	strace $0x9FFFFFFF  }
0xd3: {  	(tm) =	ssettm $0x7FFFFFFF  }
tec
execute0_lowered:
.L_overlay_start_1:
0x0: {  	(tag) =	ssettag $0x1  }
0x1: {  	s1 =	rddreg [dreg:$0x0]  }
0x2: {  	s2 =	srdreg.scid;
	s4 =	rddreg [dreg:$0x1]  }
0x3: {  	s0 =	stileid.u32;
	s6 =	rddreg [dreg:$0x2]  }
0x4: {  	s3 =	simm.s32 $0x0;
	s9 =	simm.s32 $0x900;
	s10 =	simm.s32 $0x1100  }
0x5: {  	s11 =	simm.s32 $0x1900;
	s12 =	simm.s32 $0x2100;
	s13 =	simm.s32 $0x2900  }
0x6: {  	s14 =	simm.s32 $0x3100;
	s15 =	simm.s32 $0x3900;
	s16 =	simm.s32 $0x4100  }
0x7: {  	s17 =	simm.s32 $0x4900;
	s18 =	simm.s32 $0x5100;
	s19 =	simm.s32 $0x5900  }
0x8: {  	s20 =	simm.s32 $0x6100;
	s21 =	simm.s32 $0x6900;
	s22 =	simm.s32 $0x7100  }
0x9: {  	s23 =	simm.s32 $0x7900;
	s5 =	sand.u32 $0x1, s2;
	s30 =	sshll.u32 s0, $0x1  }
0xa: {  	s24 =	simm.s32 $0x8100;
	s25 =	simm.s32 $0x8900;
	s7 =	sor.u32 s5, s30  }
0xb: {  	s26 =	simm.s32 $0x1;
	s2 =	rddreg [dreg:$0x3];
	s8 =	smul.u32 $0x1200, s7  }
0xc: {  	[smem:$0x7FF] =	sst s3;
	s5 =	ssub.s32 $0x2, s5;
	s7 =	smul.u32 $0x12, s7  }
0xd: {  	v2 =	vlaneseq.u32;
	_ =	strace $0x8000004A;
	s31 =	sshrl.u32 s5, $0x1;
	s6 =	sadd.s32 s8, s6  }
0xe: {  	vm0 =	vmmov $0xffff;
	v1 =	vshrl.u32 v2, $0x3;
	s8 =	ssub.s32 s5, s31;
	s4 =	sadd.s32 s4, s7;
	s7 =	simm.s32 $0x2  }
0xf: {  	v0 =	vand.u32 $0x7, v2;
	v2 =	vor.u32 $0x8, v2;
	v1 =	vmul.u32 $0x8, v1;
	s5 =	sadd.s32 $0x25C00, s6;
	s6 =	smax.u32 s8, $0x1;
	s8 =	simm.s32 $0x100  }
.LBB2_1:
0x10: {  	[tilespmem:s3], [sflag:$0x2] =	stream.linear.gather [hbm4b:s4+s3], $0x90, $0x38;
	[tilespmem:$0x9100] =	vst v63  }
0x11: {  	_ =	swait.ge [sflag:s7], $0x90  }
0x12: {  	[sflag:s7] =	ssyncset.done $0x0  }
0x13: {  	[sflag:s7] =	ssyncadd.s32 $0xFFFFFF70  }
0x14: {  	v3 =	vld [tilespmem:$0x0];
	_ =	sdelay $0x4  }
0x15: {  	v4 =	vshll.u32 v3, $0x1  }
0x16: {  	v3 =	vand.u32 $0x7, v3;
	v4 =	vand.u32 $0xFFFFFFF0, v4  }
0x17: {  	v3 =	vor.u32 v3, v4  }
0x18: {  	v4 =	vperm.xlane v3, v0;
	_ =	sdelay $0x1  }
0x19: {  	v3 =	vperm.xlane v3, v2;
	v4 =	vadd.s32 v1, v4;
	_ =	sdelay $0x1  }
0x1a: {  	v3 =	vadd.s32 v1, v3;
	_ =	sdelay $0x2  }
0x1b: {  	[tilespmem:s8], [sflag:$0x1] =	stream.indirect_vreg.gather [hbm4b:s1+s3], $0x80, v4, vm0, $0xb8;
	[tilespmem:$0x9100] =	vst v63  }
0x1c: {  	_ = 	snop  }
0x1d: {  	[tilespmem:s9], [sflag:$0x1] =	stream.indirect_vreg.gather [hbm4b:s1+s3], $0x80, v3, vm0, $0xb8;
	[tilespmem:$0x9100] =	vst v63  }
0x1e: {  	v3 =	vld [tilespmem:$0x10];
	_ =	sdelay $0x4  }
0x1f: {  	v55 =	vshll.u32 v3, $0x1  }
0x20: {  	v3 =	vand.u32 $0x7, v3;
	v4 =	vand.u32 $0xFFFFFFF0, v55  }
0x21: {  	v3 =	vor.u32 v3, v4  }
0x22: {  	v4 =	vperm.xlane v3, v0;
	_ =	sdelay $0x1  }
0x23: {  	v3 =	vperm.xlane v3, v2;
	v4 =	vadd.s32 v1, v4;
	_ =	sdelay $0x1  }
0x24: {  	v3 =	vadd.s32 v1, v3;
	_ =	sdelay $0x2  }
0x25: {  	[tilespmem:s10], [sflag:$0x1] =	stream.indirect_vreg.gather [hbm4b:s1+s3], $0x80, v4, vm0, $0xb8;
	[tilespmem:$0x9100] =	vst v63  }
0x26: {  	_ = 	snop  }
0x27: {  	[tilespmem:s11], [sflag:$0x1] =	stream.indirect_vreg.gather [hbm4b:s1+s3], $0x80, v3, vm0, $0xb8;
	[tilespmem:$0x9100] =	vst v63  }
0x28: {  	v3 =	vld [tilespmem:$0x20];
	_ =	sdelay $0x4  }
0x29: {  	v56 =	vshll.u32 v3, $0x1  }
0x2a: {  	v3 =	vand.u32 $0x7, v3;
	v4 =	vand.u32 $0xFFFFFFF0, v56  }
0x2b: {  	v3 =	vor.u32 v3, v4  }
0x2c: {  	v4 =	vperm.xlane v3, v0;
	_ =	sdelay $0x1  }
0x2d: {  	v3 =	vperm.xlane v3, v2;
	v4 =	vadd.s32 v1, v4;
	_ =	sdelay $0x1  }
0x2e: {  	v3 =	vadd.s32 v1, v3;
	_ =	sdelay $0x2  }
0x2f: {  	[tilespmem:s12], [sflag:$0x1] =	stream.indirect_vreg.gather [hbm4b:s1+s3], $0x80, v4, vm0, $0xb8;
	[tilespmem:$0x9100] =	vst v63  }
0x30: {  	_ = 	snop  }
0x31: {  	[tilespmem:s13], [sflag:$0x1] =	stream.indirect_vreg.gather [hbm4b:s1+s3], $0x80, v3, vm0, $0xb8;
	[tilespmem:$0x9100] =	vst v63  }
0x32: {  	v3 =	vld [tilespmem:$0x30];
	_ =	sdelay $0x4  }
0x33: {  	v57 =	vshll.u32 v3, $0x1  }
0x34: {  	v3 =	vand.u32 $0x7, v3;
	v4 =	vand.u32 $0xFFFFFFF0, v57  }
0x35: {  	v3 =	vor.u32 v3, v4  }
0x36: {  	v4 =	vperm.xlane v3, v0;
	_ =	sdelay $0x1  }
0x37: {  	v3 =	vperm.xlane v3, v2;
	v4 =	vadd.s32 v1, v4;
	_ =	sdelay $0x1  }
0x38: {  	v3 =	vadd.s32 v1, v3;
	_ =	sdelay $0x2  }
0x39: {  	[tilespmem:s14], [sflag:$0x1] =	stream.indirect_vreg.gather [hbm4b:s1+s3], $0x80, v4, vm0, $0xb8;
	[tilespmem:$0x9100] =	vst v63  }
0x3a: {  	_ = 	snop  }
0x3b: {  	[tilespmem:s15], [sflag:$0x1] =	stream.indirect_vreg.gather [hbm4b:s1+s3], $0x80, v3, vm0, $0xb8;
	[tilespmem:$0x9100] =	vst v63  }
0x3c: {  	v3 =	vld.msk [tilespmem:$0x40], $0xff;
	_ =	sdelay $0x4  }
0x3d: {  	v58 =	vshll.u32 v3, $0x1  }
0x3e: {  	v3 =	vand.u32 $0x7, v3;
	v4 =	vand.u32 $0xFFFFFFF0, v58  }
0x3f: {  	v3 =	vor.u32 v3, v4  }
0x40: {  	v3 =	vperm.xlane v3, v0;
	_ =	sdelay $0x1  }
0x41: {  	v3 =	vadd.s32 v1, v3;
	_ =	sdelay $0x4  }
0x42: {  	[tilespmem:s16], [sflag:$0x1] =	stream.indirect_vreg.gather [hbm4b:s1+s3], $0x80, v3, vm0, $0xb8;
	[tilespmem:$0x9100] =	vst v63  }
0x43: {  	v3 =	vld [tilespmem:$0x48];
	_ =	sdelay $0x4  }
0x44: {  	v59 =	vshll.u32 v3, $0x1  }
0x45: {  	v3 =	vand.u32 $0x7, v3;
	v4 =	vand.u32 $0xFFFFFFF0, v59  }
0x46: {  	v3 =	vor.u32 v3, v4  }
0x47: {  	v4 =	vperm.xlane v3, v0;
	_ =	sdelay $0x1  }
0x48: {  	v3 =	vperm.xlane v3, v2;
	v4 =	vadd.s32 v1, v4;
	_ =	sdelay $0x1  }
0x49: {  	v3 =	vadd.s32 v1, v3;
	_ =	sdelay $0x2  }
0x4a: {  	[tilespmem:s17], [sflag:$0x1] =	stream.indirect_vreg.gather [hbm4b:s1+s3], $0x80, v4, vm0, $0xb8;
	[tilespmem:$0x9100] =	vst v63  }
0x4b: {  	_ = 	snop  }
0x4c: {  	[tilespmem:s18], [sflag:$0x1] =	stream.indirect_vreg.gather [hbm4b:s1+s3], $0x80, v3, vm0, $0xb8;
	[tilespmem:$0x9100] =	vst v63  }
0x4d: {  	v3 =	vld [tilespmem:$0x58];
	_ =	sdelay $0x4  }
0x4e: {  	v60 =	vshll.u32 v3, $0x1  }
0x4f: {  	v3 =	vand.u32 $0x7, v3;
	v4 =	vand.u32 $0xFFFFFFF0, v60  }
0x50: {  	v3 =	vor.u32 v3, v4  }
0x51: {  	v4 =	vperm.xlane v3, v0;
	_ =	sdelay $0x1  }
0x52: {  	v3 =	vperm.xlane v3, v2;
	v4 =	vadd.s32 v1, v4;
	_ =	sdelay $0x1  }
0x53: {  	v3 =	vadd.s32 v1, v3;
	_ =	sdelay $0x2  }
0x54: {  	[tilespmem:s19], [sflag:$0x1] =	stream.indirect_vreg.gather [hbm4b:s1+s3], $0x80, v4, vm0, $0xb8;
	[tilespmem:$0x9100] =	vst v63  }
0x55: {  	_ = 	snop  }
0x56: {  	[tilespmem:s20], [sflag:$0x1] =	stream.indirect_vreg.gather [hbm4b:s1+s3], $0x80, v3, vm0, $0xb8;
	[tilespmem:$0x9100] =	vst v63  }
0x57: {  	v3 =	vld [tilespmem:$0x68];
	_ =	sdelay $0x4  }
0x58: {  	v61 =	vshll.u32 v3, $0x1  }
0x59: {  	v3 =	vand.u32 $0x7, v3;
	v4 =	vand.u32 $0xFFFFFFF0, v61  }
0x5a: {  	v3 =	vor.u32 v3, v4  }
0x5b: {  	v4 =	vperm.xlane v3, v0;
	_ =	sdelay $0x1  }
0x5c: {  	v3 =	vperm.xlane v3, v2;
	v4 =	vadd.s32 v1, v4;
	_ =	sdelay $0x1  }
0x5d: {  	v3 =	vadd.s32 v1, v3;
	_ =	sdelay $0x2  }
0x5e: {  	[tilespmem:s21], [sflag:$0x1] =	stream.indirect_vreg.gather [hbm4b:s1+s3], $0x80, v4, vm0, $0xb8;
	[tilespmem:$0x9100] =	vst v63  }
0x5f: {  	_ = 	snop  }
0x60: {  	[tilespmem:s22], [sflag:$0x1] =	stream.indirect_vreg.gather [hbm4b:s1+s3], $0x80, v3, vm0, $0xb8;
	[tilespmem:$0x9100] =	vst v63  }
0x61: {  	v3 =	vld [tilespmem:$0x78];
	_ =	sdelay $0x4  }
0x62: {  	v62 =	vshll.u32 v3, $0x1  }
0x63: {  	v3 =	vand.u32 $0x7, v3;
	v4 =	vand.u32 $0xFFFFFFF0, v62  }
0x64: {  	v3 =	vor.u32 v3, v4  }
0x65: {  	v4 =	vperm.xlane v3, v0;
	_ =	sdelay $0x1  }
0x66: {  	v3 =	vperm.xlane v3, v2;
	v4 =	vadd.s32 v1, v4;
	_ =	sdelay $0x1  }
0x67: {  	v3 =	vadd.s32 v1, v3;
	_ =	sdelay $0x2  }
0x68: {  	[tilespmem:s23], [sflag:$0x1] =	stream.indirect_vreg.gather [hbm4b:s1+s3], $0x80, v4, vm0, $0xb8;
	[tilespmem:$0x9100] =	vst v63  }
0x69: {  	_ = 	snop  }
0x6a: {  	[tilespmem:s24], [sflag:$0x1] =	stream.indirect_vreg.gather [hbm4b:s1+s3], $0x80, v3, vm0, $0xb8;
	[tilespmem:$0x9100] =	vst v63  }
0x6b: {  	v3 =	vld.msk [tilespmem:$0x88], $0xff;
	_ =	sdelay $0x4  }
0x6c: {  	v63 =	vshll.u32 v3, $0x1  }
0x6d: {  	v3 =	vand.u32 $0x7, v3;
	v4 =	vand.u32 $0xFFFFFFF0, v63  }
0x6e: {  	v3 =	vor.u32 v3, v4  }
0x6f: {  	v3 =	vperm.xlane v3, v0;
	_ =	sdelay $0x1  }
0x70: {  	v3 =	vadd.s32 v1, v3;
	_ =	sdelay $0x4  }
0x71: {  	[tilespmem:s25], [sflag:$0x1] =	stream.indirect_vreg.gather [hbm4b:s1+s3], $0x80, v3, vm0, $0xb8;
	[tilespmem:$0x9100] =	vst v63  }
0x72: {  	_ =	swait.ge [sflag:s26], $0x4800  }
0x73: {  	[sflag:s26] =	ssyncset.done $0x0  }
0x74: {  	[sflag:s26] =	ssyncadd.s32 $0xFFFFB800  }
0x75: {  	_ =	swait.ge [sflag:s26], $0x4800  }
0x76: {  	p0 =	sne.s32 s6, $0x1;
	[sflag:s26] =	ssyncset.done $0x0  }
.Ltmp0:
0x77: {  	[sflag:s26] =	ssyncadd.s32 $0xFFFFB800;
	(pc) =	sbr.rel @p0 .LBB2_1-.Ltmp0, $4  }
0x78: {  	[hbm4b:s5+s3] =	stream.linear.scatter [tilespmem:s8], [sflag:$0x2], $0x9000, $0x38;
	[tilespmem:$0x9100] =	vst v63  }
0x79: {  	_ =	swait.ge [sflag:s7], $0x9000  }
0x7a: {  	[sflag:s7] =	ssyncset.done $0x0  }
0x7b: {  	s6 =	sadd.s32 $0xFFFFFFFF, s6;
	[sflag:s7] =	ssyncadd.s32 $0xFFFF7000  }
0x7c: {  	_ =	sfence.sel $0x180000  }
0x7d: {  	[bflag:$0x0] =	sbarrier.arrive $0xFFFF  }
0x7e: {  	p0 =	sne.s32 s0, $0x0;
	_ =	strace $0x9000004A  }
0x7f: {  	s0 =	sadd.s32 @!p0 $0x100000, s2;
	[bflag:$0x2] =	sbarrier.arrive $0xFFFF  }
0x80: {  	[sflag:s0] =	ssyncadd.tile.s32 @!p0 $0x1;
	_ =	shalt  }
.Lfunc_end2:
_tile_overlayer_lowered:
.L_overlay_start_2:
0x81: {  	(tag) =	ssettag $0x2  }
0x82: {  	s0 =	rddreg [dreg:$0x0];
	s2 =	stileid.u32  }
0x83: {  	s1 =	rddreg [dreg:$0x1];
	p0 =	sne.s32 s2, $0x0  }
0x84: {  	s3 =	rddreg [dreg:$0x2];
	[bflag:$0x3] =	sbarrier.arrive $0xFFFF;
	s2 =	simm.s32 @!p0 $0x1C02  }
0x85: {  	[timem:s3], [sflag:s2] =	dma.local @!p0 [hbm:s0], s1  }
0x86: {  	s0 =	simm.s32 @!p0 $0x2  }
0x87: {  	_ =	swait.ge @!p0 [sflag:s0], s1  }
0x88: {  	s1 =	ssub.s32 @!p0 $0x0, s1;
	[sflag:s0] =	ssyncset.done @!p0 $0x0  }
0x89: {  	[sflag:s0] =	ssyncadd.s32 @!p0 s1  }
0x8a: {  	[bflag:$0x3] =	sbarrier.arrive $0xFFFF  }
0x8b: {  	_ =	shalt  }

</sc_bundles>
